<compile_context>
chip_gen: v7x
topology: tpu7x:2x2x1
jax: 0.10.2.dev20260603
libtpu: 0.0.44.dev20260713+nightly
codegen_flags: <defaults>
</compile_context>

<pallas_src>
import functools

import jax
import jax.numpy as jnp
from jax import lax
from jax.experimental import pallas as pl
from jax.experimental.pallas import tpu as pltpu
from jax.experimental.pallas import tpu_sc as plsc

_N = 10000
_E = 320000
_NC = 2
_NS = 16
_B = 128
_NW = _NC * _NS
_CHUNKS = 2 * (-(-_E // (_NW * _B * 2)))
_TILE_E = _CHUNKS * _B
_PAD_E = _TILE_E * _NW
_ACC_N = 10112
_RPT = _ACC_N // _NS


def _mesh():
    return plsc.VectorSubcoreMesh(core_axis_name="c", subcore_axis_name="s")


def _degree(col_p):

    @functools.partial(
        pl.kernel,
        out_type=jax.ShapeDtypeStruct((_NC * _ACC_N, 16), jnp.float32),
        mesh=_mesh(),
        scratch_types=[
            pltpu.VMEM((_CHUNKS, _B), jnp.int32),
            pltpu.VMEM((_B, 16), jnp.float32),
            pltpu.VMEM_SHARED((_ACC_N, 16), jnp.float32),
        ],
    )
    def run(col_ref, out_ref, colb, vals, acc):
        cid = lax.axis_index("c")
        sid = lax.axis_index("s")
        wid = cid * _NS + sid

        def _fill(v):
            def body(i, _):
                vals[i] = jnp.full((16,), v, jnp.float32)
                return 0
            lax.fori_loop(0, _B, body, 0)

        _fill(0.0)
        r0 = sid * _RPT
        nfull, rem = _RPT // _B, _RPT % _B
        for t in range(nfull):
            pltpu.sync_copy(vals, acc.at[pl.ds(r0 + t * _B, _B)])
        if rem:
            pltpu.sync_copy(vals.at[pl.ds(0, rem)], acc.at[pl.ds(r0 + nfull * _B, rem)])
        _fill(1.0)
        pltpu.sync_copy(col_ref.at[wid], colb)
        plsc.subcore_barrier()

        def chunk(j, _):
            pltpu.sync_copy(vals, acc.at[colb.at[j]], add=True)
            return 0

        lax.fori_loop(0, _CHUNKS, chunk, 0)
        plsc.subcore_barrier()
        pltpu.sync_copy(acc.at[pl.ds(r0, _RPT)],
                        out_ref.at[pl.ds(cid * _ACC_N + r0, _RPT)])

    return run(col_p)


def _segsum(h, row3, col3, d):

    @functools.partial(
        pl.kernel,
        out_type=jax.ShapeDtypeStruct((_NC * _ACC_N, d), jnp.float32),
        mesh=_mesh(),
        scratch_types=[
            pltpu.VMEM((_CHUNKS // 2, _B), jnp.int32),
            pltpu.VMEM((_CHUNKS // 2, _B), jnp.int32),
            pltpu.VMEM((_B, d), jnp.float32),
            pltpu.VMEM((_B, d), jnp.float32),
            pltpu.VMEM_SHARED((_ACC_N, d), jnp.float32),
            pltpu.SemaphoreType.DMA,
            pltpu.SemaphoreType.DMA,
            pltpu.SemaphoreType.DMA,
            pltpu.SemaphoreType.DMA,
        ],
    )
    def run(h_ref, row_ref, col_ref, out_ref, rowb, colb, g0, g1, acc,
            s0, s1, c0, c1):
        cid = lax.axis_index("c")
        sid = lax.axis_index("s")
        wid = cid * _NS + sid
        half = _CHUNKS // 2

        def zrow(i, _):
            def zcol(k, _):
                g0[i, pl.ds(k * 16, 16)] = jnp.zeros((16,), jnp.float32)
                return 0
            return lax.fori_loop(0, d // 16, zcol, 0)

        lax.fori_loop(0, _B, zrow, 0)
        r0 = sid * _RPT
        nfull, rem = _RPT // _B, _RPT % _B
        for t in range(nfull):
            pltpu.sync_copy(g0, acc.at[pl.ds(r0 + t * _B, _B)])
        if rem:
            pltpu.sync_copy(g0.at[pl.ds(0, rem)], acc.at[pl.ds(r0 + nfull * _B, rem)])
        plsc.subcore_barrier()

        def g_start(j, buf, sem):
            pltpu.async_copy(h_ref.at[rowb.at[j]], buf, sem)

        def g_wait(buf, sem):
            pltpu.make_async_copy(h_ref.at[rowb.at[0]], buf, sem).wait()

        def scat(j, buf):
            pltpu.sync_copy(buf, acc.at[colb.at[j]], add=True)

        for p in range(2):
            pltpu.sync_copy(row_ref.at[wid, pl.ds(p * half, half)], rowb)
            pltpu.sync_copy(col_ref.at[wid, pl.ds(p * half, half)], colb)
            g_start(0, g0, s0)

            def body(jj, _):
                j0 = 2 * jj
                g_wait(g0, s0)
                g_start(j0 + 1, g1, s1)
                scat(j0, g0)
                g_wait(g1, s1)

                @pl.when(j0 + 2 < half)
                def _():
                    g_start(j0 + 2, g0, s0)

                scat(j0 + 1, g1)
                return 0

            lax.fori_loop(0, half // 2, body, 0)
        plsc.subcore_barrier()
        pltpu.sync_copy(acc.at[pl.ds(r0, _RPT)],
                        out_ref.at[pl.ds(cid * _ACC_N + r0, _RPT)])

    return run(h, row3, col3)


def _tc_matmul(x, w):

    def body(x_ref, w_ref, h_ref):
        h_ref[...] = jnp.dot(x_ref[...], w_ref[...],
                             preferred_element_type=jnp.float32)

    return pl.pallas_call(
        body,
        out_shape=jax.ShapeDtypeStruct((_N, w.shape[1]), jnp.float32),
    )(x, w)


def _tc_first(h1, dp):

    def body(h1_ref, dp_ref, dis_ref, h_ref):
        deg = dp_ref[0:_N, 0:1] + dp_ref[_ACC_N:_ACC_N + _N, 0:1] + 1.0
        dis = lax.rsqrt(deg)
        dis_ref[...] = dis
        h_ref[...] = h1_ref[...] * dis

    return pl.pallas_call(
        body,
        out_shape=(jax.ShapeDtypeStruct((_N, 1), jnp.float32),
                   jax.ShapeDtypeStruct((_N, h1.shape[1]), jnp.float32)),
    )(h1, dp)


def _tc_mid(s, hs, dis, b, w):

    def body(s_ref, hs_ref, dis_ref, b_ref, w_ref, out_ref):
        tot = s_ref[0:_N] + s_ref[_ACC_N:_ACC_N + _N] + hs_ref[...]
        z = jnp.maximum(dis_ref[...] * tot + b_ref[...], 0.0)
        out_ref[...] = jnp.dot(z, w_ref[...],
                               preferred_element_type=jnp.float32) * dis_ref[...]

    return pl.pallas_call(
        body,
        out_shape=jax.ShapeDtypeStruct((_N, w.shape[1]), jnp.float32),
    )(s, hs, dis, b.reshape(1, -1), w)


def _tc_final(s, hs, dis, b):
    def body(s_ref, hs_ref, dis_ref, b_ref, out_ref):
        tot = s_ref[0:_N] + s_ref[_ACC_N:_ACC_N + _N] + hs_ref[...]
        out_ref[...] = dis_ref[...] * tot + b_ref[...]

    return pl.pallas_call(
        body,
        out_shape=jax.ShapeDtypeStruct((_N, hs.shape[1]), jnp.float32),
    )(s, hs, dis, b.reshape(1, -1))


def kernel(x, edge_index, W1, b1, W2, b2, W3, b3):
    npad = _PAD_E - _E
    pad_rc = jnp.stack([
        (jnp.arange(npad, dtype=jnp.int32) * 97) % _N,
        _N + jnp.arange(npad, dtype=jnp.int32) % (_ACC_N - _N),
    ])
    ei = jnp.concatenate([edge_index.astype(jnp.int32), pad_rc], axis=1)
    ei = ei.reshape(2, _NW, _CHUNKS, _B)
    row_p = ei[0]
    col_p = ei[1]

    w1p = jnp.pad(W1, ((0, 0), (0, 128 - W1.shape[1])))
    w2p = jnp.pad(W2, ((0, 128 - W2.shape[0]), (0, 0)))
    b1p = jnp.pad(b1, (0, 128 - b1.shape[0]))

    h1 = _tc_matmul(x, w1p)
    dp = _degree(col_p)
    dis, h1s = _tc_first(h1, dp)
    s1 = _segsum(h1s, row_p, col_p, 128)
    h2s = _tc_mid(s1, h1s, dis, b1p, w2p)
    s2 = _segsum(h2s, row_p, col_p, W2.shape[1])
    h3s = _tc_mid(s2, h2s, dis, b2, W3)
    s3 = _segsum(h3s, row_p, col_p, W3.shape[1])
    return _tc_final(s3, h3s, dis, b3)

# --- scband reference (transcript-rebuilt; emitter-appended) ---
"""Pipeline reference for scband-equivariant-graph-nn-77163382440130 (READ-ONLY COPY).

The authoritative reference and input builder live on the scoring server;
editing this copy changes nothing except your own understanding.
"""

import jax, jax.numpy as jnp
import numpy as np

N_NODES = 10000
N_EDGES = 320000
D_IN = 128
D_H1 = 64
D_H2 = 128
D_OUT = 128


def setup_inputs(seed: int = 0) -> dict:
    key = jax.random.key(seed)
    ks = jax.random.split(key, 8)
    x = jax.random.normal(ks[0], (N_NODES, D_IN), dtype=jnp.float32)
    edge_index = jax.random.randint(ks[1], (2, N_EDGES), 0, N_NODES, dtype=jnp.int64)
    W1 = jax.random.normal(ks[2], (D_IN, D_H1), dtype=jnp.float32) * (1.0 / np.sqrt(D_IN))
    b1 = jnp.zeros((D_H1,), dtype=jnp.float32)
    W2 = jax.random.normal(ks[3], (D_H1, D_H2), dtype=jnp.float32) * (1.0 / np.sqrt(D_H1))
    b2 = jnp.zeros((D_H2,), dtype=jnp.float32)
    W3 = jax.random.normal(ks[4], (D_H2, D_OUT), dtype=jnp.float32) * (1.0 / np.sqrt(D_H2))
    b3 = jnp.zeros((D_OUT,), dtype=jnp.float32)
    return {"x": x, "edge_index": edge_index, "W1": W1, "b1": b1, "W2": W2, "b2": b2, "W3": W3, "b3": b3}


def gcn_conv(x, edge_index, W, b):
    # Faithful PyG-style GCNConv: x' = D^{-1/2} (A + I) D^{-1/2} (X W) + b
    n = x.shape[0]
    h = x @ W
    loops = jnp.arange(n, dtype=edge_index.dtype)
    row = jnp.concatenate([edge_index[0], loops])  # source
    col = jnp.concatenate([edge_index[1], loops])  # destination
    deg = jnp.zeros((n,), dtype=h.dtype).at[col].add(1.0)
    deg_inv_sqrt = jnp.where(deg > 0, jax.lax.rsqrt(jnp.maximum(deg, 1e-12)), 0.0)
    norm = deg_inv_sqrt[row] * deg_inv_sqrt[col]
    msgs = h[row] * norm[:, None]
    out = jnp.zeros((n, h.shape[1]), dtype=h.dtype).at[col].add(msgs)
    return out + b


def reference(x, edge_index, W1, b1, W2, b2, W3, b3):
    h = jax.nn.relu(gcn_conv(x, edge_index, W1, b1))
    h = jax.nn.relu(gcn_conv(h, edge_index, W2, b2))
    out = gcn_conv(h, edge_index, W3, b3)
    return out

if __name__ == "__main__":
    import jax
    _d = setup_inputs()
    print(jax.jit(kernel)(*tuple(_d.values())))

</pallas_src>

<mosaic_0001>
#map = affine_map<(d0, d1) -> (0, 0, 0)>
#map1 = affine_map<(d0, d1) -> (0, 0)>
module attributes {stable_mosaic.version = 14 : i64} {
  func.func @run(%arg0: i32, %arg1: i32, %arg2: memref<32x80x128xi32, #tpu.memory_space<hbm>>, %arg3: memref<20224x16xf32, #tpu.memory_space<hbm>>, %arg4: memref<80x128xi32, #tpu.memory_space<vmem>>, %arg5: memref<128x16xf32, #tpu.memory_space<vmem>>, %arg6: memref<10112x16xf32, #tpu.memory_space<vmem_shared>>) attributes {dimension_semantics = [#tpu.dimension_semantics<core_parallel>, #tpu.dimension_semantics<subcore_parallel>], iteration_bounds = array<i64: 2, 16>, scalar_prefetch = 0 : i64, scratch_operands = 3 : i64, tpu.core_type = #tpu.core_type<sc_vector_subcore>, window_params = [{transform_indices = #map}, {transform_indices = #map1}]} {
    %mul3A = arith.constant 16 : i32
    %mul3A_0 = arith.muli %arg0, %mul3A : i32
    %add3A = arith.addi %mul3A_0, %arg1 : i32
    %scan3A = arith.constant 0 : i32
    %scan3A_1 = arith.constant 0 : i32
    %scan3A_2 = arith.constant 128 : i32
    %scan3A_3 = arith.addi %scan3A_1, %scan3A_2 : i32
    %scan3A_4 = arith.constant 1 : i32
    %scan3A_5 = scf.for %scan3A_37 = %scan3A_1 to %scan3A_3 step %scan3A_4 iter_args(%scan3A_38 = %scan3A) -> (i32)  : i32 {
      %broadcast_in_dim3A = arith.constant 0.000000e+00 : f32
      %broadcast_in_dim3A_39 = vector.broadcast %broadcast_in_dim3A : f32 to vector<16xf32>
      %swap3A = arith.index_cast %scan3A_37 : i32 to index
      %swap3A_40 = arith.constant 0 : index
      %swap3A_41 = tpu.vector_load %arg5[%swap3A, %swap3A_40] {strides = array<i32>} : memref<128x16xf32, #tpu.memory_space<vmem>>, vector<1x16xf32>,
      %swap3A_42 = vector.shape_cast %swap3A_41 : vector<1x16xf32> to vector<16xf32>
      %swap3A_43 = vector.shape_cast %broadcast_in_dim3A_39 : vector<16xf32> to vector<1x16xf32>
      tpu.vector_store %arg5[%swap3A, %swap3A_40], %swap3A_43 {strides = array<i32>} : memref<128x16xf32, #tpu.memory_space<vmem>>, vector<1x16xf32>,
      %scan3A_44 = arith.constant 0 : i32
      scf.yield %scan3A_44 : i32
    }
    %scan3A_6 = arith.constant 128 : i32
    %mul3A_7 = arith.constant 632 : i32
    %mul3A_8 = arith.muli %arg1, %mul3A_7 : i32
    %add3A_9 = arith.constant 0 : i32
    %add3A_10 = arith.addi %mul3A_8, %add3A_9 : i32
    "tpu.region"() ({
      %run_scoped3A = tpu.sem_alloc : memref<!tpu.dma_semaphore, #tpu.memory_space<semaphore_mem>>
      %dma_start3A = arith.constant 0 : i32
      %dma_start3A_37 = tpu.memref_slice %arg6[%add3A_10, %dma_start3A] : memref<10112x16xf32, #tpu.memory_space<vmem_shared>> -> memref<128x16xf32, #tpu.memory_space<vmem_shared>>
      %dma_start3A_38 = arith.constant 0 : i32
      %dma_start3A_39 = tpu.memref_slice %arg6[%add3A_10, %dma_start3A_38] : memref<10112x16xf32, #tpu.memory_space<vmem_shared>> -> memref<128x16xf32, #tpu.memory_space<vmem_shared>>
      tpu.enqueue_dma source(%arg5 : memref<128x16xf32, #tpu.memory_space<vmem>>) target(%dma_start3A_39 : memref<128x16xf32, #tpu.memory_space<vmem_shared>>) target_semaphore(%run_scoped3A : memref<!tpu.dma_semaphore, #tpu.memory_space<semaphore_mem>>)
      %dma_wait3A = arith.constant 0 : i32
      %dma_wait3A_40 = tpu.memref_slice %arg6[%add3A_10, %dma_wait3A] : memref<10112x16xf32, #tpu.memory_space<vmem_shared>> -> memref<128x16xf32, #tpu.memory_space<vmem_shared>>
      %dma_wait3A_41 = arith.constant 0 : i32
      %dma_wait3A_42 = tpu.memref_slice %arg6[%add3A_10, %dma_wait3A_41] : memref<10112x16xf32, #tpu.memory_space<vmem_shared>> -> memref<128x16xf32, #tpu.memory_space<vmem_shared>>
      tpu.wait_dma2 semaphore(%run_scoped3A : memref<!tpu.dma_semaphore, #tpu.memory_space<semaphore_mem>>) src(%arg5 : memref<128x16xf32, #tpu.memory_space<vmem>>) dst(%dma_wait3A_42 : memref<128x16xf32, #tpu.memory_space<vmem_shared>>)
      tpu.yield
    }) : () -> ()
    %add3A_11 = arith.constant 128 : i32
    %add3A_12 = arith.addi %mul3A_8, %add3A_11 : i32
    "tpu.region"() ({
      %run_scoped3A = tpu.sem_alloc : memref<!tpu.dma_semaphore, #tpu.memory_space<semaphore_mem>>
      %dma_start3A = arith.constant 0 : i32
      %dma_start3A_37 = tpu.memref_slice %arg6[%add3A_12, %dma_start3A] : memref<10112x16xf32, #tpu.memory_space<vmem_shared>> -> memref<128x16xf32, #tpu.memory_space<vmem_shared>>
      %dma_start3A_38 = arith.constant 0 : i32
      %dma_start3A_39 = tpu.memref_slice %arg6[%add3A_12, %dma_start3A_38] : memref<10112x16xf32, #tpu.memory_space<vmem_shared>> -> memref<128x16xf32, #tpu.memory_space<vmem_shared>>
      tpu.enqueue_dma source(%arg5 : memref<128x16xf32, #tpu.memory_space<vmem>>) target(%dma_start3A_39 : memref<128x16xf32, #tpu.memory_space<vmem_shared>>) target_semaphore(%run_scoped3A : memref<!tpu.dma_semaphore, #tpu.memory_space<semaphore_mem>>)
      %dma_wait3A = arith.constant 0 : i32
      %dma_wait3A_40 = tpu.memref_slice %arg6[%add3A_12, %dma_wait3A] : memref<10112x16xf32, #tpu.memory_space<vmem_shared>> -> memref<128x16xf32, #tpu.memory_space<vmem_shared>>
      %dma_wait3A_41 = arith.constant 0 : i32
      %dma_wait3A_42 = tpu.memref_slice %arg6[%add3A_12, %dma_wait3A_41] : memref<10112x16xf32, #tpu.memory_space<vmem_shared>> -> memref<128x16xf32, #tpu.memory_space<vmem_shared>>
      tpu.wait_dma2 semaphore(%run_scoped3A : memref<!tpu.dma_semaphore, #tpu.memory_space<semaphore_mem>>) src(%arg5 : memref<128x16xf32, #tpu.memory_space<vmem>>) dst(%dma_wait3A_42 : memref<128x16xf32, #tpu.memory_space<vmem_shared>>)
      tpu.yield
    }) : () -> ()
    %add3A_13 = arith.constant 256 : i32
    %add3A_14 = arith.addi %mul3A_8, %add3A_13 : i32
    "tpu.region"() ({
      %run_scoped3A = tpu.sem_alloc : memref<!tpu.dma_semaphore, #tpu.memory_space<semaphore_mem>>
      %dma_start3A = arith.constant 0 : i32
      %dma_start3A_37 = tpu.memref_slice %arg6[%add3A_14, %dma_start3A] : memref<10112x16xf32, #tpu.memory_space<vmem_shared>> -> memref<128x16xf32, #tpu.memory_space<vmem_shared>>
      %dma_start3A_38 = arith.constant 0 : i32
      %dma_start3A_39 = tpu.memref_slice %arg6[%add3A_14, %dma_start3A_38] : memref<10112x16xf32, #tpu.memory_space<vmem_shared>> -> memref<128x16xf32, #tpu.memory_space<vmem_shared>>
      tpu.enqueue_dma source(%arg5 : memref<128x16xf32, #tpu.memory_space<vmem>>) target(%dma_start3A_39 : memref<128x16xf32, #tpu.memory_space<vmem_shared>>) target_semaphore(%run_scoped3A : memref<!tpu.dma_semaphore, #tpu.memory_space<semaphore_mem>>)
      %dma_wait3A = arith.constant 0 : i32
      %dma_wait3A_40 = tpu.memref_slice %arg6[%add3A_14, %dma_wait3A] : memref<10112x16xf32, #tpu.memory_space<vmem_shared>> -> memref<128x16xf32, #tpu.memory_space<vmem_shared>>
      %dma_wait3A_41 = arith.constant 0 : i32
      %dma_wait3A_42 = tpu.memref_slice %arg6[%add3A_14, %dma_wait3A_41] : memref<10112x16xf32, #tpu.memory_space<vmem_shared>> -> memref<128x16xf32, #tpu.memory_space<vmem_shared>>
      tpu.wait_dma2 semaphore(%run_scoped3A : memref<!tpu.dma_semaphore, #tpu.memory_space<semaphore_mem>>) src(%arg5 : memref<128x16xf32, #tpu.memory_space<vmem>>) dst(%dma_wait3A_42 : memref<128x16xf32, #tpu.memory_space<vmem_shared>>)
      tpu.yield
    }) : () -> ()
    %add3A_15 = arith.constant 384 : i32
    %add3A_16 = arith.addi %mul3A_8, %add3A_15 : i32
    "tpu.region"() ({
      %run_scoped3A = tpu.sem_alloc : memref<!tpu.dma_semaphore, #tpu.memory_space<semaphore_mem>>
      %dma_start3A = arith.constant 0 : i32
      %dma_start3A_37 = tpu.memref_slice %arg6[%add3A_16, %dma_start3A] : memref<10112x16xf32, #tpu.memory_space<vmem_shared>> -> memref<128x16xf32, #tpu.memory_space<vmem_shared>>
      %dma_start3A_38 = arith.constant 0 : i32
      %dma_start3A_39 = tpu.memref_slice %arg6[%add3A_16, %dma_start3A_38] : memref<10112x16xf32, #tpu.memory_space<vmem_shared>> -> memref<128x16xf32, #tpu.memory_space<vmem_shared>>
      tpu.enqueue_dma source(%arg5 : memref<128x16xf32, #tpu.memory_space<vmem>>) target(%dma_start3A_39 : memref<128x16xf32, #tpu.memory_space<vmem_shared>>) target_semaphore(%run_scoped3A : memref<!tpu.dma_semaphore, #tpu.memory_space<semaphore_mem>>)
      %dma_wait3A = arith.constant 0 : i32
      %dma_wait3A_40 = tpu.memref_slice %arg6[%add3A_16, %dma_wait3A] : memref<10112x16xf32, #tpu.memory_space<vmem_shared>> -> memref<128x16xf32, #tpu.memory_space<vmem_shared>>
      %dma_wait3A_41 = arith.constant 0 : i32
      %dma_wait3A_42 = tpu.memref_slice %arg6[%add3A_16, %dma_wait3A_41] : memref<10112x16xf32, #tpu.memory_space<vmem_shared>> -> memref<128x16xf32, #tpu.memory_space<vmem_shared>>
      tpu.wait_dma2 semaphore(%run_scoped3A : memref<!tpu.dma_semaphore, #tpu.memory_space<semaphore_mem>>) src(%arg5 : memref<128x16xf32, #tpu.memory_space<vmem>>) dst(%dma_wait3A_42 : memref<128x16xf32, #tpu.memory_space<vmem_shared>>)
      tpu.yield
    }) : () -> ()
    %add3A_17 = arith.constant 512 : i32
    %add3A_18 = arith.addi %mul3A_8, %add3A_17 : i32
    "tpu.region"() ({
      %run_scoped3A = tpu.sem_alloc : memref<!tpu.dma_semaphore, #tpu.memory_space<semaphore_mem>>
      %dma_start3A = arith.constant 0 : i32
      %dma_start3A_37 = arith.constant 0 : i32
      %dma_start3A_38 = tpu.memref_slice %arg5[%dma_start3A, %dma_start3A_37] : memref<128x16xf32, #tpu.memory_space<vmem>> -> memref<120x16xf32, #tpu.memory_space<vmem>>
      %dma_start3A_39 = arith.constant 0 : i32
      %dma_start3A_40 = tpu.memref_slice %arg6[%add3A_18, %dma_start3A_39] : memref<10112x16xf32, #tpu.memory_space<vmem_shared>> -> memref<120x16xf32, #tpu.memory_space<vmem_shared>>
      %dma_start3A_41 = arith.constant 0 : i32
      %dma_start3A_42 = tpu.memref_slice %arg6[%add3A_18, %dma_start3A_41] : memref<10112x16xf32, #tpu.memory_space<vmem_shared>> -> memref<120x16xf32, #tpu.memory_space<vmem_shared>>
      %dma_start3A_43 = arith.constant 0 : i32
      %dma_start3A_44 = arith.constant 0 : i32
      %dma_start3A_45 = tpu.memref_slice %arg5[%dma_start3A_43, %dma_start3A_44] : memref<128x16xf32, #tpu.memory_space<vmem>> -> memref<120x16xf32, #tpu.memory_space<vmem>>
      tpu.enqueue_dma source(%dma_start3A_45 : memref<120x16xf32, #tpu.memory_space<vmem>>) target(%dma_start3A_42 : memref<120x16xf32, #tpu.memory_space<vmem_shared>>) target_semaphore(%run_scoped3A : memref<!tpu.dma_semaphore, #tpu.memory_space<semaphore_mem>>)
      %dma_wait3A = arith.constant 0 : i32
      %dma_wait3A_46 = arith.constant 0 : i32
      %dma_wait3A_47 = tpu.memref_slice %arg5[%dma_wait3A, %dma_wait3A_46] : memref<128x16xf32, #tpu.memory_space<vmem>> -> memref<120x16xf32, #tpu.memory_space<vmem>>
      %dma_wait3A_48 = arith.constant 0 : i32
      %dma_wait3A_49 = tpu.memref_slice %arg6[%add3A_18, %dma_wait3A_48] : memref<10112x16xf32, #tpu.memory_space<vmem_shared>> -> memref<120x16xf32, #tpu.memory_space<vmem_shared>>
      %dma_wait3A_50 = arith.constant 0 : i32
      %dma_wait3A_51 = tpu.memref_slice %arg6[%add3A_18, %dma_wait3A_50] : memref<10112x16xf32, #tpu.memory_space<vmem_shared>> -> memref<120x16xf32, #tpu.memory_space<vmem_shared>>
      %dma_wait3A_52 = arith.constant 0 : i32
      %dma_wait3A_53 = arith.constant 0 : i32
      %dma_wait3A_54 = tpu.memref_slice %arg5[%dma_wait3A_52, %dma_wait3A_53] : memref<128x16xf32, #tpu.memory_space<vmem>> -> memref<120x16xf32, #tpu.memory_space<vmem>>
      tpu.wait_dma2 semaphore(%run_scoped3A : memref<!tpu.dma_semaphore, #tpu.memory_space<semaphore_mem>>) src(%dma_wait3A_54 : memref<120x16xf32, #tpu.memory_space<vmem>>) dst(%dma_wait3A_51 : memref<120x16xf32, #tpu.memory_space<vmem_shared>>)
      tpu.yield
    }) : () -> ()
    %scan3A_19 = arith.constant 0 : i32
    %scan3A_20 = arith.constant 0 : i32
    %scan3A_21 = arith.constant 128 : i32
    %scan3A_22 = arith.addi %scan3A_20, %scan3A_21 : i32
    %scan3A_23 = arith.constant 1 : i32
    %scan3A_24 = scf.for %scan3A_37 = %scan3A_20 to %scan3A_22 step %scan3A_23 iter_args(%scan3A_38 = %scan3A_19) -> (i32)  : i32 {
      %broadcast_in_dim3A = arith.constant 1.000000e+00 : f32
      %broadcast_in_dim3A_39 = vector.broadcast %broadcast_in_dim3A : f32 to vector<16xf32>
      %swap3A = arith.index_cast %scan3A_37 : i32 to index
      %swap3A_40 = arith.constant 0 : index
      %swap3A_41 = tpu.vector_load %arg5[%swap3A, %swap3A_40] {strides = array<i32>} : memref<128x16xf32, #tpu.memory_space<vmem>>, vector<1x16xf32>,
      %swap3A_42 = vector.shape_cast %swap3A_41 : vector<1x16xf32> to vector<16xf32>
      %swap3A_43 = vector.shape_cast %broadcast_in_dim3A_39 : vector<16xf32> to vector<1x16xf32>
      tpu.vector_store %arg5[%swap3A, %swap3A_40], %swap3A_43 {strides = array<i32>} : memref<128x16xf32, #tpu.memory_space<vmem>>, vector<1x16xf32>,
      %scan3A_44 = arith.constant 0 : i32
      scf.yield %scan3A_44 : i32
    }
    %scan3A_25 = arith.constant 128 : i32
    "tpu.region"() ({
      %run_scoped3A = tpu.sem_alloc : memref<!tpu.dma_semaphore, #tpu.memory_space<semaphore_mem>>
      %dma_start3A = arith.constant 0 : i32
      %dma_start3A_37 = arith.constant 0 : i32
      %dma_start3A_38 = tpu.memref_slice %arg2[%add3A, %dma_start3A, %dma_start3A_37] : memref<32x80x128xi32, #tpu.memory_space<hbm>> -> memref<1x80x128xi32, #tpu.memory_space<hbm>>
      %dma_start3A_39 = tpu.memref_squeeze %dma_start3A_38 : memref<1x80x128xi32, #tpu.memory_space<hbm>> -> memref<80x128xi32, #tpu.memory_space<hbm>>
      %dma_start3A_40 = arith.constant 0 : i32
      %dma_start3A_41 = arith.constant 0 : i32
      %dma_start3A_42 = tpu.memref_slice %arg2[%add3A, %dma_start3A_40, %dma_start3A_41] : memref<32x80x128xi32, #tpu.memory_space<hbm>> -> memref<1x80x128xi32, #tpu.memory_space<hbm>>
      %dma_start3A_43 = tpu.memref_squeeze %dma_start3A_42 : memref<1x80x128xi32, #tpu.memory_space<hbm>> -> memref<80x128xi32, #tpu.memory_space<hbm>>
      tpu.enqueue_dma source(%dma_start3A_43 : memref<80x128xi32, #tpu.memory_space<hbm>>) target(%arg4 : memref<80x128xi32, #tpu.memory_space<vmem>>) target_semaphore(%run_scoped3A : memref<!tpu.dma_semaphore, #tpu.memory_space<semaphore_mem>>)
      %dma_wait3A = arith.constant 0 : i32
      %dma_wait3A_44 = arith.constant 0 : i32
      %dma_wait3A_45 = tpu.memref_slice %arg2[%add3A, %dma_wait3A, %dma_wait3A_44] : memref<32x80x128xi32, #tpu.memory_space<hbm>> -> memref<1x80x128xi32, #tpu.memory_space<hbm>>
      %dma_wait3A_46 = tpu.memref_squeeze %dma_wait3A_45 : memref<1x80x128xi32, #tpu.memory_space<hbm>> -> memref<80x128xi32, #tpu.memory_space<hbm>>
      %dma_wait3A_47 = arith.constant 0 : i32
      %dma_wait3A_48 = arith.constant 0 : i32
      %dma_wait3A_49 = tpu.memref_slice %arg2[%add3A, %dma_wait3A_47, %dma_wait3A_48] : memref<32x80x128xi32, #tpu.memory_space<hbm>> -> memref<1x80x128xi32, #tpu.memory_space<hbm>>
      %dma_wait3A_50 = tpu.memref_squeeze %dma_wait3A_49 : memref<1x80x128xi32, #tpu.memory_space<hbm>> -> memref<80x128xi32, #tpu.memory_space<hbm>>
      tpu.wait_dma2 semaphore(%run_scoped3A : memref<!tpu.dma_semaphore, #tpu.memory_space<semaphore_mem>>) src(%dma_wait3A_50 : memref<80x128xi32, #tpu.memory_space<hbm>>) dst(%arg4 : memref<80x128xi32, #tpu.memory_space<vmem>>)
      tpu.yield
    }) : () -> ()
    %barrier3A = arith.constant 0 : index
    tpu.barrier barrier_id(%barrier3A)
    %scan3A_26 = arith.constant 0 : i32
    %scan3A_27 = arith.constant 0 : i32
    %scan3A_28 = arith.constant 80 : i32
    %scan3A_29 = arith.addi %scan3A_27, %scan3A_28 : i32
    %scan3A_30 = arith.constant 1 : i32
    %scan3A_31 = scf.for %scan3A_37 = %scan3A_27 to %scan3A_29 step %scan3A_30 iter_args(%scan3A_38 = %scan3A_26) -> (i32)  : i32 {
      "tpu.region"() ({
        %run_scoped3A = tpu.sem_alloc : memref<!tpu.dma_semaphore, #tpu.memory_space<semaphore_mem>>
        %dma_start3A = arith.constant 0 : i32
        %dma_start3A_40 = tpu.memref_slice %arg4[%scan3A_37, %dma_start3A] : memref<80x128xi32, #tpu.memory_space<vmem>> -> memref<1x128xi32, #tpu.memory_space<vmem>>
        %dma_start3A_41 = tpu.memref_squeeze %dma_start3A_40 : memref<1x128xi32, #tpu.memory_space<vmem>> -> memref<128xi32, #tpu.memory_space<vmem>>
        %dma_start3A_42 = arith.constant 0 : i32
        %dma_start3A_43 = arith.constant 0 : i32
        %dma_start3A_44 = tpu.memref_slice %arg6[%dma_start3A_42, %dma_start3A_43] : memref<10112x16xf32, #tpu.memory_space<vmem_shared>> -> memref<10112x16xf32, #tpu.memory_space<vmem_shared>>
        tpu.enqueue_indirect_dma source(%arg5 : memref<128x16xf32, #tpu.memory_space<vmem>>) target(%dma_start3A_44 : memref<10112x16xf32, #tpu.memory_space<vmem_shared>>) offsets(%dma_start3A_41 : memref<128xi32, #tpu.memory_space<vmem>>) semaphore(%run_scoped3A : memref<!tpu.dma_semaphore, #tpu.memory_space<semaphore_mem>>) {add = true}
        %dma_wait3A = arith.constant 0 : i32
        %dma_wait3A_45 = tpu.memref_slice %arg4[%scan3A_37, %dma_wait3A] : memref<80x128xi32, #tpu.memory_space<vmem>> -> memref<1x128xi32, #tpu.memory_space<vmem>>
        %dma_wait3A_46 = tpu.memref_squeeze %dma_wait3A_45 : memref<1x128xi32, #tpu.memory_space<vmem>> -> memref<128xi32, #tpu.memory_space<vmem>>
        %dma_wait3A_47 = arith.constant 0 : i32
        %dma_wait3A_48 = arith.constant 0 : i32
        %dma_wait3A_49 = tpu.memref_slice %arg6[%dma_wait3A_47, %dma_wait3A_48] : memref<10112x16xf32, #tpu.memory_space<vmem_shared>> -> memref<10112x16xf32, #tpu.memory_space<vmem_shared>>
        tpu.wait_indirect_dma semaphore(%run_scoped3A : memref<!tpu.dma_semaphore, #tpu.memory_space<semaphore_mem>>) src(%arg5 : memref<128x16xf32, #tpu.memory_space<vmem>>) dst(%dma_wait3A_49 : memref<10112x16xf32, #tpu.memory_space<vmem_shared>>)
        tpu.yield
      }) : () -> ()
      %scan3A_39 = arith.constant 0 : i32
      scf.yield %scan3A_39 : i32
    }
    %scan3A_32 = arith.constant 80 : i32
    %barrier3A_33 = arith.constant 0 : index
    tpu.barrier barrier_id(%barrier3A_33)
    %mul3A_34 = arith.constant 10112 : i32
    %mul3A_35 = arith.muli %arg0, %mul3A_34 : i32
    %add3A_36 = arith.addi %mul3A_35, %mul3A_8 : i32
    "tpu.region"() ({
      %run_scoped3A = tpu.sem_alloc : memref<!tpu.dma_semaphore, #tpu.memory_space<semaphore_mem>>
      %dma_start3A = arith.constant 0 : i32
      %dma_start3A_37 = tpu.memref_slice %arg3[%add3A_36, %dma_start3A] : memref<20224x16xf32, #tpu.memory_space<hbm>> -> memref<632x16xf32, #tpu.memory_space<hbm>>
      %dma_start3A_38 = arith.constant 0 : i32
      %dma_start3A_39 = tpu.memref_slice %arg6[%mul3A_8, %dma_start3A_38] : memref<10112x16xf32, #tpu.memory_space<vmem_shared>> -> memref<632x16xf32, #tpu.memory_space<vmem_shared>>
      tpu.enqueue_dma source(%dma_start3A_39 : memref<632x16xf32, #tpu.memory_space<vmem_shared>>) target(%dma_start3A_37 : memref<632x16xf32, #tpu.memory_space<hbm>>) target_semaphore(%run_scoped3A : memref<!tpu.dma_semaphore, #tpu.memory_space<semaphore_mem>>)
      %dma_wait3A = arith.constant 0 : i32
      %dma_wait3A_40 = tpu.memref_slice %arg3[%add3A_36, %dma_wait3A] : memref<20224x16xf32, #tpu.memory_space<hbm>> -> memref<632x16xf32, #tpu.memory_space<hbm>>
      %dma_wait3A_41 = arith.constant 0 : i32
      %dma_wait3A_42 = tpu.memref_slice %arg6[%mul3A_8, %dma_wait3A_41] : memref<10112x16xf32, #tpu.memory_space<vmem_shared>> -> memref<632x16xf32, #tpu.memory_space<vmem_shared>>
      tpu.wait_dma2 semaphore(%run_scoped3A : memref<!tpu.dma_semaphore, #tpu.memory_space<semaphore_mem>>) src(%dma_wait3A_42 : memref<632x16xf32, #tpu.memory_space<vmem_shared>>) dst(%dma_wait3A_40 : memref<632x16xf32, #tpu.memory_space<hbm>>)
      tpu.yield
    }) : () -> ()
    return
  }
}

#map = affine_map<(d0, d1) -> (0, 0)>
#map1 = affine_map<(d0, d1) -> (0, 0, 0)>
module attributes {stable_mosaic.version = 14 : i64} {
  func.func @run(%arg0: i32, %arg1: i32, %arg2: memref<10000x128xf32, #tpu.memory_space<hbm>>, %arg3: memref<32x80x128xi32, #tpu.memory_space<hbm>>, %arg4: memref<32x80x128xi32, #tpu.memory_space<hbm>>, %arg5: memref<20224x128xf32, #tpu.memory_space<hbm>>, %arg6: memref<40x128xi32, #tpu.memory_space<vmem>>, %arg7: memref<40x128xi32, #tpu.memory_space<vmem>>, %arg8: memref<128x128xf32, #tpu.memory_space<vmem>>, %arg9: memref<128x128xf32, #tpu.memory_space<vmem>>, %arg10: memref<10112x128xf32, #tpu.memory_space<vmem_shared>>, %arg11: memref<!tpu.dma_semaphore, #tpu.memory_space<semaphore_mem>>, %arg12: memref<!tpu.dma_semaphore, #tpu.memory_space<semaphore_mem>>, %arg13: memref<!tpu.dma_semaphore, #tpu.memory_space<semaphore_mem>>, %arg14: memref<!tpu.dma_semaphore, #tpu.memory_space<semaphore_mem>>) attributes {dimension_semantics = [#tpu.dimension_semantics<core_parallel>, #tpu.dimension_semantics<subcore_parallel>], iteration_bounds = array<i64: 2, 16>, scalar_prefetch = 0 : i64, scratch_operands = 9 : i64, tpu.core_type = #tpu.core_type<sc_vector_subcore>, window_params = [{transform_indices = #map}, {transform_indices = #map1}, {transform_indices = #map1}, {transform_indices = #map}]} {
    %mul3A = arith.constant 16 : i32
    %mul3A_0 = arith.muli %arg0, %mul3A : i32
    %add3A = arith.addi %mul3A_0, %arg1 : i32
    %scan3A = arith.constant 0 : i32
    %scan3A_1 = arith.constant 0 : i32
    %scan3A_2 = arith.constant 128 : i32
    %scan3A_3 = arith.addi %scan3A_1, %scan3A_2 : i32
    %scan3A_4 = arith.constant 1 : i32
    %scan3A_5 = scf.for %scan3A_50 = %scan3A_1 to %scan3A_3 step %scan3A_4 iter_args(%scan3A_51 = %scan3A) -> (i32)  : i32 {
      %scan3A_52 = arith.constant 0 : i32
      %scan3A_53 = arith.constant 0 : i32
      %scan3A_54 = arith.constant 8 : i32
      %scan3A_55 = arith.addi %scan3A_53, %scan3A_54 : i32
      %scan3A_56 = arith.constant 1 : i32
      %scan3A_57 = scf.for %scan3A_59 = %scan3A_53 to %scan3A_55 step %scan3A_56 iter_args(%scan3A_60 = %scan3A_52) -> (i32)  : i32 {
        %broadcast_in_dim3A = arith.constant 0.000000e+00 : f32
        %broadcast_in_dim3A_61 = vector.broadcast %broadcast_in_dim3A : f32 to vector<16xf32>
        %mul3A_62 = arith.constant 16 : i32
        %mul3A_63 = arith.muli %scan3A_59, %mul3A_62 : i32
        %swap3A = arith.index_cast %scan3A_50 : i32 to index
        %swap3A_64 = arith.index_cast %mul3A_63 : i32 to index
        %swap3A_65 = tpu.vector_load %arg8[%swap3A, %swap3A_64] {strides = array<i32>} : memref<128x128xf32, #tpu.memory_space<vmem>>, vector<1x16xf32>,
        %swap3A_66 = vector.shape_cast %swap3A_65 : vector<1x16xf32> to vector<16xf32>
        %swap3A_67 = vector.shape_cast %broadcast_in_dim3A_61 : vector<16xf32> to vector<1x16xf32>
        tpu.vector_store %arg8[%swap3A, %swap3A_64], %swap3A_67 {strides = array<i32>} : memref<128x128xf32, #tpu.memory_space<vmem>>, vector<1x16xf32>,
        %scan3A_68 = arith.constant 0 : i32
        scf.yield %scan3A_68 : i32
      }
      %scan3A_58 = arith.constant 8 : i32
      scf.yield %scan3A_57 : i32
    }
    %scan3A_6 = arith.constant 128 : i32
    %mul3A_7 = arith.constant 632 : i32
    %mul3A_8 = arith.muli %arg1, %mul3A_7 : i32
    %add3A_9 = arith.constant 0 : i32
    %add3A_10 = arith.addi %mul3A_8, %add3A_9 : i32
    "tpu.region"() ({
      %run_scoped3A = tpu.sem_alloc : memref<!tpu.dma_semaphore, #tpu.memory_space<semaphore_mem>>
      %dma_start3A_50 = arith.constant 0 : i32
      %dma_start3A_51 = tpu.memref_slice %arg10[%add3A_10, %dma_start3A_50] : memref<10112x128xf32, #tpu.memory_space<vmem_shared>> -> memref<128x128xf32, #tpu.memory_space<vmem_shared>>
      %dma_start3A_52 = arith.constant 0 : i32
      %dma_start3A_53 = tpu.memref_slice %arg10[%add3A_10, %dma_start3A_52] : memref<10112x128xf32, #tpu.memory_space<vmem_shared>> -> memref<128x128xf32, #tpu.memory_space<vmem_shared>>
      tpu.enqueue_dma source(%arg8 : memref<128x128xf32, #tpu.memory_space<vmem>>) target(%dma_start3A_53 : memref<128x128xf32, #tpu.memory_space<vmem_shared>>) target_semaphore(%run_scoped3A : memref<!tpu.dma_semaphore, #tpu.memory_space<semaphore_mem>>)
      %dma_wait3A = arith.constant 0 : i32
      %dma_wait3A_54 = tpu.memref_slice %arg10[%add3A_10, %dma_wait3A] : memref<10112x128xf32, #tpu.memory_space<vmem_shared>> -> memref<128x128xf32, #tpu.memory_space<vmem_shared>>
      %dma_wait3A_55 = arith.constant 0 : i32
      %dma_wait3A_56 = tpu.memref_slice %arg10[%add3A_10, %dma_wait3A_55] : memref<10112x128xf32, #tpu.memory_space<vmem_shared>> -> memref<128x128xf32, #tpu.memory_space<vmem_shared>>
      tpu.wait_dma2 semaphore(%run_scoped3A : memref<!tpu.dma_semaphore, #tpu.memory_space<semaphore_mem>>) src(%arg8 : memref<128x128xf32, #tpu.memory_space<vmem>>) dst(%dma_wait3A_56 : memref<128x128xf32, #tpu.memory_space<vmem_shared>>)
      tpu.yield
    }) : () -> ()
    %add3A_11 = arith.constant 128 : i32
    %add3A_12 = arith.addi %mul3A_8, %add3A_11 : i32
    "tpu.region"() ({
      %run_scoped3A = tpu.sem_alloc : memref<!tpu.dma_semaphore, #tpu.memory_space<semaphore_mem>>
      %dma_start3A_50 = arith.constant 0 : i32
      %dma_start3A_51 = tpu.memref_slice %arg10[%add3A_12, %dma_start3A_50] : memref<10112x128xf32, #tpu.memory_space<vmem_shared>> -> memref<128x128xf32, #tpu.memory_space<vmem_shared>>
      %dma_start3A_52 = arith.constant 0 : i32
      %dma_start3A_53 = tpu.memref_slice %arg10[%add3A_12, %dma_start3A_52] : memref<10112x128xf32, #tpu.memory_space<vmem_shared>> -> memref<128x128xf32, #tpu.memory_space<vmem_shared>>
      tpu.enqueue_dma source(%arg8 : memref<128x128xf32, #tpu.memory_space<vmem>>) target(%dma_start3A_53 : memref<128x128xf32, #tpu.memory_space<vmem_shared>>) target_semaphore(%run_scoped3A : memref<!tpu.dma_semaphore, #tpu.memory_space<semaphore_mem>>)
      %dma_wait3A = arith.constant 0 : i32
      %dma_wait3A_54 = tpu.memref_slice %arg10[%add3A_12, %dma_wait3A] : memref<10112x128xf32, #tpu.memory_space<vmem_shared>> -> memref<128x128xf32, #tpu.memory_space<vmem_shared>>
      %dma_wait3A_55 = arith.constant 0 : i32
      %dma_wait3A_56 = tpu.memref_slice %arg10[%add3A_12, %dma_wait3A_55] : memref<10112x128xf32, #tpu.memory_space<vmem_shared>> -> memref<128x128xf32, #tpu.memory_space<vmem_shared>>
      tpu.wait_dma2 semaphore(%run_scoped3A : memref<!tpu.dma_semaphore, #tpu.memory_space<semaphore_mem>>) src(%arg8 : memref<128x128xf32, #tpu.memory_space<vmem>>) dst(%dma_wait3A_56 : memref<128x128xf32, #tpu.memory_space<vmem_shared>>)
      tpu.yield
    }) : () -> ()
    %add3A_13 = arith.constant 256 : i32
    %add3A_14 = arith.addi %mul3A_8, %add3A_13 : i32
    "tpu.region"() ({
      %run_scoped3A = tpu.sem_alloc : memref<!tpu.dma_semaphore, #tpu.memory_space<semaphore_mem>>
      %dma_start3A_50 = arith.constant 0 : i32
      %dma_start3A_51 = tpu.memref_slice %arg10[%add3A_14, %dma_start3A_50] : memref<10112x128xf32, #tpu.memory_space<vmem_shared>> -> memref<128x128xf32, #tpu.memory_space<vmem_shared>>
      %dma_start3A_52 = arith.constant 0 : i32
      %dma_start3A_53 = tpu.memref_slice %arg10[%add3A_14, %dma_start3A_52] : memref<10112x128xf32, #tpu.memory_space<vmem_shared>> -> memref<128x128xf32, #tpu.memory_space<vmem_shared>>
      tpu.enqueue_dma source(%arg8 : memref<128x128xf32, #tpu.memory_space<vmem>>) target(%dma_start3A_53 : memref<128x128xf32, #tpu.memory_space<vmem_shared>>) target_semaphore(%run_scoped3A : memref<!tpu.dma_semaphore, #tpu.memory_space<semaphore_mem>>)
      %dma_wait3A = arith.constant 0 : i32
      %dma_wait3A_54 = tpu.memref_slice %arg10[%add3A_14, %dma_wait3A] : memref<10112x128xf32, #tpu.memory_space<vmem_shared>> -> memref<128x128xf32, #tpu.memory_space<vmem_shared>>
      %dma_wait3A_55 = arith.constant 0 : i32
      %dma_wait3A_56 = tpu.memref_slice %arg10[%add3A_14, %dma_wait3A_55] : memref<10112x128xf32, #tpu.memory_space<vmem_shared>> -> memref<128x128xf32, #tpu.memory_space<vmem_shared>>
      tpu.wait_dma2 semaphore(%run_scoped3A : memref<!tpu.dma_semaphore, #tpu.memory_space<semaphore_mem>>) src(%arg8 : memref<128x128xf32, #tpu.memory_space<vmem>>) dst(%dma_wait3A_56 : memref<128x128xf32, #tpu.memory_space<vmem_shared>>)
      tpu.yield
    }) : () -> ()
    %add3A_15 = arith.constant 384 : i32
    %add3A_16 = arith.addi %mul3A_8, %add3A_15 : i32
    "tpu.region"() ({
      %run_scoped3A = tpu.sem_alloc : memref<!tpu.dma_semaphore, #tpu.memory_space<semaphore_mem>>
      %dma_start3A_50 = arith.constant 0 : i32
      %dma_start3A_51 = tpu.memref_slice %arg10[%add3A_16, %dma_start3A_50] : memref<10112x128xf32, #tpu.memory_space<vmem_shared>> -> memref<128x128xf32, #tpu.memory_space<vmem_shared>>
      %dma_start3A_52 = arith.constant 0 : i32
      %dma_start3A_53 = tpu.memref_slice %arg10[%add3A_16, %dma_start3A_52] : memref<10112x128xf32, #tpu.memory_space<vmem_shared>> -> memref<128x128xf32, #tpu.memory_space<vmem_shared>>
      tpu.enqueue_dma source(%arg8 : memref<128x128xf32, #tpu.memory_space<vmem>>) target(%dma_start3A_53 : memref<128x128xf32, #tpu.memory_space<vmem_shared>>) target_semaphore(%run_scoped3A : memref<!tpu.dma_semaphore, #tpu.memory_space<semaphore_mem>>)
      %dma_wait3A = arith.constant 0 : i32
      %dma_wait3A_54 = tpu.memref_slice %arg10[%add3A_16, %dma_wait3A] : memref<10112x128xf32, #tpu.memory_space<vmem_shared>> -> memref<128x128xf32, #tpu.memory_space<vmem_shared>>
      %dma_wait3A_55 = arith.constant 0 : i32
      %dma_wait3A_56 = tpu.memref_slice %arg10[%add3A_16, %dma_wait3A_55] : memref<10112x128xf32, #tpu.memory_space<vmem_shared>> -> memref<128x128xf32, #tpu.memory_space<vmem_shared>>
      tpu.wait_dma2 semaphore(%run_scoped3A : memref<!tpu.dma_semaphore, #tpu.memory_space<semaphore_mem>>) src(%arg8 : memref<128x128xf32, #tpu.memory_space<vmem>>) dst(%dma_wait3A_56 : memref<128x128xf32, #tpu.memory_space<vmem_shared>>)
      tpu.yield
    }) : () -> ()
    %add3A_17 = arith.constant 512 : i32
    %add3A_18 = arith.addi %mul3A_8, %add3A_17 : i32
    "tpu.region"() ({
      %run_scoped3A = tpu.sem_alloc : memref<!tpu.dma_semaphore, #tpu.memory_space<semaphore_mem>>
      %dma_start3A_50 = arith.constant 0 : i32
      %dma_start3A_51 = arith.constant 0 : i32
      %dma_start3A_52 = tpu.memref_slice %arg8[%dma_start3A_50, %dma_start3A_51] : memref<128x128xf32, #tpu.memory_space<vmem>> -> memref<120x128xf32, #tpu.memory_space<vmem>>
      %dma_start3A_53 = arith.constant 0 : i32
      %dma_start3A_54 = tpu.memref_slice %arg10[%add3A_18, %dma_start3A_53] : memref<10112x128xf32, #tpu.memory_space<vmem_shared>> -> memref<120x128xf32, #tpu.memory_space<vmem_shared>>
      %dma_start3A_55 = arith.constant 0 : i32
      %dma_start3A_56 = tpu.memref_slice %arg10[%add3A_18, %dma_start3A_55] : memref<10112x128xf32, #tpu.memory_space<vmem_shared>> -> memref<120x128xf32, #tpu.memory_space<vmem_shared>>
      %dma_start3A_57 = arith.constant 0 : i32
      %dma_start3A_58 = arith.constant 0 : i32
      %dma_start3A_59 = tpu.memref_slice %arg8[%dma_start3A_57, %dma_start3A_58] : memref<128x128xf32, #tpu.memory_space<vmem>> -> memref<120x128xf32, #tpu.memory_space<vmem>>
      tpu.enqueue_dma source(%dma_start3A_59 : memref<120x128xf32, #tpu.memory_space<vmem>>) target(%dma_start3A_56 : memref<120x128xf32, #tpu.memory_space<vmem_shared>>) target_semaphore(%run_scoped3A : memref<!tpu.dma_semaphore, #tpu.memory_space<semaphore_mem>>)
      %dma_wait3A = arith.constant 0 : i32
      %dma_wait3A_60 = arith.constant 0 : i32
      %dma_wait3A_61 = tpu.memref_slice %arg8[%dma_wait3A, %dma_wait3A_60] : memref<128x128xf32, #tpu.memory_space<vmem>> -> memref<120x128xf32, #tpu.memory_space<vmem>>
      %dma_wait3A_62 = arith.constant 0 : i32
      %dma_wait3A_63 = tpu.memref_slice %arg10[%add3A_18, %dma_wait3A_62] : memref<10112x128xf32, #tpu.memory_space<vmem_shared>> -> memref<120x128xf32, #tpu.memory_space<vmem_shared>>
      %dma_wait3A_64 = arith.constant 0 : i32
      %dma_wait3A_65 = tpu.memref_slice %arg10[%add3A_18, %dma_wait3A_64] : memref<10112x128xf32, #tpu.memory_space<vmem_shared>> -> memref<120x128xf32, #tpu.memory_space<vmem_shared>>
      %dma_wait3A_66 = arith.constant 0 : i32
      %dma_wait3A_67 = arith.constant 0 : i32
      %dma_wait3A_68 = tpu.memref_slice %arg8[%dma_wait3A_66, %dma_wait3A_67] : memref<128x128xf32, #tpu.memory_space<vmem>> -> memref<120x128xf32, #tpu.memory_space<vmem>>
      tpu.wait_dma2 semaphore(%run_scoped3A : memref<!tpu.dma_semaphore, #tpu.memory_space<semaphore_mem>>) src(%dma_wait3A_68 : memref<120x128xf32, #tpu.memory_space<vmem>>) dst(%dma_wait3A_65 : memref<120x128xf32, #tpu.memory_space<vmem_shared>>)
      tpu.yield
    }) : () -> ()
    %barrier3A = arith.constant 0 : index
    tpu.barrier barrier_id(%barrier3A)
    "tpu.region"() ({
      %run_scoped3A = tpu.sem_alloc : memref<!tpu.dma_semaphore, #tpu.memory_space<semaphore_mem>>
      %dma_start3A_50 = arith.constant 0 : i32
      %dma_start3A_51 = arith.constant 0 : i32
      %dma_start3A_52 = tpu.memref_slice %arg3[%add3A, %dma_start3A_50, %dma_start3A_51] : memref<32x80x128xi32, #tpu.memory_space<hbm>> -> memref<1x40x128xi32, #tpu.memory_space<hbm>>
      %dma_start3A_53 = tpu.memref_squeeze %dma_start3A_52 : memref<1x40x128xi32, #tpu.memory_space<hbm>> -> memref<40x128xi32, #tpu.memory_space<hbm>>
      %dma_start3A_54 = arith.constant 0 : i32
      %dma_start3A_55 = arith.constant 0 : i32
      %dma_start3A_56 = tpu.memref_slice %arg3[%add3A, %dma_start3A_54, %dma_start3A_55] : memref<32x80x128xi32, #tpu.memory_space<hbm>> -> memref<1x40x128xi32, #tpu.memory_space<hbm>>
      %dma_start3A_57 = tpu.memref_squeeze %dma_start3A_56 : memref<1x40x128xi32, #tpu.memory_space<hbm>> -> memref<40x128xi32, #tpu.memory_space<hbm>>
      tpu.enqueue_dma source(%dma_start3A_57 : memref<40x128xi32, #tpu.memory_space<hbm>>) target(%arg6 : memref<40x128xi32, #tpu.memory_space<vmem>>) target_semaphore(%run_scoped3A : memref<!tpu.dma_semaphore, #tpu.memory_space<semaphore_mem>>)
      %dma_wait3A = arith.constant 0 : i32
      %dma_wait3A_58 = arith.constant 0 : i32
      %dma_wait3A_59 = tpu.memref_slice %arg3[%add3A, %dma_wait3A, %dma_wait3A_58] : memref<32x80x128xi32, #tpu.memory_space<hbm>> -> memref<1x40x128xi32, #tpu.memory_space<hbm>>
      %dma_wait3A_60 = tpu.memref_squeeze %dma_wait3A_59 : memref<1x40x128xi32, #tpu.memory_space<hbm>> -> memref<40x128xi32, #tpu.memory_space<hbm>>
      %dma_wait3A_61 = arith.constant 0 : i32
      %dma_wait3A_62 = arith.constant 0 : i32
      %dma_wait3A_63 = tpu.memref_slice %arg3[%add3A, %dma_wait3A_61, %dma_wait3A_62] : memref<32x80x128xi32, #tpu.memory_space<hbm>> -> memref<1x40x128xi32, #tpu.memory_space<hbm>>
      %dma_wait3A_64 = tpu.memref_squeeze %dma_wait3A_63 : memref<1x40x128xi32, #tpu.memory_space<hbm>> -> memref<40x128xi32, #tpu.memory_space<hbm>>
      tpu.wait_dma2 semaphore(%run_scoped3A : memref<!tpu.dma_semaphore, #tpu.memory_space<semaphore_mem>>) src(%dma_wait3A_64 : memref<40x128xi32, #tpu.memory_space<hbm>>) dst(%arg6 : memref<40x128xi32, #tpu.memory_space<vmem>>)
      tpu.yield
    }) : () -> ()
    "tpu.region"() ({
      %run_scoped3A = tpu.sem_alloc : memref<!tpu.dma_semaphore, #tpu.memory_space<semaphore_mem>>
      %dma_start3A_50 = arith.constant 0 : i32
      %dma_start3A_51 = arith.constant 0 : i32
      %dma_start3A_52 = tpu.memref_slice %arg4[%add3A, %dma_start3A_50, %dma_start3A_51] : memref<32x80x128xi32, #tpu.memory_space<hbm>> -> memref<1x40x128xi32, #tpu.memory_space<hbm>>
      %dma_start3A_53 = tpu.memref_squeeze %dma_start3A_52 : memref<1x40x128xi32, #tpu.memory_space<hbm>> -> memref<40x128xi32, #tpu.memory_space<hbm>>
      %dma_start3A_54 = arith.constant 0 : i32
      %dma_start3A_55 = arith.constant 0 : i32
      %dma_start3A_56 = tpu.memref_slice %arg4[%add3A, %dma_start3A_54, %dma_start3A_55] : memref<32x80x128xi32, #tpu.memory_space<hbm>> -> memref<1x40x128xi32, #tpu.memory_space<hbm>>
      %dma_start3A_57 = tpu.memref_squeeze %dma_start3A_56 : memref<1x40x128xi32, #tpu.memory_space<hbm>> -> memref<40x128xi32, #tpu.memory_space<hbm>>
      tpu.enqueue_dma source(%dma_start3A_57 : memref<40x128xi32, #tpu.memory_space<hbm>>) target(%arg7 : memref<40x128xi32, #tpu.memory_space<vmem>>) target_semaphore(%run_scoped3A : memref<!tpu.dma_semaphore, #tpu.memory_space<semaphore_mem>>)
      %dma_wait3A = arith.constant 0 : i32
      %dma_wait3A_58 = arith.constant 0 : i32
      %dma_wait3A_59 = tpu.memref_slice %arg4[%add3A, %dma_wait3A, %dma_wait3A_58] : memref<32x80x128xi32, #tpu.memory_space<hbm>> -> memref<1x40x128xi32, #tpu.memory_space<hbm>>
      %dma_wait3A_60 = tpu.memref_squeeze %dma_wait3A_59 : memref<1x40x128xi32, #tpu.memory_space<hbm>> -> memref<40x128xi32, #tpu.memory_space<hbm>>
      %dma_wait3A_61 = arith.constant 0 : i32
      %dma_wait3A_62 = arith.constant 0 : i32
      %dma_wait3A_63 = tpu.memref_slice %arg4[%add3A, %dma_wait3A_61, %dma_wait3A_62] : memref<32x80x128xi32, #tpu.memory_space<hbm>> -> memref<1x40x128xi32, #tpu.memory_space<hbm>>
      %dma_wait3A_64 = tpu.memref_squeeze %dma_wait3A_63 : memref<1x40x128xi32, #tpu.memory_space<hbm>> -> memref<40x128xi32, #tpu.memory_space<hbm>>
      tpu.wait_dma2 semaphore(%run_scoped3A : memref<!tpu.dma_semaphore, #tpu.memory_space<semaphore_mem>>) src(%dma_wait3A_64 : memref<40x128xi32, #tpu.memory_space<hbm>>) dst(%arg7 : memref<40x128xi32, #tpu.memory_space<vmem>>)
      tpu.yield
    }) : () -> ()
    %dma_start3A = arith.constant 0 : i32
    %dma_start3A_19 = arith.constant 0 : i32
    %dma_start3A_20 = tpu.memref_slice %arg6[%dma_start3A, %dma_start3A_19] : memref<40x128xi32, #tpu.memory_space<vmem>> -> memref<1x128xi32, #tpu.memory_space<vmem>>
    %dma_start3A_21 = tpu.memref_squeeze %dma_start3A_20 : memref<1x128xi32, #tpu.memory_space<vmem>> -> memref<128xi32, #tpu.memory_space<vmem>>
    %dma_start3A_22 = arith.constant 0 : i32
    %dma_start3A_23 = arith.constant 0 : i32
    %dma_start3A_24 = tpu.memref_slice %arg2[%dma_start3A_22, %dma_start3A_23] : memref<10000x128xf32, #tpu.memory_space<hbm>> -> memref<10000x128xf32, #tpu.memory_space<hbm>>
    tpu.enqueue_indirect_dma source(%dma_start3A_24 : memref<10000x128xf32, #tpu.memory_space<hbm>>) target(%arg8 : memref<128x128xf32, #tpu.memory_space<vmem>>) offsets(%dma_start3A_21 : memref<128xi32, #tpu.memory_space<vmem>>) semaphore(%arg11 : memref<!tpu.dma_semaphore, #tpu.memory_space<semaphore_mem>>)
    %scan3A_25 = arith.constant 0 : i32
    %scan3A_26 = arith.constant 0 : i32
    %scan3A_27 = arith.constant 20 : i32
    %scan3A_28 = arith.addi %scan3A_26, %scan3A_27 : i32
    %scan3A_29 = arith.constant 1 : i32
    %scan3A_30 = scf.for %scan3A_50 = %scan3A_26 to %scan3A_28 step %scan3A_29 iter_args(%scan3A_51 = %scan3A_25) -> (i32)  : i32 {
      %mul3A_52 = arith.constant 2 : i32
      %mul3A_53 = arith.muli %mul3A_52, %scan3A_50 : i32
      %dma_wait3A = arith.constant 0 : i32
      %dma_wait3A_54 = arith.constant 0 : i32
      %dma_wait3A_55 = tpu.memref_slice %arg6[%dma_wait3A, %dma_wait3A_54] : memref<40x128xi32, #tpu.memory_space<vmem>> -> memref<1x128xi32, #tpu.memory_space<vmem>>
      %dma_wait3A_56 = tpu.memref_squeeze %dma_wait3A_55 : memref<1x128xi32, #tpu.memory_space<vmem>> -> memref<128xi32, #tpu.memory_space<vmem>>
      %dma_wait3A_57 = arith.constant 0 : i32
      %dma_wait3A_58 = arith.constant 0 : i32
      %dma_wait3A_59 = tpu.memref_slice %arg2[%dma_wait3A_57, %dma_wait3A_58] : memref<10000x128xf32, #tpu.memory_space<hbm>> -> memref<10000x128xf32, #tpu.memory_space<hbm>>
      tpu.wait_indirect_dma semaphore(%arg11 : memref<!tpu.dma_semaphore, #tpu.memory_space<semaphore_mem>>) src(%dma_wait3A_59 : memref<10000x128xf32, #tpu.memory_space<hbm>>) dst(%arg8 : memref<128x128xf32, #tpu.memory_space<vmem>>)
      %add3A_60 = arith.constant 1 : i32
      %add3A_61 = arith.addi %mul3A_53, %add3A_60 : i32
      %dma_start3A_62 = arith.constant 0 : i32
      %dma_start3A_63 = tpu.memref_slice %arg6[%add3A_61, %dma_start3A_62] : memref<40x128xi32, #tpu.memory_space<vmem>> -> memref<1x128xi32, #tpu.memory_space<vmem>>
      %dma_start3A_64 = tpu.memref_squeeze %dma_start3A_63 : memref<1x128xi32, #tpu.memory_space<vmem>> -> memref<128xi32, #tpu.memory_space<vmem>>
      %dma_start3A_65 = arith.constant 0 : i32
      %dma_start3A_66 = arith.constant 0 : i32
      %dma_start3A_67 = tpu.memref_slice %arg2[%dma_start3A_65, %dma_start3A_66] : memref<10000x128xf32, #tpu.memory_space<hbm>> -> memref<10000x128xf32, #tpu.memory_space<hbm>>
      tpu.enqueue_indirect_dma source(%dma_start3A_67 : memref<10000x128xf32, #tpu.memory_space<hbm>>) target(%arg9 : memref<128x128xf32, #tpu.memory_space<vmem>>) offsets(%dma_start3A_64 : memref<128xi32, #tpu.memory_space<vmem>>) semaphore(%arg12 : memref<!tpu.dma_semaphore, #tpu.memory_space<semaphore_mem>>)
      "tpu.region"() ({
        %run_scoped3A = tpu.sem_alloc : memref<!tpu.dma_semaphore, #tpu.memory_space<semaphore_mem>>
        %dma_start3A_82 = arith.constant 0 : i32
        %dma_start3A_83 = tpu.memref_slice %arg7[%mul3A_53, %dma_start3A_82] : memref<40x128xi32, #tpu.memory_space<vmem>> -> memref<1x128xi32, #tpu.memory_space<vmem>>
        %dma_start3A_84 = tpu.memref_squeeze %dma_start3A_83 : memref<1x128xi32, #tpu.memory_space<vmem>> -> memref<128xi32, #tpu.memory_space<vmem>>
        %dma_start3A_85 = arith.constant 0 : i32
        %dma_start3A_86 = arith.constant 0 : i32
        %dma_start3A_87 = tpu.memref_slice %arg10[%dma_start3A_85, %dma_start3A_86] : memref<10112x128xf32, #tpu.memory_space<vmem_shared>> -> memref<10112x128xf32, #tpu.memory_space<vmem_shared>>
        tpu.enqueue_indirect_dma source(%arg8 : memref<128x128xf32, #tpu.memory_space<vmem>>) target(%dma_start3A_87 : memref<10112x128xf32, #tpu.memory_space<vmem_shared>>) offsets(%dma_start3A_84 : memref<128xi32, #tpu.memory_space<vmem>>) semaphore(%run_scoped3A : memref<!tpu.dma_semaphore, #tpu.memory_space<semaphore_mem>>) {add = true}
        %dma_wait3A_88 = arith.constant 0 : i32
        %dma_wait3A_89 = tpu.memref_slice %arg7[%mul3A_53, %dma_wait3A_88] : memref<40x128xi32, #tpu.memory_space<vmem>> -> memref<1x128xi32, #tpu.memory_space<vmem>>
        %dma_wait3A_90 = tpu.memref_squeeze %dma_wait3A_89 : memref<1x128xi32, #tpu.memory_space<vmem>> -> memref<128xi32, #tpu.memory_space<vmem>>
        %dma_wait3A_91 = arith.constant 0 : i32
        %dma_wait3A_92 = arith.constant 0 : i32
        %dma_wait3A_93 = tpu.memref_slice %arg10[%dma_wait3A_91, %dma_wait3A_92] : memref<10112x128xf32, #tpu.memory_space<vmem_shared>> -> memref<10112x128xf32, #tpu.memory_space<vmem_shared>>
        tpu.wait_indirect_dma semaphore(%run_scoped3A : memref<!tpu.dma_semaphore, #tpu.memory_space<semaphore_mem>>) src(%arg8 : memref<128x128xf32, #tpu.memory_space<vmem>>) dst(%dma_wait3A_93 : memref<10112x128xf32, #tpu.memory_space<vmem_shared>>)
        tpu.yield
      }) : () -> ()
      %dma_wait3A_68 = arith.constant 0 : i32
      %dma_wait3A_69 = arith.constant 0 : i32
      %dma_wait3A_70 = tpu.memref_slice %arg6[%dma_wait3A_68, %dma_wait3A_69] : memref<40x128xi32, #tpu.memory_space<vmem>> -> memref<1x128xi32, #tpu.memory_space<vmem>>
      %dma_wait3A_71 = tpu.memref_squeeze %dma_wait3A_70 : memref<1x128xi32, #tpu.memory_space<vmem>> -> memref<128xi32, #tpu.memory_space<vmem>>
      %dma_wait3A_72 = arith.constant 0 : i32
      %dma_wait3A_73 = arith.constant 0 : i32
      %dma_wait3A_74 = tpu.memref_slice %arg2[%dma_wait3A_72, %dma_wait3A_73] : memref<10000x128xf32, #tpu.memory_space<hbm>> -> memref<10000x128xf32, #tpu.memory_space<hbm>>
      tpu.wait_indirect_dma semaphore(%arg12 : memref<!tpu.dma_semaphore, #tpu.memory_space<semaphore_mem>>) src(%dma_wait3A_74 : memref<10000x128xf32, #tpu.memory_space<hbm>>) dst(%arg9 : memref<128x128xf32, #tpu.memory_space<vmem>>)
      %add3A_75 = arith.constant 2 : i32
      %add3A_76 = arith.addi %mul3A_53, %add3A_75 : i32
      %lt3A = arith.constant 40 : i32
      %lt3A_77 = arith.cmpi slt, %add3A_76, %lt3A : i32
      %convert_element_type3A = arith.extui %lt3A_77 : i1 to i32
      %cond3A = arith.constant 0 : i32
      %cond3A_78 = arith.cmpi ne, %convert_element_type3A, %cond3A : i32
      scf.if %cond3A_78 {
        %add3A_82 = arith.constant 2 : i32
        %add3A_83 = arith.addi %mul3A_53, %add3A_82 : i32
        %dma_start3A_84 = arith.constant 0 : i32
        %dma_start3A_85 = tpu.memref_slice %arg6[%add3A_83, %dma_start3A_84] : memref<40x128xi32, #tpu.memory_space<vmem>> -> memref<1x128xi32, #tpu.memory_space<vmem>>
        %dma_start3A_86 = tpu.memref_squeeze %dma_start3A_85 : memref<1x128xi32, #tpu.memory_space<vmem>> -> memref<128xi32, #tpu.memory_space<vmem>>
        %dma_start3A_87 = arith.constant 0 : i32
        %dma_start3A_88 = arith.constant 0 : i32
        %dma_start3A_89 = tpu.memref_slice %arg2[%dma_start3A_87, %dma_start3A_88] : memref<10000x128xf32, #tpu.memory_space<hbm>> -> memref<10000x128xf32, #tpu.memory_space<hbm>>
        tpu.enqueue_indirect_dma source(%dma_start3A_89 : memref<10000x128xf32, #tpu.memory_space<hbm>>) target(%arg8 : memref<128x128xf32, #tpu.memory_space<vmem>>) offsets(%dma_start3A_86 : memref<128xi32, #tpu.memory_space<vmem>>) semaphore(%arg11 : memref<!tpu.dma_semaphore, #tpu.memory_space<semaphore_mem>>)
      } else {
      }
      %add3A_79 = arith.constant 1 : i32
      %add3A_80 = arith.addi %mul3A_53, %add3A_79 : i32
      "tpu.region"() ({
        %run_scoped3A = tpu.sem_alloc : memref<!tpu.dma_semaphore, #tpu.memory_space<semaphore_mem>>
        %dma_start3A_82 = arith.constant 0 : i32
        %dma_start3A_83 = tpu.memref_slice %arg7[%add3A_80, %dma_start3A_82] : memref<40x128xi32, #tpu.memory_space<vmem>> -> memref<1x128xi32, #tpu.memory_space<vmem>>
        %dma_start3A_84 = tpu.memref_squeeze %dma_start3A_83 : memref<1x128xi32, #tpu.memory_space<vmem>> -> memref<128xi32, #tpu.memory_space<vmem>>
        %dma_start3A_85 = arith.constant 0 : i32
        %dma_start3A_86 = arith.constant 0 : i32
        %dma_start3A_87 = tpu.memref_slice %arg10[%dma_start3A_85, %dma_start3A_86] : memref<10112x128xf32, #tpu.memory_space<vmem_shared>> -> memref<10112x128xf32, #tpu.memory_space<vmem_shared>>
        tpu.enqueue_indirect_dma source(%arg9 : memref<128x128xf32, #tpu.memory_space<vmem>>) target(%dma_start3A_87 : memref<10112x128xf32, #tpu.memory_space<vmem_shared>>) offsets(%dma_start3A_84 : memref<128xi32, #tpu.memory_space<vmem>>) semaphore(%run_scoped3A : memref<!tpu.dma_semaphore, #tpu.memory_space<semaphore_mem>>) {add = true}
        %dma_wait3A_88 = arith.constant 0 : i32
        %dma_wait3A_89 = tpu.memref_slice %arg7[%add3A_80, %dma_wait3A_88] : memref<40x128xi32, #tpu.memory_space<vmem>> -> memref<1x128xi32, #tpu.memory_space<vmem>>
        %dma_wait3A_90 = tpu.memref_squeeze %dma_wait3A_89 : memref<1x128xi32, #tpu.memory_space<vmem>> -> memref<128xi32, #tpu.memory_space<vmem>>
        %dma_wait3A_91 = arith.constant 0 : i32
        %dma_wait3A_92 = arith.constant 0 : i32
        %dma_wait3A_93 = tpu.memref_slice %arg10[%dma_wait3A_91, %dma_wait3A_92] : memref<10112x128xf32, #tpu.memory_space<vmem_shared>> -> memref<10112x128xf32, #tpu.memory_space<vmem_shared>>
        tpu.wait_indirect_dma semaphore(%run_scoped3A : memref<!tpu.dma_semaphore, #tpu.memory_space<semaphore_mem>>) src(%arg9 : memref<128x128xf32, #tpu.memory_space<vmem>>) dst(%dma_wait3A_93 : memref<10112x128xf32, #tpu.memory_space<vmem_shared>>)
        tpu.yield
      }) : () -> ()
      %scan3A_81 = arith.constant 0 : i32
      scf.yield %scan3A_81 : i32
    }
    %scan3A_31 = arith.constant 20 : i32
    "tpu.region"() ({
      %run_scoped3A = tpu.sem_alloc : memref<!tpu.dma_semaphore, #tpu.memory_space<semaphore_mem>>
      %dma_start3A_50 = arith.constant 40 : i32
      %dma_start3A_51 = arith.constant 0 : i32
      %dma_start3A_52 = tpu.memref_slice %arg3[%add3A, %dma_start3A_50, %dma_start3A_51] : memref<32x80x128xi32, #tpu.memory_space<hbm>> -> memref<1x40x128xi32, #tpu.memory_space<hbm>>
      %dma_start3A_53 = tpu.memref_squeeze %dma_start3A_52 : memref<1x40x128xi32, #tpu.memory_space<hbm>> -> memref<40x128xi32, #tpu.memory_space<hbm>>
      %dma_start3A_54 = arith.constant 40 : i32
      %dma_start3A_55 = arith.constant 0 : i32
      %dma_start3A_56 = tpu.memref_slice %arg3[%add3A, %dma_start3A_54, %dma_start3A_55] : memref<32x80x128xi32, #tpu.memory_space<hbm>> -> memref<1x40x128xi32, #tpu.memory_space<hbm>>
      %dma_start3A_57 = tpu.memref_squeeze %dma_start3A_56 : memref<1x40x128xi32, #tpu.memory_space<hbm>> -> memref<40x128xi32, #tpu.memory_space<hbm>>
      tpu.enqueue_dma source(%dma_start3A_57 : memref<40x128xi32, #tpu.memory_space<hbm>>) target(%arg6 : memref<40x128xi32, #tpu.memory_space<vmem>>) target_semaphore(%run_scoped3A : memref<!tpu.dma_semaphore, #tpu.memory_space<semaphore_mem>>)
      %dma_wait3A = arith.constant 40 : i32
      %dma_wait3A_58 = arith.constant 0 : i32
      %dma_wait3A_59 = tpu.memref_slice %arg3[%add3A, %dma_wait3A, %dma_wait3A_58] : memref<32x80x128xi32, #tpu.memory_space<hbm>> -> memref<1x40x128xi32, #tpu.memory_space<hbm>>
      %dma_wait3A_60 = tpu.memref_squeeze %dma_wait3A_59 : memref<1x40x128xi32, #tpu.memory_space<hbm>> -> memref<40x128xi32, #tpu.memory_space<hbm>>
      %dma_wait3A_61 = arith.constant 40 : i32
      %dma_wait3A_62 = arith.constant 0 : i32
      %dma_wait3A_63 = tpu.memref_slice %arg3[%add3A, %dma_wait3A_61, %dma_wait3A_62] : memref<32x80x128xi32, #tpu.memory_space<hbm>> -> memref<1x40x128xi32, #tpu.memory_space<hbm>>
      %dma_wait3A_64 = tpu.memref_squeeze %dma_wait3A_63 : memref<1x40x128xi32, #tpu.memory_space<hbm>> -> memref<40x128xi32, #tpu.memory_space<hbm>>
      tpu.wait_dma2 semaphore(%run_scoped3A : memref<!tpu.dma_semaphore, #tpu.memory_space<semaphore_mem>>) src(%dma_wait3A_64 : memref<40x128xi32, #tpu.memory_space<hbm>>) dst(%arg6 : memref<40x128xi32, #tpu.memory_space<vmem>>)
      tpu.yield
    }) : () -> ()
    "tpu.region"() ({
      %run_scoped3A = tpu.sem_alloc : memref<!tpu.dma_semaphore, #tpu.memory_space<semaphore_mem>>
      %dma_start3A_50 = arith.constant 40 : i32
      %dma_start3A_51 = arith.constant 0 : i32
      %dma_start3A_52 = tpu.memref_slice %arg4[%add3A, %dma_start3A_50, %dma_start3A_51] : memref<32x80x128xi32, #tpu.memory_space<hbm>> -> memref<1x40x128xi32, #tpu.memory_space<hbm>>
      %dma_start3A_53 = tpu.memref_squeeze %dma_start3A_52 : memref<1x40x128xi32, #tpu.memory_space<hbm>> -> memref<40x128xi32, #tpu.memory_space<hbm>>
      %dma_start3A_54 = arith.constant 40 : i32
      %dma_start3A_55 = arith.constant 0 : i32
      %dma_start3A_56 = tpu.memref_slice %arg4[%add3A, %dma_start3A_54, %dma_start3A_55] : memref<32x80x128xi32, #tpu.memory_space<hbm>> -> memref<1x40x128xi32, #tpu.memory_space<hbm>>
      %dma_start3A_57 = tpu.memref_squeeze %dma_start3A_56 : memref<1x40x128xi32, #tpu.memory_space<hbm>> -> memref<40x128xi32, #tpu.memory_space<hbm>>
      tpu.enqueue_dma source(%dma_start3A_57 : memref<40x128xi32, #tpu.memory_space<hbm>>) target(%arg7 : memref<40x128xi32, #tpu.memory_space<vmem>>) target_semaphore(%run_scoped3A : memref<!tpu.dma_semaphore, #tpu.memory_space<semaphore_mem>>)
      %dma_wait3A = arith.constant 40 : i32
      %dma_wait3A_58 = arith.constant 0 : i32
      %dma_wait3A_59 = tpu.memref_slice %arg4[%add3A, %dma_wait3A, %dma_wait3A_58] : memref<32x80x128xi32, #tpu.memory_space<hbm>> -> memref<1x40x128xi32, #tpu.memory_space<hbm>>
      %dma_wait3A_60 = tpu.memref_squeeze %dma_wait3A_59 : memref<1x40x128xi32, #tpu.memory_space<hbm>> -> memref<40x128xi32, #tpu.memory_space<hbm>>
      %dma_wait3A_61 = arith.constant 40 : i32
      %dma_wait3A_62 = arith.constant 0 : i32
      %dma_wait3A_63 = tpu.memref_slice %arg4[%add3A, %dma_wait3A_61, %dma_wait3A_62] : memref<32x80x128xi32, #tpu.memory_space<hbm>> -> memref<1x40x128xi32, #tpu.memory_space<hbm>>
      %dma_wait3A_64 = tpu.memref_squeeze %dma_wait3A_63 : memref<1x40x128xi32, #tpu.memory_space<hbm>> -> memref<40x128xi32, #tpu.memory_space<hbm>>
      tpu.wait_dma2 semaphore(%run_scoped3A : memref<!tpu.dma_semaphore, #tpu.memory_space<semaphore_mem>>) src(%dma_wait3A_64 : memref<40x128xi32, #tpu.memory_space<hbm>>) dst(%arg7 : memref<40x128xi32, #tpu.memory_space<vmem>>)
      tpu.yield
    }) : () -> ()
    %dma_start3A_32 = arith.constant 0 : i32
    %dma_start3A_33 = arith.constant 0 : i32
    %dma_start3A_34 = tpu.memref_slice %arg6[%dma_start3A_32, %dma_start3A_33] : memref<40x128xi32, #tpu.memory_space<vmem>> -> memref<1x128xi32, #tpu.memory_space<vmem>>
    %dma_start3A_35 = tpu.memref_squeeze %dma_start3A_34 : memref<1x128xi32, #tpu.memory_space<vmem>> -> memref<128xi32, #tpu.memory_space<vmem>>
    %dma_start3A_36 = arith.constant 0 : i32
    %dma_start3A_37 = arith.constant 0 : i32
    %dma_start3A_38 = tpu.memref_slice %arg2[%dma_start3A_36, %dma_start3A_37] : memref<10000x128xf32, #tpu.memory_space<hbm>> -> memref<10000x128xf32, #tpu.memory_space<hbm>>
    tpu.enqueue_indirect_dma source(%dma_start3A_38 : memref<10000x128xf32, #tpu.memory_space<hbm>>) target(%arg8 : memref<128x128xf32, #tpu.memory_space<vmem>>) offsets(%dma_start3A_35 : memref<128xi32, #tpu.memory_space<vmem>>) semaphore(%arg11 : memref<!tpu.dma_semaphore, #tpu.memory_space<semaphore_mem>>)
    %scan3A_39 = arith.constant 0 : i32
    %scan3A_40 = arith.constant 0 : i32
    %scan3A_41 = arith.constant 20 : i32
    %scan3A_42 = arith.addi %scan3A_40, %scan3A_41 : i32
    %scan3A_43 = arith.constant 1 : i32
    %scan3A_44 = scf.for %scan3A_50 = %scan3A_40 to %scan3A_42 step %scan3A_43 iter_args(%scan3A_51 = %scan3A_39) -> (i32)  : i32 {
      %mul3A_52 = arith.constant 2 : i32
      %mul3A_53 = arith.muli %mul3A_52, %scan3A_50 : i32
      %dma_wait3A = arith.constant 0 : i32
      %dma_wait3A_54 = arith.constant 0 : i32
      %dma_wait3A_55 = tpu.memref_slice %arg6[%dma_wait3A, %dma_wait3A_54] : memref<40x128xi32, #tpu.memory_space<vmem>> -> memref<1x128xi32, #tpu.memory_space<vmem>>
      %dma_wait3A_56 = tpu.memref_squeeze %dma_wait3A_55 : memref<1x128xi32, #tpu.memory_space<vmem>> -> memref<128xi32, #tpu.memory_space<vmem>>
      %dma_wait3A_57 = arith.constant 0 : i32
      %dma_wait3A_58 = arith.constant 0 : i32
      %dma_wait3A_59 = tpu.memref_slice %arg2[%dma_wait3A_57, %dma_wait3A_58] : memref<10000x128xf32, #tpu.memory_space<hbm>> -> memref<10000x128xf32, #tpu.memory_space<hbm>>
      tpu.wait_indirect_dma semaphore(%arg11 : memref<!tpu.dma_semaphore, #tpu.memory_space<semaphore_mem>>) src(%dma_wait3A_59 : memref<10000x128xf32, #tpu.memory_space<hbm>>) dst(%arg8 : memref<128x128xf32, #tpu.memory_space<vmem>>)
      %add3A_60 = arith.constant 1 : i32
      %add3A_61 = arith.addi %mul3A_53, %add3A_60 : i32
      %dma_start3A_62 = arith.constant 0 : i32
      %dma_start3A_63 = tpu.memref_slice %arg6[%add3A_61, %dma_start3A_62] : memref<40x128xi32, #tpu.memory_space<vmem>> -> memref<1x128xi32, #tpu.memory_space<vmem>>
      %dma_start3A_64 = tpu.memref_squeeze %dma_start3A_63 : memref<1x128xi32, #tpu.memory_space<vmem>> -> memref<128xi32, #tpu.memory_space<vmem>>
      %dma_start3A_65 = arith.constant 0 : i32
      %dma_start3A_66 = arith.constant 0 : i32
      %dma_start3A_67 = tpu.memref_slice %arg2[%dma_start3A_65, %dma_start3A_66] : memref<10000x128xf32, #tpu.memory_space<hbm>> -> memref<10000x128xf32, #tpu.memory_space<hbm>>
      tpu.enqueue_indirect_dma source(%dma_start3A_67 : memref<10000x128xf32, #tpu.memory_space<hbm>>) target(%arg9 : memref<128x128xf32, #tpu.memory_space<vmem>>) offsets(%dma_start3A_64 : memref<128xi32, #tpu.memory_space<vmem>>) semaphore(%arg12 : memref<!tpu.dma_semaphore, #tpu.memory_space<semaphore_mem>>)
      "tpu.region"() ({
        %run_scoped3A = tpu.sem_alloc : memref<!tpu.dma_semaphore, #tpu.memory_space<semaphore_mem>>
        %dma_start3A_82 = arith.constant 0 : i32
        %dma_start3A_83 = tpu.memref_slice %arg7[%mul3A_53, %dma_start3A_82] : memref<40x128xi32, #tpu.memory_space<vmem>> -> memref<1x128xi32, #tpu.memory_space<vmem>>
        %dma_start3A_84 = tpu.memref_squeeze %dma_start3A_83 : memref<1x128xi32, #tpu.memory_space<vmem>> -> memref<128xi32, #tpu.memory_space<vmem>>
        %dma_start3A_85 = arith.constant 0 : i32
        %dma_start3A_86 = arith.constant 0 : i32
        %dma_start3A_87 = tpu.memref_slice %arg10[%dma_start3A_85, %dma_start3A_86] : memref<10112x128xf32, #tpu.memory_space<vmem_shared>> -> memref<10112x128xf32, #tpu.memory_space<vmem_shared>>
        tpu.enqueue_indirect_dma source(%arg8 : memref<128x128xf32, #tpu.memory_space<vmem>>) target(%dma_start3A_87 : memref<10112x128xf32, #tpu.memory_space<vmem_shared>>) offsets(%dma_start3A_84 : memref<128xi32, #tpu.memory_space<vmem>>) semaphore(%run_scoped3A : memref<!tpu.dma_semaphore, #tpu.memory_space<semaphore_mem>>) {add = true}
        %dma_wait3A_88 = arith.constant 0 : i32
        %dma_wait3A_89 = tpu.memref_slice %arg7[%mul3A_53, %dma_wait3A_88] : memref<40x128xi32, #tpu.memory_space<vmem>> -> memref<1x128xi32, #tpu.memory_space<vmem>>
        %dma_wait3A_90 = tpu.memref_squeeze %dma_wait3A_89 : memref<1x128xi32, #tpu.memory_space<vmem>> -> memref<128xi32, #tpu.memory_space<vmem>>
        %dma_wait3A_91 = arith.constant 0 : i32
        %dma_wait3A_92 = arith.constant 0 : i32
        %dma_wait3A_93 = tpu.memref_slice %arg10[%dma_wait3A_91, %dma_wait3A_92] : memref<10112x128xf32, #tpu.memory_space<vmem_shared>> -> memref<10112x128xf32, #tpu.memory_space<vmem_shared>>
        tpu.wait_indirect_dma semaphore(%run_scoped3A : memref<!tpu.dma_semaphore, #tpu.memory_space<semaphore_mem>>) src(%arg8 : memref<128x128xf32, #tpu.memory_space<vmem>>) dst(%dma_wait3A_93 : memref<10112x128xf32, #tpu.memory_space<vmem_shared>>)
        tpu.yield
      }) : () -> ()
      %dma_wait3A_68 = arith.constant 0 : i32
      %dma_wait3A_69 = arith.constant 0 : i32
      %dma_wait3A_70 = tpu.memref_slice %arg6[%dma_wait3A_68, %dma_wait3A_69] : memref<40x128xi32, #tpu.memory_space<vmem>> -> memref<1x128xi32, #tpu.memory_space<vmem>>
      %dma_wait3A_71 = tpu.memref_squeeze %dma_wait3A_70 : memref<1x128xi32, #tpu.memory_space<vmem>> -> memref<128xi32, #tpu.memory_space<vmem>>
      %dma_wait3A_72 = arith.constant 0 : i32
      %dma_wait3A_73 = arith.constant 0 : i32
      %dma_wait3A_74 = tpu.memref_slice %arg2[%dma_wait3A_72, %dma_wait3A_73] : memref<10000x128xf32, #tpu.memory_space<hbm>> -> memref<10000x128xf32, #tpu.memory_space<hbm>>
      tpu.wait_indirect_dma semaphore(%arg12 : memref<!tpu.dma_semaphore, #tpu.memory_space<semaphore_mem>>) src(%dma_wait3A_74 : memref<10000x128xf32, #tpu.memory_space<hbm>>) dst(%arg9 : memref<128x128xf32, #tpu.memory_space<vmem>>)
      %add3A_75 = arith.constant 2 : i32
      %add3A_76 = arith.addi %mul3A_53, %add3A_75 : i32
      %lt3A = arith.constant 40 : i32
      %lt3A_77 = arith.cmpi slt, %add3A_76, %lt3A : i32
      %convert_element_type3A = arith.extui %lt3A_77 : i1 to i32
      %cond3A = arith.constant 0 : i32
      %cond3A_78 = arith.cmpi ne, %convert_element_type3A, %cond3A : i32
      scf.if %cond3A_78 {
        %add3A_82 = arith.constant 2 : i32
        %add3A_83 = arith.addi %mul3A_53, %add3A_82 : i32
        %dma_start3A_84 = arith.constant 0 : i32
        %dma_start3A_85 = tpu.memref_slice %arg6[%add3A_83, %dma_start3A_84] : memref<40x128xi32, #tpu.memory_space<vmem>> -> memref<1x128xi32, #tpu.memory_space<vmem>>
        %dma_start3A_86 = tpu.memref_squeeze %dma_start3A_85 : memref<1x128xi32, #tpu.memory_space<vmem>> -> memref<128xi32, #tpu.memory_space<vmem>>
        %dma_start3A_87 = arith.constant 0 : i32
        %dma_start3A_88 = arith.constant 0 : i32
        %dma_start3A_89 = tpu.memref_slice %arg2[%dma_start3A_87, %dma_start3A_88] : memref<10000x128xf32, #tpu.memory_space<hbm>> -> memref<10000x128xf32, #tpu.memory_space<hbm>>
        tpu.enqueue_indirect_dma source(%dma_start3A_89 : memref<10000x128xf32, #tpu.memory_space<hbm>>) target(%arg8 : memref<128x128xf32, #tpu.memory_space<vmem>>) offsets(%dma_start3A_86 : memref<128xi32, #tpu.memory_space<vmem>>) semaphore(%arg11 : memref<!tpu.dma_semaphore, #tpu.memory_space<semaphore_mem>>)
      } else {
      }
      %add3A_79 = arith.constant 1 : i32
      %add3A_80 = arith.addi %mul3A_53, %add3A_79 : i32
      "tpu.region"() ({
        %run_scoped3A = tpu.sem_alloc : memref<!tpu.dma_semaphore, #tpu.memory_space<semaphore_mem>>
        %dma_start3A_82 = arith.constant 0 : i32
        %dma_start3A_83 = tpu.memref_slice %arg7[%add3A_80, %dma_start3A_82] : memref<40x128xi32, #tpu.memory_space<vmem>> -> memref<1x128xi32, #tpu.memory_space<vmem>>
        %dma_start3A_84 = tpu.memref_squeeze %dma_start3A_83 : memref<1x128xi32, #tpu.memory_space<vmem>> -> memref<128xi32, #tpu.memory_space<vmem>>
        %dma_start3A_85 = arith.constant 0 : i32
        %dma_start3A_86 = arith.constant 0 : i32
        %dma_start3A_87 = tpu.memref_slice %arg10[%dma_start3A_85, %dma_start3A_86] : memref<10112x128xf32, #tpu.memory_space<vmem_shared>> -> memref<10112x128xf32, #tpu.memory_space<vmem_shared>>
        tpu.enqueue_indirect_dma source(%arg9 : memref<128x128xf32, #tpu.memory_space<vmem>>) target(%dma_start3A_87 : memref<10112x128xf32, #tpu.memory_space<vmem_shared>>) offsets(%dma_start3A_84 : memref<128xi32, #tpu.memory_space<vmem>>) semaphore(%run_scoped3A : memref<!tpu.dma_semaphore, #tpu.memory_space<semaphore_mem>>) {add = true}
        %dma_wait3A_88 = arith.constant 0 : i32
        %dma_wait3A_89 = tpu.memref_slice %arg7[%add3A_80, %dma_wait3A_88] : memref<40x128xi32, #tpu.memory_space<vmem>> -> memref<1x128xi32, #tpu.memory_space<vmem>>
        %dma_wait3A_90 = tpu.memref_squeeze %dma_wait3A_89 : memref<1x128xi32, #tpu.memory_space<vmem>> -> memref<128xi32, #tpu.memory_space<vmem>>
        %dma_wait3A_91 = arith.constant 0 : i32
        %dma_wait3A_92 = arith.constant 0 : i32
        %dma_wait3A_93 = tpu.memref_slice %arg10[%dma_wait3A_91, %dma_wait3A_92] : memref<10112x128xf32, #tpu.memory_space<vmem_shared>> -> memref<10112x128xf32, #tpu.memory_space<vmem_shared>>
        tpu.wait_indirect_dma semaphore(%run_scoped3A : memref<!tpu.dma_semaphore, #tpu.memory_space<semaphore_mem>>) src(%arg9 : memref<128x128xf32, #tpu.memory_space<vmem>>) dst(%dma_wait3A_93 : memref<10112x128xf32, #tpu.memory_space<vmem_shared>>)
        tpu.yield
      }) : () -> ()
      %scan3A_81 = arith.constant 0 : i32
      scf.yield %scan3A_81 : i32
    }
    %scan3A_45 = arith.constant 20 : i32
    %barrier3A_46 = arith.constant 0 : index
    tpu.barrier barrier_id(%barrier3A_46)
    %mul3A_47 = arith.constant 10112 : i32
    %mul3A_48 = arith.muli %arg0, %mul3A_47 : i32
    %add3A_49 = arith.addi %mul3A_48, %mul3A_8 : i32
    "tpu.region"() ({
      %run_scoped3A = tpu.sem_alloc : memref<!tpu.dma_semaphore, #tpu.memory_space<semaphore_mem>>
      %dma_start3A_50 = arith.constant 0 : i32
      %dma_start3A_51 = tpu.memref_slice %arg5[%add3A_49, %dma_start3A_50] : memref<20224x128xf32, #tpu.memory_space<hbm>> -> memref<632x128xf32, #tpu.memory_space<hbm>>
      %dma_start3A_52 = arith.constant 0 : i32
      %dma_start3A_53 = tpu.memref_slice %arg10[%mul3A_8, %dma_start3A_52] : memref<10112x128xf32, #tpu.memory_space<vmem_shared>> -> memref<632x128xf32, #tpu.memory_space<vmem_shared>>
      tpu.enqueue_dma source(%dma_start3A_53 : memref<632x128xf32, #tpu.memory_space<vmem_shared>>) target(%dma_start3A_51 : memref<632x128xf32, #tpu.memory_space<hbm>>) target_semaphore(%run_scoped3A : memref<!tpu.dma_semaphore, #tpu.memory_space<semaphore_mem>>)
      %dma_wait3A = arith.constant 0 : i32
      %dma_wait3A_54 = tpu.memref_slice %arg5[%add3A_49, %dma_wait3A] : memref<20224x128xf32, #tpu.memory_space<hbm>> -> memref<632x128xf32, #tpu.memory_space<hbm>>
      %dma_wait3A_55 = arith.constant 0 : i32
      %dma_wait3A_56 = tpu.memref_slice %arg10[%mul3A_8, %dma_wait3A_55] : memref<10112x128xf32, #tpu.memory_space<vmem_shared>> -> memref<632x128xf32, #tpu.memory_space<vmem_shared>>
      tpu.wait_dma2 semaphore(%run_scoped3A : memref<!tpu.dma_semaphore, #tpu.memory_space<semaphore_mem>>) src(%dma_wait3A_56 : memref<632x128xf32, #tpu.memory_space<vmem_shared>>) dst(%dma_wait3A_54 : memref<632x128xf32, #tpu.memory_space<hbm>>)
      tpu.yield
    }) : () -> ()
    return
  }
}

#map = affine_map<(d0, d1) -> (0, 0)>
#map1 = affine_map<(d0, d1) -> (0, 0, 0)>
module attributes {stable_mosaic.version = 14 : i64} {
  func.func @run(%arg0: i32, %arg1: i32, %arg2: memref<10000x128xf32, #tpu.memory_space<hbm>>, %arg3: memref<32x80x128xi32, #tpu.memory_space<hbm>>, %arg4: memref<32x80x128xi32, #tpu.memory_space<hbm>>, %arg5: memref<20224x128xf32, #tpu.memory_space<hbm>>, %arg6: memref<40x128xi32, #tpu.memory_space<vmem>>, %arg7: memref<40x128xi32, #tpu.memory_space<vmem>>, %arg8: memref<128x128xf32, #tpu.memory_space<vmem>>, %arg9: memref<128x128xf32, #tpu.memory_space<vmem>>, %arg10: memref<10112x128xf32, #tpu.memory_space<vmem_shared>>, %arg11: memref<!tpu.dma_semaphore, #tpu.memory_space<semaphore_mem>>, %arg12: memref<!tpu.dma_semaphore, #tpu.memory_space<semaphore_mem>>, %arg13: memref<!tpu.dma_semaphore, #tpu.memory_space<semaphore_mem>>, %arg14: memref<!tpu.dma_semaphore, #tpu.memory_space<semaphore_mem>>) attributes {dimension_semantics = [#tpu.dimension_semantics<core_parallel>, #tpu.dimension_semantics<subcore_parallel>], iteration_bounds = array<i64: 2, 16>, scalar_prefetch = 0 : i64, scratch_operands = 9 : i64, tpu.core_type = #tpu.core_type<sc_vector_subcore>, window_params = [{transform_indices = #map}, {transform_indices = #map1}, {transform_indices = #map1}, {transform_indices = #map}]} {
    %mul3A = arith.constant 16 : i32
    %mul3A_0 = arith.muli %arg0, %mul3A : i32
    %add3A = arith.addi %mul3A_0, %arg1 : i32
    %scan3A = arith.constant 0 : i32
    %scan3A_1 = arith.constant 0 : i32
    %scan3A_2 = arith.constant 128 : i32
    %scan3A_3 = arith.addi %scan3A_1, %scan3A_2 : i32
    %scan3A_4 = arith.constant 1 : i32
    %scan3A_5 = scf.for %scan3A_50 = %scan3A_1 to %scan3A_3 step %scan3A_4 iter_args(%scan3A_51 = %scan3A) -> (i32)  : i32 {
      %scan3A_52 = arith.constant 0 : i32
      %scan3A_53 = arith.constant 0 : i32
      %scan3A_54 = arith.constant 8 : i32
      %scan3A_55 = arith.addi %scan3A_53, %scan3A_54 : i32
      %scan3A_56 = arith.constant 1 : i32
      %scan3A_57 = scf.for %scan3A_59 = %scan3A_53 to %scan3A_55 step %scan3A_56 iter_args(%scan3A_60 = %scan3A_52) -> (i32)  : i32 {
        %broadcast_in_dim3A = arith.constant 0.000000e+00 : f32
        %broadcast_in_dim3A_61 = vector.broadcast %broadcast_in_dim3A : f32 to vector<16xf32>
        %mul3A_62 = arith.constant 16 : i32
        %mul3A_63 = arith.muli %scan3A_59, %mul3A_62 : i32
        %swap3A = arith.index_cast %scan3A_50 : i32 to index
        %swap3A_64 = arith.index_cast %mul3A_63 : i32 to index
        %swap3A_65 = tpu.vector_load %arg8[%swap3A, %swap3A_64] {strides = array<i32>} : memref<128x128xf32, #tpu.memory_space<vmem>>, vector<1x16xf32>,
        %swap3A_66 = vector.shape_cast %swap3A_65 : vector<1x16xf32> to vector<16xf32>
        %swap3A_67 = vector.shape_cast %broadcast_in_dim3A_61 : vector<16xf32> to vector<1x16xf32>
        tpu.vector_store %arg8[%swap3A, %swap3A_64], %swap3A_67 {strides = array<i32>} : memref<128x128xf32, #tpu.memory_space<vmem>>, vector<1x16xf32>,
        %scan3A_68 = arith.constant 0 : i32
        scf.yield %scan3A_68 : i32
      }
      %scan3A_58 = arith.constant 8 : i32
      scf.yield %scan3A_57 : i32
    }
    %scan3A_6 = arith.constant 128 : i32
    %mul3A_7 = arith.constant 632 : i32
    %mul3A_8 = arith.muli %arg1, %mul3A_7 : i32
    %add3A_9 = arith.constant 0 : i32
    %add3A_10 = arith.addi %mul3A_8, %add3A_9 : i32
    "tpu.region"() ({
      %run_scoped3A = tpu.sem_alloc : memref<!tpu.dma_semaphore, #tpu.memory_space<semaphore_mem>>
      %dma_start3A_50 = arith.constant 0 : i32
      %dma_start3A_51 = tpu.memref_slice %arg10[%add3A_10, %dma_start3A_50] : memref<10112x128xf32, #tpu.memory_space<vmem_shared>> -> memref<128x128xf32, #tpu.memory_space<vmem_shared>>
      %dma_start3A_52 = arith.constant 0 : i32
      %dma_start3A_53 = tpu.memref_slice %arg10[%add3A_10, %dma_start3A_52] : memref<10112x128xf32, #tpu.memory_space<vmem_shared>> -> memref<128x128xf32, #tpu.memory_space<vmem_shared>>
      tpu.enqueue_dma source(%arg8 : memref<128x128xf32, #tpu.memory_space<vmem>>) target(%dma_start3A_53 : memref<128x128xf32, #tpu.memory_space<vmem_shared>>) target_semaphore(%run_scoped3A : memref<!tpu.dma_semaphore, #tpu.memory_space<semaphore_mem>>)
      %dma_wait3A = arith.constant 0 : i32
      %dma_wait3A_54 = tpu.memref_slice %arg10[%add3A_10, %dma_wait3A] : memref<10112x128xf32, #tpu.memory_space<vmem_shared>> -> memref<128x128xf32, #tpu.memory_space<vmem_shared>>
      %dma_wait3A_55 = arith.constant 0 : i32
      %dma_wait3A_56 = tpu.memref_slice %arg10[%add3A_10, %dma_wait3A_55] : memref<10112x128xf32, #tpu.memory_space<vmem_shared>> -> memref<128x128xf32, #tpu.memory_space<vmem_shared>>
      tpu.wait_dma2 semaphore(%run_scoped3A : memref<!tpu.dma_semaphore, #tpu.memory_space<semaphore_mem>>) src(%arg8 : memref<128x128xf32, #tpu.memory_space<vmem>>) dst(%dma_wait3A_56 : memref<128x128xf32, #tpu.memory_space<vmem_shared>>)
      tpu.yield
    }) : () -> ()
    %add3A_11 = arith.constant 128 : i32
    %add3A_12 = arith.addi %mul3A_8, %add3A_11 : i32
    "tpu.region"() ({
      %run_scoped3A = tpu.sem_alloc : memref<!tpu.dma_semaphore, #tpu.memory_space<semaphore_mem>>
      %dma_start3A_50 = arith.constant 0 : i32
      %dma_start3A_51 = tpu.memref_slice %arg10[%add3A_12, %dma_start3A_50] : memref<10112x128xf32, #tpu.memory_space<vmem_shared>> -> memref<128x128xf32, #tpu.memory_space<vmem_shared>>
      %dma_start3A_52 = arith.constant 0 : i32
      %dma_start3A_53 = tpu.memref_slice %arg10[%add3A_12, %dma_start3A_52] : memref<10112x128xf32, #tpu.memory_space<vmem_shared>> -> memref<128x128xf32, #tpu.memory_space<vmem_shared>>
      tpu.enqueue_dma source(%arg8 : memref<128x128xf32, #tpu.memory_space<vmem>>) target(%dma_start3A_53 : memref<128x128xf32, #tpu.memory_space<vmem_shared>>) target_semaphore(%run_scoped3A : memref<!tpu.dma_semaphore, #tpu.memory_space<semaphore_mem>>)
      %dma_wait3A = arith.constant 0 : i32
      %dma_wait3A_54 = tpu.memref_slice %arg10[%add3A_12, %dma_wait3A] : memref<10112x128xf32, #tpu.memory_space<vmem_shared>> -> memref<128x128xf32, #tpu.memory_space<vmem_shared>>
      %dma_wait3A_55 = arith.constant 0 : i32
      %dma_wait3A_56 = tpu.memref_slice %arg10[%add3A_12, %dma_wait3A_55] : memref<10112x128xf32, #tpu.memory_space<vmem_shared>> -> memref<128x128xf32, #tpu.memory_space<vmem_shared>>
      tpu.wait_dma2 semaphore(%run_scoped3A : memref<!tpu.dma_semaphore, #tpu.memory_space<semaphore_mem>>) src(%arg8 : memref<128x128xf32, #tpu.memory_space<vmem>>) dst(%dma_wait3A_56 : memref<128x128xf32, #tpu.memory_space<vmem_shared>>)
      tpu.yield
    }) : () -> ()
    %add3A_13 = arith.constant 256 : i32
    %add3A_14 = arith.addi %mul3A_8, %add3A_13 : i32
    "tpu.region"() ({
      %run_scoped3A = tpu.sem_alloc : memref<!tpu.dma_semaphore, #tpu.memory_space<semaphore_mem>>
      %dma_start3A_50 = arith.constant 0 : i32
      %dma_start3A_51 = tpu.memref_slice %arg10[%add3A_14, %dma_start3A_50] : memref<10112x128xf32, #tpu.memory_space<vmem_shared>> -> memref<128x128xf32, #tpu.memory_space<vmem_shared>>
      %dma_start3A_52 = arith.constant 0 : i32
      %dma_start3A_53 = tpu.memref_slice %arg10[%add3A_14, %dma_start3A_52] : memref<10112x128xf32, #tpu.memory_space<vmem_shared>> -> memref<128x128xf32, #tpu.memory_space<vmem_shared>>
      tpu.enqueue_dma source(%arg8 : memref<128x128xf32, #tpu.memory_space<vmem>>) target(%dma_start3A_53 : memref<128x128xf32, #tpu.memory_space<vmem_shared>>) target_semaphore(%run_scoped3A : memref<!tpu.dma_semaphore, #tpu.memory_space<semaphore_mem>>)
      %dma_wait3A = arith.constant 0 : i32
      %dma_wait3A_54 = tpu.memref_slice %arg10[%add3A_14, %dma_wait3A] : memref<10112x128xf32, #tpu.memory_space<vmem_shared>> -> memref<128x128xf32, #tpu.memory_space<vmem_shared>>
      %dma_wait3A_55 = arith.constant 0 : i32
      %dma_wait3A_56 = tpu.memref_slice %arg10[%add3A_14, %dma_wait3A_55] : memref<10112x128xf32, #tpu.memory_space<vmem_shared>> -> memref<128x128xf32, #tpu.memory_space<vmem_shared>>
      tpu.wait_dma2 semaphore(%run_scoped3A : memref<!tpu.dma_semaphore, #tpu.memory_space<semaphore_mem>>) src(%arg8 : memref<128x128xf32, #tpu.memory_space<vmem>>) dst(%dma_wait3A_56 : memref<128x128xf32, #tpu.memory_space<vmem_shared>>)
      tpu.yield
    }) : () -> ()
    %add3A_15 = arith.constant 384 : i32
    %add3A_16 = arith.addi %mul3A_8, %add3A_15 : i32
    "tpu.region"() ({
      %run_scoped3A = tpu.sem_alloc : memref<!tpu.dma_semaphore, #tpu.memory_space<semaphore_mem>>
      %dma_start3A_50 = arith.constant 0 : i32
      %dma_start3A_51 = tpu.memref_slice %arg10[%add3A_16, %dma_start3A_50] : memref<10112x128xf32, #tpu.memory_space<vmem_shared>> -> memref<128x128xf32, #tpu.memory_space<vmem_shared>>
      %dma_start3A_52 = arith.constant 0 : i32
      %dma_start3A_53 = tpu.memref_slice %arg10[%add3A_16, %dma_start3A_52] : memref<10112x128xf32, #tpu.memory_space<vmem_shared>> -> memref<128x128xf32, #tpu.memory_space<vmem_shared>>
      tpu.enqueue_dma source(%arg8 : memref<128x128xf32, #tpu.memory_space<vmem>>) target(%dma_start3A_53 : memref<128x128xf32, #tpu.memory_space<vmem_shared>>) target_semaphore(%run_scoped3A : memref<!tpu.dma_semaphore, #tpu.memory_space<semaphore_mem>>)
      %dma_wait3A = arith.constant 0 : i32
      %dma_wait3A_54 = tpu.memref_slice %arg10[%add3A_16, %dma_wait3A] : memref<10112x128xf32, #tpu.memory_space<vmem_shared>> -> memref<128x128xf32, #tpu.memory_space<vmem_shared>>
      %dma_wait3A_55 = arith.constant 0 : i32
      %dma_wait3A_56 = tpu.memref_slice %arg10[%add3A_16, %dma_wait3A_55] : memref<10112x128xf32, #tpu.memory_space<vmem_shared>> -> memref<128x128xf32, #tpu.memory_space<vmem_shared>>
      tpu.wait_dma2 semaphore(%run_scoped3A : memref<!tpu.dma_semaphore, #tpu.memory_space<semaphore_mem>>) src(%arg8 : memref<128x128xf32, #tpu.memory_space<vmem>>) dst(%dma_wait3A_56 : memref<128x128xf32, #tpu.memory_space<vmem_shared>>)
      tpu.yield
    }) : () -> ()
    %add3A_17 = arith.constant 512 : i32
    %add3A_18 = arith.addi %mul3A_8, %add3A_17 : i32
    "tpu.region"() ({
      %run_scoped3A = tpu.sem_alloc : memref<!tpu.dma_semaphore, #tpu.memory_space<semaphore_mem>>
      %dma_start3A_50 = arith.constant 0 : i32
      %dma_start3A_51 = arith.constant 0 : i32
      %dma_start3A_52 = tpu.memref_slice %arg8[%dma_start3A_50, %dma_start3A_51] : memref<128x128xf32, #tpu.memory_space<vmem>> -> memref<120x128xf32, #tpu.memory_space<vmem>>
      %dma_start3A_53 = arith.constant 0 : i32
      %dma_start3A_54 = tpu.memref_slice %arg10[%add3A_18, %dma_start3A_53] : memref<10112x128xf32, #tpu.memory_space<vmem_shared>> -> memref<120x128xf32, #tpu.memory_space<vmem_shared>>
      %dma_start3A_55 = arith.constant 0 : i32
      %dma_start3A_56 = tpu.memref_slice %arg10[%add3A_18, %dma_start3A_55] : memref<10112x128xf32, #tpu.memory_space<vmem_shared>> -> memref<120x128xf32, #tpu.memory_space<vmem_shared>>
      %dma_start3A_57 = arith.constant 0 : i32
      %dma_start3A_58 = arith.constant 0 : i32
      %dma_start3A_59 = tpu.memref_slice %arg8[%dma_start3A_57, %dma_start3A_58] : memref<128x128xf32, #tpu.memory_space<vmem>> -> memref<120x128xf32, #tpu.memory_space<vmem>>
      tpu.enqueue_dma source(%dma_start3A_59 : memref<120x128xf32, #tpu.memory_space<vmem>>) target(%dma_start3A_56 : memref<120x128xf32, #tpu.memory_space<vmem_shared>>) target_semaphore(%run_scoped3A : memref<!tpu.dma_semaphore, #tpu.memory_space<semaphore_mem>>)
      %dma_wait3A = arith.constant 0 : i32
      %dma_wait3A_60 = arith.constant 0 : i32
      %dma_wait3A_61 = tpu.memref_slice %arg8[%dma_wait3A, %dma_wait3A_60] : memref<128x128xf32, #tpu.memory_space<vmem>> -> memref<120x128xf32, #tpu.memory_space<vmem>>
      %dma_wait3A_62 = arith.constant 0 : i32
      %dma_wait3A_63 = tpu.memref_slice %arg10[%add3A_18, %dma_wait3A_62] : memref<10112x128xf32, #tpu.memory_space<vmem_shared>> -> memref<120x128xf32, #tpu.memory_space<vmem_shared>>
      %dma_wait3A_64 = arith.constant 0 : i32
      %dma_wait3A_65 = tpu.memref_slice %arg10[%add3A_18, %dma_wait3A_64] : memref<10112x128xf32, #tpu.memory_space<vmem_shared>> -> memref<120x128xf32, #tpu.memory_space<vmem_shared>>
      %dma_wait3A_66 = arith.constant 0 : i32
      %dma_wait3A_67 = arith.constant 0 : i32
      %dma_wait3A_68 = tpu.memref_slice %arg8[%dma_wait3A_66, %dma_wait3A_67] : memref<128x128xf32, #tpu.memory_space<vmem>> -> memref<120x128xf32, #tpu.memory_space<vmem>>
      tpu.wait_dma2 semaphore(%run_scoped3A : memref<!tpu.dma_semaphore, #tpu.memory_space<semaphore_mem>>) src(%dma_wait3A_68 : memref<120x128xf32, #tpu.memory_space<vmem>>) dst(%dma_wait3A_65 : memref<120x128xf32, #tpu.memory_space<vmem_shared>>)
      tpu.yield
    }) : () -> ()
    %barrier3A = arith.constant 0 : index
    tpu.barrier barrier_id(%barrier3A)
    "tpu.region"() ({
      %run_scoped3A = tpu.sem_alloc : memref<!tpu.dma_semaphore, #tpu.memory_space<semaphore_mem>>
      %dma_start3A_50 = arith.constant 0 : i32
      %dma_start3A_51 = arith.constant 0 : i32
      %dma_start3A_52 = tpu.memref_slice %arg3[%add3A, %dma_start3A_50, %dma_start3A_51] : memref<32x80x128xi32, #tpu.memory_space<hbm>> -> memref<1x40x128xi32, #tpu.memory_space<hbm>>
      %dma_start3A_53 = tpu.memref_squeeze %dma_start3A_52 : memref<1x40x128xi32, #tpu.memory_space<hbm>> -> memref<40x128xi32, #tpu.memory_space<hbm>>
      %dma_start3A_54 = arith.constant 0 : i32
      %dma_start3A_55 = arith.constant 0 : i32
      %dma_start3A_56 = tpu.memref_slice %arg3[%add3A, %dma_start3A_54, %dma_start3A_55] : memref<32x80x128xi32, #tpu.memory_space<hbm>> -> memref<1x40x128xi32, #tpu.memory_space<hbm>>
      %dma_start3A_57 = tpu.memref_squeeze %dma_start3A_56 : memref<1x40x128xi32, #tpu.memory_space<hbm>> -> memref<40x128xi32, #tpu.memory_space<hbm>>
      tpu.enqueue_dma source(%dma_start3A_57 : memref<40x128xi32, #tpu.memory_space<hbm>>) target(%arg6 : memref<40x128xi32, #tpu.memory_space<vmem>>) target_semaphore(%run_scoped3A : memref<!tpu.dma_semaphore, #tpu.memory_space<semaphore_mem>>)
      %dma_wait3A = arith.constant 0 : i32
      %dma_wait3A_58 = arith.constant 0 : i32
      %dma_wait3A_59 = tpu.memref_slice %arg3[%add3A, %dma_wait3A, %dma_wait3A_58] : memref<32x80x128xi32, #tpu.memory_space<hbm>> -> memref<1x40x128xi32, #tpu.memory_space<hbm>>
      %dma_wait3A_60 = tpu.memref_squeeze %dma_wait3A_59 : memref<1x40x128xi32, #tpu.memory_space<hbm>> -> memref<40x128xi32, #tpu.memory_space<hbm>>
      %dma_wait3A_61 = arith.constant 0 : i32
      %dma_wait3A_62 = arith.constant 0 : i32
      %dma_wait3A_63 = tpu.memref_slice %arg3[%add3A, %dma_wait3A_61, %dma_wait3A_62] : memref<32x80x128xi32, #tpu.memory_space<hbm>> -> memref<1x40x128xi32, #tpu.memory_space<hbm>>
      %dma_wait3A_64 = tpu.memref_squeeze %dma_wait3A_63 : memref<1x40x128xi32, #tpu.memory_space<hbm>> -> memref<40x128xi32, #tpu.memory_space<hbm>>
      tpu.wait_dma2 semaphore(%run_scoped3A : memref<!tpu.dma_semaphore, #tpu.memory_space<semaphore_mem>>) src(%dma_wait3A_64 : memref<40x128xi32, #tpu.memory_space<hbm>>) dst(%arg6 : memref<40x128xi32, #tpu.memory_space<vmem>>)
      tpu.yield
    }) : () -> ()
    "tpu.region"() ({
      %run_scoped3A = tpu.sem_alloc : memref<!tpu.dma_semaphore, #tpu.memory_space<semaphore_mem>>
      %dma_start3A_50 = arith.constant 0 : i32
      %dma_start3A_51 = arith.constant 0 : i32
      %dma_start3A_52 = tpu.memref_slice %arg4[%add3A, %dma_start3A_50, %dma_start3A_51] : memref<32x80x128xi32, #tpu.memory_space<hbm>> -> memref<1x40x128xi32, #tpu.memory_space<hbm>>
      %dma_start3A_53 = tpu.memref_squeeze %dma_start3A_52 : memref<1x40x128xi32, #tpu.memory_space<hbm>> -> memref<40x128xi32, #tpu.memory_space<hbm>>
      %dma_start3A_54 = arith.constant 0 : i32
      %dma_start3A_55 = arith.constant 0 : i32
      %dma_start3A_56 = tpu.memref_slice %arg4[%add3A, %dma_start3A_54, %dma_start3A_55] : memref<32x80x128xi32, #tpu.memory_space<hbm>> -> memref<1x40x128xi32, #tpu.memory_space<hbm>>
      %dma_start3A_57 = tpu.memref_squeeze %dma_start3A_56 : memref<1x40x128xi32, #tpu.memory_space<hbm>> -> memref<40x128xi32, #tpu.memory_space<hbm>>
      tpu.enqueue_dma source(%dma_start3A_57 : memref<40x128xi32, #tpu.memory_space<hbm>>) target(%arg7 : memref<40x128xi32, #tpu.memory_space<vmem>>) target_semaphore(%run_scoped3A : memref<!tpu.dma_semaphore, #tpu.memory_space<semaphore_mem>>)
      %dma_wait3A = arith.constant 0 : i32
      %dma_wait3A_58 = arith.constant 0 : i32
      %dma_wait3A_59 = tpu.memref_slice %arg4[%add3A, %dma_wait3A, %dma_wait3A_58] : memref<32x80x128xi32, #tpu.memory_space<hbm>> -> memref<1x40x128xi32, #tpu.memory_space<hbm>>
      %dma_wait3A_60 = tpu.memref_squeeze %dma_wait3A_59 : memref<1x40x128xi32, #tpu.memory_space<hbm>> -> memref<40x128xi32, #tpu.memory_space<hbm>>
      %dma_wait3A_61 = arith.constant 0 : i32
      %dma_wait3A_62 = arith.constant 0 : i32
      %dma_wait3A_63 = tpu.memref_slice %arg4[%add3A, %dma_wait3A_61, %dma_wait3A_62] : memref<32x80x128xi32, #tpu.memory_space<hbm>> -> memref<1x40x128xi32, #tpu.memory_space<hbm>>
      %dma_wait3A_64 = tpu.memref_squeeze %dma_wait3A_63 : memref<1x40x128xi32, #tpu.memory_space<hbm>> -> memref<40x128xi32, #tpu.memory_space<hbm>>
      tpu.wait_dma2 semaphore(%run_scoped3A : memref<!tpu.dma_semaphore, #tpu.memory_space<semaphore_mem>>) src(%dma_wait3A_64 : memref<40x128xi32, #tpu.memory_space<hbm>>) dst(%arg7 : memref<40x128xi32, #tpu.memory_space<vmem>>)
      tpu.yield
    }) : () -> ()
    %dma_start3A = arith.constant 0 : i32
    %dma_start3A_19 = arith.constant 0 : i32
    %dma_start3A_20 = tpu.memref_slice %arg6[%dma_start3A, %dma_start3A_19] : memref<40x128xi32, #tpu.memory_space<vmem>> -> memref<1x128xi32, #tpu.memory_space<vmem>>
    %dma_start3A_21 = tpu.memref_squeeze %dma_start3A_20 : memref<1x128xi32, #tpu.memory_space<vmem>> -> memref<128xi32, #tpu.memory_space<vmem>>
    %dma_start3A_22 = arith.constant 0 : i32
    %dma_start3A_23 = arith.constant 0 : i32
    %dma_start3A_24 = tpu.memref_slice %arg2[%dma_start3A_22, %dma_start3A_23] : memref<10000x128xf32, #tpu.memory_space<hbm>> -> memref<10000x128xf32, #tpu.memory_space<hbm>>
    tpu.enqueue_indirect_dma source(%dma_start3A_24 : memref<10000x128xf32, #tpu.memory_space<hbm>>) target(%arg8 : memref<128x128xf32, #tpu.memory_space<vmem>>) offsets(%dma_start3A_21 : memref<128xi32, #tpu.memory_space<vmem>>) semaphore(%arg11 : memref<!tpu.dma_semaphore, #tpu.memory_space<semaphore_mem>>)
    %scan3A_25 = arith.constant 0 : i32
    %scan3A_26 = arith.constant 0 : i32
    %scan3A_27 = arith.constant 20 : i32
    %scan3A_28 = arith.addi %scan3A_26, %scan3A_27 : i32
    %scan3A_29 = arith.constant 1 : i32
    %scan3A_30 = scf.for %scan3A_50 = %scan3A_26 to %scan3A_28 step %scan3A_29 iter_args(%scan3A_51 = %scan3A_25) -> (i32)  : i32 {
      %mul3A_52 = arith.constant 2 : i32
      %mul3A_53 = arith.muli %mul3A_52, %scan3A_50 : i32
      %dma_wait3A = arith.constant 0 : i32
      %dma_wait3A_54 = arith.constant 0 : i32
      %dma_wait3A_55 = tpu.memref_slice %arg6[%dma_wait3A, %dma_wait3A_54] : memref<40x128xi32, #tpu.memory_space<vmem>> -> memref<1x128xi32, #tpu.memory_space<vmem>>
      %dma_wait3A_56 = tpu.memref_squeeze %dma_wait3A_55 : memref<1x128xi32, #tpu.memory_space<vmem>> -> memref<128xi32, #tpu.memory_space<vmem>>
      %dma_wait3A_57 = arith.constant 0 : i32
      %dma_wait3A_58 = arith.constant 0 : i32
      %dma_wait3A_59 = tpu.memref_slice %arg2[%dma_wait3A_57, %dma_wait3A_58] : memref<10000x128xf32, #tpu.memory_space<hbm>> -> memref<10000x128xf32, #tpu.memory_space<hbm>>
      tpu.wait_indirect_dma semaphore(%arg11 : memref<!tpu.dma_semaphore, #tpu.memory_space<semaphore_mem>>) src(%dma_wait3A_59 : memref<10000x128xf32, #tpu.memory_space<hbm>>) dst(%arg8 : memref<128x128xf32, #tpu.memory_space<vmem>>)
      %add3A_60 = arith.constant 1 : i32
      %add3A_61 = arith.addi %mul3A_53, %add3A_60 : i32
      %dma_start3A_62 = arith.constant 0 : i32
      %dma_start3A_63 = tpu.memref_slice %arg6[%add3A_61, %dma_start3A_62] : memref<40x128xi32, #tpu.memory_space<vmem>> -> memref<1x128xi32, #tpu.memory_space<vmem>>
      %dma_start3A_64 = tpu.memref_squeeze %dma_start3A_63 : memref<1x128xi32, #tpu.memory_space<vmem>> -> memref<128xi32, #tpu.memory_space<vmem>>
      %dma_start3A_65 = arith.constant 0 : i32
      %dma_start3A_66 = arith.constant 0 : i32
      %dma_start3A_67 = tpu.memref_slice %arg2[%dma_start3A_65, %dma_start3A_66] : memref<10000x128xf32, #tpu.memory_space<hbm>> -> memref<10000x128xf32, #tpu.memory_space<hbm>>
      tpu.enqueue_indirect_dma source(%dma_start3A_67 : memref<10000x128xf32, #tpu.memory_space<hbm>>) target(%arg9 : memref<128x128xf32, #tpu.memory_space<vmem>>) offsets(%dma_start3A_64 : memref<128xi32, #tpu.memory_space<vmem>>) semaphore(%arg12 : memref<!tpu.dma_semaphore, #tpu.memory_space<semaphore_mem>>)
      "tpu.region"() ({
        %run_scoped3A = tpu.sem_alloc : memref<!tpu.dma_semaphore, #tpu.memory_space<semaphore_mem>>
        %dma_start3A_82 = arith.constant 0 : i32
        %dma_start3A_83 = tpu.memref_slice %arg7[%mul3A_53, %dma_start3A_82] : memref<40x128xi32, #tpu.memory_space<vmem>> -> memref<1x128xi32, #tpu.memory_space<vmem>>
        %dma_start3A_84 = tpu.memref_squeeze %dma_start3A_83 : memref<1x128xi32, #tpu.memory_space<vmem>> -> memref<128xi32, #tpu.memory_space<vmem>>
        %dma_start3A_85 = arith.constant 0 : i32
        %dma_start3A_86 = arith.constant 0 : i32
        %dma_start3A_87 = tpu.memref_slice %arg10[%dma_start3A_85, %dma_start3A_86] : memref<10112x128xf32, #tpu.memory_space<vmem_shared>> -> memref<10112x128xf32, #tpu.memory_space<vmem_shared>>
        tpu.enqueue_indirect_dma source(%arg8 : memref<128x128xf32, #tpu.memory_space<vmem>>) target(%dma_start3A_87 : memref<10112x128xf32, #tpu.memory_space<vmem_shared>>) offsets(%dma_start3A_84 : memref<128xi32, #tpu.memory_space<vmem>>) semaphore(%run_scoped3A : memref<!tpu.dma_semaphore, #tpu.memory_space<semaphore_mem>>) {add = true}
        %dma_wait3A_88 = arith.constant 0 : i32
        %dma_wait3A_89 = tpu.memref_slice %arg7[%mul3A_53, %dma_wait3A_88] : memref<40x128xi32, #tpu.memory_space<vmem>> -> memref<1x128xi32, #tpu.memory_space<vmem>>
        %dma_wait3A_90 = tpu.memref_squeeze %dma_wait3A_89 : memref<1x128xi32, #tpu.memory_space<vmem>> -> memref<128xi32, #tpu.memory_space<vmem>>
        %dma_wait3A_91 = arith.constant 0 : i32
        %dma_wait3A_92 = arith.constant 0 : i32
        %dma_wait3A_93 = tpu.memref_slice %arg10[%dma_wait3A_91, %dma_wait3A_92] : memref<10112x128xf32, #tpu.memory_space<vmem_shared>> -> memref<10112x128xf32, #tpu.memory_space<vmem_shared>>
        tpu.wait_indirect_dma semaphore(%run_scoped3A : memref<!tpu.dma_semaphore, #tpu.memory_space<semaphore_mem>>) src(%arg8 : memref<128x128xf32, #tpu.memory_space<vmem>>) dst(%dma_wait3A_93 : memref<10112x128xf32, #tpu.memory_space<vmem_shared>>)
        tpu.yield
      }) : () -> ()
      %dma_wait3A_68 = arith.constant 0 : i32
      %dma_wait3A_69 = arith.constant 0 : i32
      %dma_wait3A_70 = tpu.memref_slice %arg6[%dma_wait3A_68, %dma_wait3A_69] : memref<40x128xi32, #tpu.memory_space<vmem>> -> memref<1x128xi32, #tpu.memory_space<vmem>>
      %dma_wait3A_71 = tpu.memref_squeeze %dma_wait3A_70 : memref<1x128xi32, #tpu.memory_space<vmem>> -> memref<128xi32, #tpu.memory_space<vmem>>
      %dma_wait3A_72 = arith.constant 0 : i32
      %dma_wait3A_73 = arith.constant 0 : i32
      %dma_wait3A_74 = tpu.memref_slice %arg2[%dma_wait3A_72, %dma_wait3A_73] : memref<10000x128xf32, #tpu.memory_space<hbm>> -> memref<10000x128xf32, #tpu.memory_space<hbm>>
      tpu.wait_indirect_dma semaphore(%arg12 : memref<!tpu.dma_semaphore, #tpu.memory_space<semaphore_mem>>) src(%dma_wait3A_74 : memref<10000x128xf32, #tpu.memory_space<hbm>>) dst(%arg9 : memref<128x128xf32, #tpu.memory_space<vmem>>)
      %add3A_75 = arith.constant 2 : i32
      %add3A_76 = arith.addi %mul3A_53, %add3A_75 : i32
      %lt3A = arith.constant 40 : i32
      %lt3A_77 = arith.cmpi slt, %add3A_76, %lt3A : i32
      %convert_element_type3A = arith.extui %lt3A_77 : i1 to i32
      %cond3A = arith.constant 0 : i32
      %cond3A_78 = arith.cmpi ne, %convert_element_type3A, %cond3A : i32
      scf.if %cond3A_78 {
        %add3A_82 = arith.constant 2 : i32
        %add3A_83 = arith.addi %mul3A_53, %add3A_82 : i32
        %dma_start3A_84 = arith.constant 0 : i32
        %dma_start3A_85 = tpu.memref_slice %arg6[%add3A_83, %dma_start3A_84] : memref<40x128xi32, #tpu.memory_space<vmem>> -> memref<1x128xi32, #tpu.memory_space<vmem>>
        %dma_start3A_86 = tpu.memref_squeeze %dma_start3A_85 : memref<1x128xi32, #tpu.memory_space<vmem>> -> memref<128xi32, #tpu.memory_space<vmem>>
        %dma_start3A_87 = arith.constant 0 : i32
        %dma_start3A_88 = arith.constant 0 : i32
        %dma_start3A_89 = tpu.memref_slice %arg2[%dma_start3A_87, %dma_start3A_88] : memref<10000x128xf32, #tpu.memory_space<hbm>> -> memref<10000x128xf32, #tpu.memory_space<hbm>>
        tpu.enqueue_indirect_dma source(%dma_start3A_89 : memref<10000x128xf32, #tpu.memory_space<hbm>>) target(%arg8 : memref<128x128xf32, #tpu.memory_space<vmem>>) offsets(%dma_start3A_86 : memref<128xi32, #tpu.memory_space<vmem>>) semaphore(%arg11 : memref<!tpu.dma_semaphore, #tpu.memory_space<semaphore_mem>>)
      } else {
      }
      %add3A_79 = arith.constant 1 : i32
      %add3A_80 = arith.addi %mul3A_53, %add3A_79 : i32
      "tpu.region"() ({
        %run_scoped3A = tpu.sem_alloc : memref<!tpu.dma_semaphore, #tpu.memory_space<semaphore_mem>>
        %dma_start3A_82 = arith.constant 0 : i32
        %dma_start3A_83 = tpu.memref_slice %arg7[%add3A_80, %dma_start3A_82] : memref<40x128xi32, #tpu.memory_space<vmem>> -> memref<1x128xi32, #tpu.memory_space<vmem>>
        %dma_start3A_84 = tpu.memref_squeeze %dma_start3A_83 : memref<1x128xi32, #tpu.memory_space<vmem>> -> memref<128xi32, #tpu.memory_space<vmem>>
        %dma_start3A_85 = arith.constant 0 : i32
        %dma_start3A_86 = arith.constant 0 : i32
        %dma_start3A_87 = tpu.memref_slice %arg10[%dma_start3A_85, %dma_start3A_86] : memref<10112x128xf32, #tpu.memory_space<vmem_shared>> -> memref<10112x128xf32, #tpu.memory_space<vmem_shared>>
        tpu.enqueue_indirect_dma source(%arg9 : memref<128x128xf32, #tpu.memory_space<vmem>>) target(%dma_start3A_87 : memref<10112x128xf32, #tpu.memory_space<vmem_shared>>) offsets(%dma_start3A_84 : memref<128xi32, #tpu.memory_space<vmem>>) semaphore(%run_scoped3A : memref<!tpu.dma_semaphore, #tpu.memory_space<semaphore_mem>>) {add = true}
        %dma_wait3A_88 = arith.constant 0 : i32
        %dma_wait3A_89 = tpu.memref_slice %arg7[%add3A_80, %dma_wait3A_88] : memref<40x128xi32, #tpu.memory_space<vmem>> -> memref<1x128xi32, #tpu.memory_space<vmem>>
        %dma_wait3A_90 = tpu.memref_squeeze %dma_wait3A_89 : memref<1x128xi32, #tpu.memory_space<vmem>> -> memref<128xi32, #tpu.memory_space<vmem>>
        %dma_wait3A_91 = arith.constant 0 : i32
        %dma_wait3A_92 = arith.constant 0 : i32
        %dma_wait3A_93 = tpu.memref_slice %arg10[%dma_wait3A_91, %dma_wait3A_92] : memref<10112x128xf32, #tpu.memory_space<vmem_shared>> -> memref<10112x128xf32, #tpu.memory_space<vmem_shared>>
        tpu.wait_indirect_dma semaphore(%run_scoped3A : memref<!tpu.dma_semaphore, #tpu.memory_space<semaphore_mem>>) src(%arg9 : memref<128x128xf32, #tpu.memory_space<vmem>>) dst(%dma_wait3A_93 : memref<10112x128xf32, #tpu.memory_space<vmem_shared>>)
        tpu.yield
      }) : () -> ()
      %scan3A_81 = arith.constant 0 : i32
      scf.yield %scan3A_81 : i32
    }
    %scan3A_31 = arith.constant 20 : i32
    "tpu.region"() ({
      %run_scoped3A = tpu.sem_alloc : memref<!tpu.dma_semaphore, #tpu.memory_space<semaphore_mem>>
      %dma_start3A_50 = arith.constant 40 : i32
      %dma_start3A_51 = arith.constant 0 : i32
      %dma_start3A_52 = tpu.memref_slice %arg3[%add3A, %dma_start3A_50, %dma_start3A_51] : memref<32x80x128xi32, #tpu.memory_space<hbm>> -> memref<1x40x128xi32, #tpu.memory_space<hbm>>
      %dma_start3A_53 = tpu.memref_squeeze %dma_start3A_52 : memref<1x40x128xi32, #tpu.memory_space<hbm>> -> memref<40x128xi32, #tpu.memory_space<hbm>>
      %dma_start3A_54 = arith.constant 40 : i32
      %dma_start3A_55 = arith.constant 0 : i32
      %dma_start3A_56 = tpu.memref_slice %arg3[%add3A, %dma_start3A_54, %dma_start3A_55] : memref<32x80x128xi32, #tpu.memory_space<hbm>> -> memref<1x40x128xi32, #tpu.memory_space<hbm>>
      %dma_start3A_57 = tpu.memref_squeeze %dma_start3A_56 : memref<1x40x128xi32, #tpu.memory_space<hbm>> -> memref<40x128xi32, #tpu.memory_space<hbm>>
      tpu.enqueue_dma source(%dma_start3A_57 : memref<40x128xi32, #tpu.memory_space<hbm>>) target(%arg6 : memref<40x128xi32, #tpu.memory_space<vmem>>) target_semaphore(%run_scoped3A : memref<!tpu.dma_semaphore, #tpu.memory_space<semaphore_mem>>)
      %dma_wait3A = arith.constant 40 : i32
      %dma_wait3A_58 = arith.constant 0 : i32
      %dma_wait3A_59 = tpu.memref_slice %arg3[%add3A, %dma_wait3A, %dma_wait3A_58] : memref<32x80x128xi32, #tpu.memory_space<hbm>> -> memref<1x40x128xi32, #tpu.memory_space<hbm>>
      %dma_wait3A_60 = tpu.memref_squeeze %dma_wait3A_59 : memref<1x40x128xi32, #tpu.memory_space<hbm>> -> memref<40x128xi32, #tpu.memory_space<hbm>>
      %dma_wait3A_61 = arith.constant 40 : i32
      %dma_wait3A_62 = arith.constant 0 : i32
      %dma_wait3A_63 = tpu.memref_slice %arg3[%add3A, %dma_wait3A_61, %dma_wait3A_62] : memref<32x80x128xi32, #tpu.memory_space<hbm>> -> memref<1x40x128xi32, #tpu.memory_space<hbm>>
      %dma_wait3A_64 = tpu.memref_squeeze %dma_wait3A_63 : memref<1x40x128xi32, #tpu.memory_space<hbm>> -> memref<40x128xi32, #tpu.memory_space<hbm>>
      tpu.wait_dma2 semaphore(%run_scoped3A : memref<!tpu.dma_semaphore, #tpu.memory_space<semaphore_mem>>) src(%dma_wait3A_64 : memref<40x128xi32, #tpu.memory_space<hbm>>) dst(%arg6 : memref<40x128xi32, #tpu.memory_space<vmem>>)
      tpu.yield
    }) : () -> ()
    "tpu.region"() ({
      %run_scoped3A = tpu.sem_alloc : memref<!tpu.dma_semaphore, #tpu.memory_space<semaphore_mem>>
      %dma_start3A_50 = arith.constant 40 : i32
      %dma_start3A_51 = arith.constant 0 : i32
      %dma_start3A_52 = tpu.memref_slice %arg4[%add3A, %dma_start3A_50, %dma_start3A_51] : memref<32x80x128xi32, #tpu.memory_space<hbm>> -> memref<1x40x128xi32, #tpu.memory_space<hbm>>
      %dma_start3A_53 = tpu.memref_squeeze %dma_start3A_52 : memref<1x40x128xi32, #tpu.memory_space<hbm>> -> memref<40x128xi32, #tpu.memory_space<hbm>>
      %dma_start3A_54 = arith.constant 40 : i32
      %dma_start3A_55 = arith.constant 0 : i32
      %dma_start3A_56 = tpu.memref_slice %arg4[%add3A, %dma_start3A_54, %dma_start3A_55] : memref<32x80x128xi32, #tpu.memory_space<hbm>> -> memref<1x40x128xi32, #tpu.memory_space<hbm>>
      %dma_start3A_57 = tpu.memref_squeeze %dma_start3A_56 : memref<1x40x128xi32, #tpu.memory_space<hbm>> -> memref<40x128xi32, #tpu.memory_space<hbm>>
      tpu.enqueue_dma source(%dma_start3A_57 : memref<40x128xi32, #tpu.memory_space<hbm>>) target(%arg7 : memref<40x128xi32, #tpu.memory_space<vmem>>) target_semaphore(%run_scoped3A : memref<!tpu.dma_semaphore, #tpu.memory_space<semaphore_mem>>)
      %dma_wait3A = arith.constant 40 : i32
      %dma_wait3A_58 = arith.constant 0 : i32
      %dma_wait3A_59 = tpu.memref_slice %arg4[%add3A, %dma_wait3A, %dma_wait3A_58] : memref<32x80x128xi32, #tpu.memory_space<hbm>> -> memref<1x40x128xi32, #tpu.memory_space<hbm>>
      %dma_wait3A_60 = tpu.memref_squeeze %dma_wait3A_59 : memref<1x40x128xi32, #tpu.memory_space<hbm>> -> memref<40x128xi32, #tpu.memory_space<hbm>>
      %dma_wait3A_61 = arith.constant 40 : i32
      %dma_wait3A_62 = arith.constant 0 : i32
      %dma_wait3A_63 = tpu.memref_slice %arg4[%add3A, %dma_wait3A_61, %dma_wait3A_62] : memref<32x80x128xi32, #tpu.memory_space<hbm>> -> memref<1x40x128xi32, #tpu.memory_space<hbm>>
      %dma_wait3A_64 = tpu.memref_squeeze %dma_wait3A_63 : memref<1x40x128xi32, #tpu.memory_space<hbm>> -> memref<40x128xi32, #tpu.memory_space<hbm>>
      tpu.wait_dma2 semaphore(%run_scoped3A : memref<!tpu.dma_semaphore, #tpu.memory_space<semaphore_mem>>) src(%dma_wait3A_64 : memref<40x128xi32, #tpu.memory_space<hbm>>) dst(%arg7 : memref<40x128xi32, #tpu.memory_space<vmem>>)
      tpu.yield
    }) : () -> ()
    %dma_start3A_32 = arith.constant 0 : i32
    %dma_start3A_33 = arith.constant 0 : i32
    %dma_start3A_34 = tpu.memref_slice %arg6[%dma_start3A_32, %dma_start3A_33] : memref<40x128xi32, #tpu.memory_space<vmem>> -> memref<1x128xi32, #tpu.memory_space<vmem>>
    %dma_start3A_35 = tpu.memref_squeeze %dma_start3A_34 : memref<1x128xi32, #tpu.memory_space<vmem>> -> memref<128xi32, #tpu.memory_space<vmem>>
    %dma_start3A_36 = arith.constant 0 : i32
    %dma_start3A_37 = arith.constant 0 : i32
    %dma_start3A_38 = tpu.memref_slice %arg2[%dma_start3A_36, %dma_start3A_37] : memref<10000x128xf32, #tpu.memory_space<hbm>> -> memref<10000x128xf32, #tpu.memory_space<hbm>>
    tpu.enqueue_indirect_dma source(%dma_start3A_38 : memref<10000x128xf32, #tpu.memory_space<hbm>>) target(%arg8 : memref<128x128xf32, #tpu.memory_space<vmem>>) offsets(%dma_start3A_35 : memref<128xi32, #tpu.memory_space<vmem>>) semaphore(%arg11 : memref<!tpu.dma_semaphore, #tpu.memory_space<semaphore_mem>>)
    %scan3A_39 = arith.constant 0 : i32
    %scan3A_40 = arith.constant 0 : i32
    %scan3A_41 = arith.constant 20 : i32
    %scan3A_42 = arith.addi %scan3A_40, %scan3A_41 : i32
    %scan3A_43 = arith.constant 1 : i32
    %scan3A_44 = scf.for %scan3A_50 = %scan3A_40 to %scan3A_42 step %scan3A_43 iter_args(%scan3A_51 = %scan3A_39) -> (i32)  : i32 {
      %mul3A_52 = arith.constant 2 : i32
      %mul3A_53 = arith.muli %mul3A_52, %scan3A_50 : i32
      %dma_wait3A = arith.constant 0 : i32
      %dma_wait3A_54 = arith.constant 0 : i32
      %dma_wait3A_55 = tpu.memref_slice %arg6[%dma_wait3A, %dma_wait3A_54] : memref<40x128xi32, #tpu.memory_space<vmem>> -> memref<1x128xi32, #tpu.memory_space<vmem>>
      %dma_wait3A_56 = tpu.memref_squeeze %dma_wait3A_55 : memref<1x128xi32, #tpu.memory_space<vmem>> -> memref<128xi32, #tpu.memory_space<vmem>>
      %dma_wait3A_57 = arith.constant 0 : i32
      %dma_wait3A_58 = arith.constant 0 : i32
      %dma_wait3A_59 = tpu.memref_slice %arg2[%dma_wait3A_57, %dma_wait3A_58] : memref<10000x128xf32, #tpu.memory_space<hbm>> -> memref<10000x128xf32, #tpu.memory_space<hbm>>
      tpu.wait_indirect_dma semaphore(%arg11 : memref<!tpu.dma_semaphore, #tpu.memory_space<semaphore_mem>>) src(%dma_wait3A_59 : memref<10000x128xf32, #tpu.memory_space<hbm>>) dst(%arg8 : memref<128x128xf32, #tpu.memory_space<vmem>>)
      %add3A_60 = arith.constant 1 : i32
      %add3A_61 = arith.addi %mul3A_53, %add3A_60 : i32
      %dma_start3A_62 = arith.constant 0 : i32
      %dma_start3A_63 = tpu.memref_slice %arg6[%add3A_61, %dma_start3A_62] : memref<40x128xi32, #tpu.memory_space<vmem>> -> memref<1x128xi32, #tpu.memory_space<vmem>>
      %dma_start3A_64 = tpu.memref_squeeze %dma_start3A_63 : memref<1x128xi32, #tpu.memory_space<vmem>> -> memref<128xi32, #tpu.memory_space<vmem>>
      %dma_start3A_65 = arith.constant 0 : i32
      %dma_start3A_66 = arith.constant 0 : i32
      %dma_start3A_67 = tpu.memref_slice %arg2[%dma_start3A_65, %dma_start3A_66] : memref<10000x128xf32, #tpu.memory_space<hbm>> -> memref<10000x128xf32, #tpu.memory_space<hbm>>
      tpu.enqueue_indirect_dma source(%dma_start3A_67 : memref<10000x128xf32, #tpu.memory_space<hbm>>) target(%arg9 : memref<128x128xf32, #tpu.memory_space<vmem>>) offsets(%dma_start3A_64 : memref<128xi32, #tpu.memory_space<vmem>>) semaphore(%arg12 : memref<!tpu.dma_semaphore, #tpu.memory_space<semaphore_mem>>)
      "tpu.region"() ({
        %run_scoped3A = tpu.sem_alloc : memref<!tpu.dma_semaphore, #tpu.memory_space<semaphore_mem>>
        %dma_start3A_82 = arith.constant 0 : i32
        %dma_start3A_83 = tpu.memref_slice %arg7[%mul3A_53, %dma_start3A_82] : memref<40x128xi32, #tpu.memory_space<vmem>> -> memref<1x128xi32, #tpu.memory_space<vmem>>
        %dma_start3A_84 = tpu.memref_squeeze %dma_start3A_83 : memref<1x128xi32, #tpu.memory_space<vmem>> -> memref<128xi32, #tpu.memory_space<vmem>>
        %dma_start3A_85 = arith.constant 0 : i32
        %dma_start3A_86 = arith.constant 0 : i32
        %dma_start3A_87 = tpu.memref_slice %arg10[%dma_start3A_85, %dma_start3A_86] : memref<10112x128xf32, #tpu.memory_space<vmem_shared>> -> memref<10112x128xf32, #tpu.memory_space<vmem_shared>>
        tpu.enqueue_indirect_dma source(%arg8 : memref<128x128xf32, #tpu.memory_space<vmem>>) target(%dma_start3A_87 : memref<10112x128xf32, #tpu.memory_space<vmem_shared>>) offsets(%dma_start3A_84 : memref<128xi32, #tpu.memory_space<vmem>>) semaphore(%run_scoped3A : memref<!tpu.dma_semaphore, #tpu.memory_space<semaphore_mem>>) {add = true}
        %dma_wait3A_88 = arith.constant 0 : i32
        %dma_wait3A_89 = tpu.memref_slice %arg7[%mul3A_53, %dma_wait3A_88] : memref<40x128xi32, #tpu.memory_space<vmem>> -> memref<1x128xi32, #tpu.memory_space<vmem>>
        %dma_wait3A_90 = tpu.memref_squeeze %dma_wait3A_89 : memref<1x128xi32, #tpu.memory_space<vmem>> -> memref<128xi32, #tpu.memory_space<vmem>>
        %dma_wait3A_91 = arith.constant 0 : i32
        %dma_wait3A_92 = arith.constant 0 : i32
        %dma_wait3A_93 = tpu.memref_slice %arg10[%dma_wait3A_91, %dma_wait3A_92] : memref<10112x128xf32, #tpu.memory_space<vmem_shared>> -> memref<10112x128xf32, #tpu.memory_space<vmem_shared>>
        tpu.wait_indirect_dma semaphore(%run_scoped3A : memref<!tpu.dma_semaphore, #tpu.memory_space<semaphore_mem>>) src(%arg8 : memref<128x128xf32, #tpu.memory_space<vmem>>) dst(%dma_wait3A_93 : memref<10112x128xf32, #tpu.memory_space<vmem_shared>>)
        tpu.yield
      }) : () -> ()
      %dma_wait3A_68 = arith.constant 0 : i32
      %dma_wait3A_69 = arith.constant 0 : i32
      %dma_wait3A_70 = tpu.memref_slice %arg6[%dma_wait3A_68, %dma_wait3A_69] : memref<40x128xi32, #tpu.memory_space<vmem>> -> memref<1x128xi32, #tpu.memory_space<vmem>>
      %dma_wait3A_71 = tpu.memref_squeeze %dma_wait3A_70 : memref<1x128xi32, #tpu.memory_space<vmem>> -> memref<128xi32, #tpu.memory_space<vmem>>
      %dma_wait3A_72 = arith.constant 0 : i32
      %dma_wait3A_73 = arith.constant 0 : i32
      %dma_wait3A_74 = tpu.memref_slice %arg2[%dma_wait3A_72, %dma_wait3A_73] : memref<10000x128xf32, #tpu.memory_space<hbm>> -> memref<10000x128xf32, #tpu.memory_space<hbm>>
      tpu.wait_indirect_dma semaphore(%arg12 : memref<!tpu.dma_semaphore, #tpu.memory_space<semaphore_mem>>) src(%dma_wait3A_74 : memref<10000x128xf32, #tpu.memory_space<hbm>>) dst(%arg9 : memref<128x128xf32, #tpu.memory_space<vmem>>)
      %add3A_75 = arith.constant 2 : i32
      %add3A_76 = arith.addi %mul3A_53, %add3A_75 : i32
      %lt3A = arith.constant 40 : i32
      %lt3A_77 = arith.cmpi slt, %add3A_76, %lt3A : i32
      %convert_element_type3A = arith.extui %lt3A_77 : i1 to i32
      %cond3A = arith.constant 0 : i32
      %cond3A_78 = arith.cmpi ne, %convert_element_type3A, %cond3A : i32
      scf.if %cond3A_78 {
        %add3A_82 = arith.constant 2 : i32
        %add3A_83 = arith.addi %mul3A_53, %add3A_82 : i32
        %dma_start3A_84 = arith.constant 0 : i32
        %dma_start3A_85 = tpu.memref_slice %arg6[%add3A_83, %dma_start3A_84] : memref<40x128xi32, #tpu.memory_space<vmem>> -> memref<1x128xi32, #tpu.memory_space<vmem>>
        %dma_start3A_86 = tpu.memref_squeeze %dma_start3A_85 : memref<1x128xi32, #tpu.memory_space<vmem>> -> memref<128xi32, #tpu.memory_space<vmem>>
        %dma_start3A_87 = arith.constant 0 : i32
        %dma_start3A_88 = arith.constant 0 : i32
        %dma_start3A_89 = tpu.memref_slice %arg2[%dma_start3A_87, %dma_start3A_88] : memref<10000x128xf32, #tpu.memory_space<hbm>> -> memref<10000x128xf32, #tpu.memory_space<hbm>>
        tpu.enqueue_indirect_dma source(%dma_start3A_89 : memref<10000x128xf32, #tpu.memory_space<hbm>>) target(%arg8 : memref<128x128xf32, #tpu.memory_space<vmem>>) offsets(%dma_start3A_86 : memref<128xi32, #tpu.memory_space<vmem>>) semaphore(%arg11 : memref<!tpu.dma_semaphore, #tpu.memory_space<semaphore_mem>>)
      } else {
      }
      %add3A_79 = arith.constant 1 : i32
      %add3A_80 = arith.addi %mul3A_53, %add3A_79 : i32
      "tpu.region"() ({
        %run_scoped3A = tpu.sem_alloc : memref<!tpu.dma_semaphore, #tpu.memory_space<semaphore_mem>>
        %dma_start3A_82 = arith.constant 0 : i32
        %dma_start3A_83 = tpu.memref_slice %arg7[%add3A_80, %dma_start3A_82] : memref<40x128xi32, #tpu.memory_space<vmem>> -> memref<1x128xi32, #tpu.memory_space<vmem>>
        %dma_start3A_84 = tpu.memref_squeeze %dma_start3A_83 : memref<1x128xi32, #tpu.memory_space<vmem>> -> memref<128xi32, #tpu.memory_space<vmem>>
        %dma_start3A_85 = arith.constant 0 : i32
        %dma_start3A_86 = arith.constant 0 : i32
        %dma_start3A_87 = tpu.memref_slice %arg10[%dma_start3A_85, %dma_start3A_86] : memref<10112x128xf32, #tpu.memory_space<vmem_shared>> -> memref<10112x128xf32, #tpu.memory_space<vmem_shared>>
        tpu.enqueue_indirect_dma source(%arg9 : memref<128x128xf32, #tpu.memory_space<vmem>>) target(%dma_start3A_87 : memref<10112x128xf32, #tpu.memory_space<vmem_shared>>) offsets(%dma_start3A_84 : memref<128xi32, #tpu.memory_space<vmem>>) semaphore(%run_scoped3A : memref<!tpu.dma_semaphore, #tpu.memory_space<semaphore_mem>>) {add = true}
        %dma_wait3A_88 = arith.constant 0 : i32
        %dma_wait3A_89 = tpu.memref_slice %arg7[%add3A_80, %dma_wait3A_88] : memref<40x128xi32, #tpu.memory_space<vmem>> -> memref<1x128xi32, #tpu.memory_space<vmem>>
        %dma_wait3A_90 = tpu.memref_squeeze %dma_wait3A_89 : memref<1x128xi32, #tpu.memory_space<vmem>> -> memref<128xi32, #tpu.memory_space<vmem>>
        %dma_wait3A_91 = arith.constant 0 : i32
        %dma_wait3A_92 = arith.constant 0 : i32
        %dma_wait3A_93 = tpu.memref_slice %arg10[%dma_wait3A_91, %dma_wait3A_92] : memref<10112x128xf32, #tpu.memory_space<vmem_shared>> -> memref<10112x128xf32, #tpu.memory_space<vmem_shared>>
        tpu.wait_indirect_dma semaphore(%run_scoped3A : memref<!tpu.dma_semaphore, #tpu.memory_space<semaphore_mem>>) src(%arg9 : memref<128x128xf32, #tpu.memory_space<vmem>>) dst(%dma_wait3A_93 : memref<10112x128xf32, #tpu.memory_space<vmem_shared>>)
        tpu.yield
      }) : () -> ()
      %scan3A_81 = arith.constant 0 : i32
      scf.yield %scan3A_81 : i32
    }
    %scan3A_45 = arith.constant 20 : i32
    %barrier3A_46 = arith.constant 0 : index
    tpu.barrier barrier_id(%barrier3A_46)
    %mul3A_47 = arith.constant 10112 : i32
    %mul3A_48 = arith.muli %arg0, %mul3A_47 : i32
    %add3A_49 = arith.addi %mul3A_48, %mul3A_8 : i32
    "tpu.region"() ({
      %run_scoped3A = tpu.sem_alloc : memref<!tpu.dma_semaphore, #tpu.memory_space<semaphore_mem>>
      %dma_start3A_50 = arith.constant 0 : i32
      %dma_start3A_51 = tpu.memref_slice %arg5[%add3A_49, %dma_start3A_50] : memref<20224x128xf32, #tpu.memory_space<hbm>> -> memref<632x128xf32, #tpu.memory_space<hbm>>
      %dma_start3A_52 = arith.constant 0 : i32
      %dma_start3A_53 = tpu.memref_slice %arg10[%mul3A_8, %dma_start3A_52] : memref<10112x128xf32, #tpu.memory_space<vmem_shared>> -> memref<632x128xf32, #tpu.memory_space<vmem_shared>>
      tpu.enqueue_dma source(%dma_start3A_53 : memref<632x128xf32, #tpu.memory_space<vmem_shared>>) target(%dma_start3A_51 : memref<632x128xf32, #tpu.memory_space<hbm>>) target_semaphore(%run_scoped3A : memref<!tpu.dma_semaphore, #tpu.memory_space<semaphore_mem>>)
      %dma_wait3A = arith.constant 0 : i32
      %dma_wait3A_54 = tpu.memref_slice %arg5[%add3A_49, %dma_wait3A] : memref<20224x128xf32, #tpu.memory_space<hbm>> -> memref<632x128xf32, #tpu.memory_space<hbm>>
      %dma_wait3A_55 = arith.constant 0 : i32
      %dma_wait3A_56 = tpu.memref_slice %arg10[%mul3A_8, %dma_wait3A_55] : memref<10112x128xf32, #tpu.memory_space<vmem_shared>> -> memref<632x128xf32, #tpu.memory_space<vmem_shared>>
      tpu.wait_dma2 semaphore(%run_scoped3A : memref<!tpu.dma_semaphore, #tpu.memory_space<semaphore_mem>>) src(%dma_wait3A_56 : memref<632x128xf32, #tpu.memory_space<vmem_shared>>) dst(%dma_wait3A_54 : memref<632x128xf32, #tpu.memory_space<hbm>>)
      tpu.yield
    }) : () -> ()
    return
  }
}

#map = affine_map<(d0, d1) -> (0, 0)>
#map1 = affine_map<(d0, d1) -> (0, 0, 0)>
module attributes {stable_mosaic.version = 14 : i64} {
  func.func @run(%arg0: i32, %arg1: i32, %arg2: memref<10000x128xf32, #tpu.memory_space<hbm>>, %arg3: memref<32x80x128xi32, #tpu.memory_space<hbm>>, %arg4: memref<32x80x128xi32, #tpu.memory_space<hbm>>, %arg5: memref<20224x128xf32, #tpu.memory_space<hbm>>, %arg6: memref<40x128xi32, #tpu.memory_space<vmem>>, %arg7: memref<40x128xi32, #tpu.memory_space<vmem>>, %arg8: memref<128x128xf32, #tpu.memory_space<vmem>>, %arg9: memref<128x128xf32, #tpu.memory_space<vmem>>, %arg10: memref<10112x128xf32, #tpu.memory_space<vmem_shared>>, %arg11: memref<!tpu.dma_semaphore, #tpu.memory_space<semaphore_mem>>, %arg12: memref<!tpu.dma_semaphore, #tpu.memory_space<semaphore_mem>>, %arg13: memref<!tpu.dma_semaphore, #tpu.memory_space<semaphore_mem>>, %arg14: memref<!tpu.dma_semaphore, #tpu.memory_space<semaphore_mem>>) attributes {dimension_semantics = [#tpu.dimension_semantics<core_parallel>, #tpu.dimension_semantics<subcore_parallel>], iteration_bounds = array<i64: 2, 16>, scalar_prefetch = 0 : i64, scratch_operands = 9 : i64, tpu.core_type = #tpu.core_type<sc_vector_subcore>, window_params = [{transform_indices = #map}, {transform_indices = #map1}, {transform_indices = #map1}, {transform_indices = #map}]} {
    %mul3A = arith.constant 16 : i32
    %mul3A_0 = arith.muli %arg0, %mul3A : i32
    %add3A = arith.addi %mul3A_0, %arg1 : i32
    %scan3A = arith.constant 0 : i32
    %scan3A_1 = arith.constant 0 : i32
    %scan3A_2 = arith.constant 128 : i32
    %scan3A_3 = arith.addi %scan3A_1, %scan3A_2 : i32
    %scan3A_4 = arith.constant 1 : i32
    %scan3A_5 = scf.for %scan3A_50 = %scan3A_1 to %scan3A_3 step %scan3A_4 iter_args(%scan3A_51 = %scan3A) -> (i32)  : i32 {
      %scan3A_52 = arith.constant 0 : i32
      %scan3A_53 = arith.constant 0 : i32
      %scan3A_54 = arith.constant 8 : i32
      %scan3A_55 = arith.addi %scan3A_53, %scan3A_54 : i32
      %scan3A_56 = arith.constant 1 : i32
      %scan3A_57 = scf.for %scan3A_59 = %scan3A_53 to %scan3A_55 step %scan3A_56 iter_args(%scan3A_60 = %scan3A_52) -> (i32)  : i32 {
        %broadcast_in_dim3A = arith.constant 0.000000e+00 : f32
        %broadcast_in_dim3A_61 = vector.broadcast %broadcast_in_dim3A : f32 to vector<16xf32>
        %mul3A_62 = arith.constant 16 : i32
        %mul3A_63 = arith.muli %scan3A_59, %mul3A_62 : i32
        %swap3A = arith.index_cast %scan3A_50 : i32 to index
        %swap3A_64 = arith.index_cast %mul3A_63 : i32 to index
        %swap3A_65 = tpu.vector_load %arg8[%swap3A, %swap3A_64] {strides = array<i32>} : memref<128x128xf32, #tpu.memory_space<vmem>>, vector<1x16xf32>,
        %swap3A_66 = vector.shape_cast %swap3A_65 : vector<1x16xf32> to vector<16xf32>
        %swap3A_67 = vector.shape_cast %broadcast_in_dim3A_61 : vector<16xf32> to vector<1x16xf32>
        tpu.vector_store %arg8[%swap3A, %swap3A_64], %swap3A_67 {strides = array<i32>} : memref<128x128xf32, #tpu.memory_space<vmem>>, vector<1x16xf32>,
        %scan3A_68 = arith.constant 0 : i32
        scf.yield %scan3A_68 : i32
      }
      %scan3A_58 = arith.constant 8 : i32
      scf.yield %scan3A_57 : i32
    }
    %scan3A_6 = arith.constant 128 : i32
    %mul3A_7 = arith.constant 632 : i32
    %mul3A_8 = arith.muli %arg1, %mul3A_7 : i32
    %add3A_9 = arith.constant 0 : i32
    %add3A_10 = arith.addi %mul3A_8, %add3A_9 : i32
    "tpu.region"() ({
      %run_scoped3A = tpu.sem_alloc : memref<!tpu.dma_semaphore, #tpu.memory_space<semaphore_mem>>
      %dma_start3A_50 = arith.constant 0 : i32
      %dma_start3A_51 = tpu.memref_slice %arg10[%add3A_10, %dma_start3A_50] : memref<10112x128xf32, #tpu.memory_space<vmem_shared>> -> memref<128x128xf32, #tpu.memory_space<vmem_shared>>
      %dma_start3A_52 = arith.constant 0 : i32
      %dma_start3A_53 = tpu.memref_slice %arg10[%add3A_10, %dma_start3A_52] : memref<10112x128xf32, #tpu.memory_space<vmem_shared>> -> memref<128x128xf32, #tpu.memory_space<vmem_shared>>
      tpu.enqueue_dma source(%arg8 : memref<128x128xf32, #tpu.memory_space<vmem>>) target(%dma_start3A_53 : memref<128x128xf32, #tpu.memory_space<vmem_shared>>) target_semaphore(%run_scoped3A : memref<!tpu.dma_semaphore, #tpu.memory_space<semaphore_mem>>)
      %dma_wait3A = arith.constant 0 : i32
      %dma_wait3A_54 = tpu.memref_slice %arg10[%add3A_10, %dma_wait3A] : memref<10112x128xf32, #tpu.memory_space<vmem_shared>> -> memref<128x128xf32, #tpu.memory_space<vmem_shared>>
      %dma_wait3A_55 = arith.constant 0 : i32
      %dma_wait3A_56 = tpu.memref_slice %arg10[%add3A_10, %dma_wait3A_55] : memref<10112x128xf32, #tpu.memory_space<vmem_shared>> -> memref<128x128xf32, #tpu.memory_space<vmem_shared>>
      tpu.wait_dma2 semaphore(%run_scoped3A : memref<!tpu.dma_semaphore, #tpu.memory_space<semaphore_mem>>) src(%arg8 : memref<128x128xf32, #tpu.memory_space<vmem>>) dst(%dma_wait3A_56 : memref<128x128xf32, #tpu.memory_space<vmem_shared>>)
      tpu.yield
    }) : () -> ()
    %add3A_11 = arith.constant 128 : i32
    %add3A_12 = arith.addi %mul3A_8, %add3A_11 : i32
    "tpu.region"() ({
      %run_scoped3A = tpu.sem_alloc : memref<!tpu.dma_semaphore, #tpu.memory_space<semaphore_mem>>
      %dma_start3A_50 = arith.constant 0 : i32
      %dma_start3A_51 = tpu.memref_slice %arg10[%add3A_12, %dma_start3A_50] : memref<10112x128xf32, #tpu.memory_space<vmem_shared>> -> memref<128x128xf32, #tpu.memory_space<vmem_shared>>
      %dma_start3A_52 = arith.constant 0 : i32
      %dma_start3A_53 = tpu.memref_slice %arg10[%add3A_12, %dma_start3A_52] : memref<10112x128xf32, #tpu.memory_space<vmem_shared>> -> memref<128x128xf32, #tpu.memory_space<vmem_shared>>
      tpu.enqueue_dma source(%arg8 : memref<128x128xf32, #tpu.memory_space<vmem>>) target(%dma_start3A_53 : memref<128x128xf32, #tpu.memory_space<vmem_shared>>) target_semaphore(%run_scoped3A : memref<!tpu.dma_semaphore, #tpu.memory_space<semaphore_mem>>)
      %dma_wait3A = arith.constant 0 : i32
      %dma_wait3A_54 = tpu.memref_slice %arg10[%add3A_12, %dma_wait3A] : memref<10112x128xf32, #tpu.memory_space<vmem_shared>> -> memref<128x128xf32, #tpu.memory_space<vmem_shared>>
      %dma_wait3A_55 = arith.constant 0 : i32
      %dma_wait3A_56 = tpu.memref_slice %arg10[%add3A_12, %dma_wait3A_55] : memref<10112x128xf32, #tpu.memory_space<vmem_shared>> -> memref<128x128xf32, #tpu.memory_space<vmem_shared>>
      tpu.wait_dma2 semaphore(%run_scoped3A : memref<!tpu.dma_semaphore, #tpu.memory_space<semaphore_mem>>) src(%arg8 : memref<128x128xf32, #tpu.memory_space<vmem>>) dst(%dma_wait3A_56 : memref<128x128xf32, #tpu.memory_space<vmem_shared>>)
      tpu.yield
    }) : () -> ()
    %add3A_13 = arith.constant 256 : i32
    %add3A_14 = arith.addi %mul3A_8, %add3A_13 : i32
    "tpu.region"() ({
      %run_scoped3A = tpu.sem_alloc : memref<!tpu.dma_semaphore, #tpu.memory_space<semaphore_mem>>
      %dma_start3A_50 = arith.constant 0 : i32
      %dma_start3A_51 = tpu.memref_slice %arg10[%add3A_14, %dma_start3A_50] : memref<10112x128xf32, #tpu.memory_space<vmem_shared>> -> memref<128x128xf32, #tpu.memory_space<vmem_shared>>
      %dma_start3A_52 = arith.constant 0 : i32
      %dma_start3A_53 = tpu.memref_slice %arg10[%add3A_14, %dma_start3A_52] : memref<10112x128xf32, #tpu.memory_space<vmem_shared>> -> memref<128x128xf32, #tpu.memory_space<vmem_shared>>
      tpu.enqueue_dma source(%arg8 : memref<128x128xf32, #tpu.memory_space<vmem>>) target(%dma_start3A_53 : memref<128x128xf32, #tpu.memory_space<vmem_shared>>) target_semaphore(%run_scoped3A : memref<!tpu.dma_semaphore, #tpu.memory_space<semaphore_mem>>)
      %dma_wait3A = arith.constant 0 : i32
      %dma_wait3A_54 = tpu.memref_slice %arg10[%add3A_14, %dma_wait3A] : memref<10112x128xf32, #tpu.memory_space<vmem_shared>> -> memref<128x128xf32, #tpu.memory_space<vmem_shared>>
      %dma_wait3A_55 = arith.constant 0 : i32
      %dma_wait3A_56 = tpu.memref_slice %arg10[%add3A_14, %dma_wait3A_55] : memref<10112x128xf32, #tpu.memory_space<vmem_shared>> -> memref<128x128xf32, #tpu.memory_space<vmem_shared>>
      tpu.wait_dma2 semaphore(%run_scoped3A : memref<!tpu.dma_semaphore, #tpu.memory_space<semaphore_mem>>) src(%arg8 : memref<128x128xf32, #tpu.memory_space<vmem>>) dst(%dma_wait3A_56 : memref<128x128xf32, #tpu.memory_space<vmem_shared>>)
      tpu.yield
    }) : () -> ()
    %add3A_15 = arith.constant 384 : i32
    %add3A_16 = arith.addi %mul3A_8, %add3A_15 : i32
    "tpu.region"() ({
      %run_scoped3A = tpu.sem_alloc : memref<!tpu.dma_semaphore, #tpu.memory_space<semaphore_mem>>
      %dma_start3A_50 = arith.constant 0 : i32
      %dma_start3A_51 = tpu.memref_slice %arg10[%add3A_16, %dma_start3A_50] : memref<10112x128xf32, #tpu.memory_space<vmem_shared>> -> memref<128x128xf32, #tpu.memory_space<vmem_shared>>
      %dma_start3A_52 = arith.constant 0 : i32
      %dma_start3A_53 = tpu.memref_slice %arg10[%add3A_16, %dma_start3A_52] : memref<10112x128xf32, #tpu.memory_space<vmem_shared>> -> memref<128x128xf32, #tpu.memory_space<vmem_shared>>
      tpu.enqueue_dma source(%arg8 : memref<128x128xf32, #tpu.memory_space<vmem>>) target(%dma_start3A_53 : memref<128x128xf32, #tpu.memory_space<vmem_shared>>) target_semaphore(%run_scoped3A : memref<!tpu.dma_semaphore, #tpu.memory_space<semaphore_mem>>)
      %dma_wait3A = arith.constant 0 : i32
      %dma_wait3A_54 = tpu.memref_slice %arg10[%add3A_16, %dma_wait3A] : memref<10112x128xf32, #tpu.memory_space<vmem_shared>> -> memref<128x128xf32, #tpu.memory_space<vmem_shared>>
      %dma_wait3A_55 = arith.constant 0 : i32
      %dma_wait3A_56 = tpu.memref_slice %arg10[%add3A_16, %dma_wait3A_55] : memref<10112x128xf32, #tpu.memory_space<vmem_shared>> -> memref<128x128xf32, #tpu.memory_space<vmem_shared>>
      tpu.wait_dma2 semaphore(%run_scoped3A : memref<!tpu.dma_semaphore, #tpu.memory_space<semaphore_mem>>) src(%arg8 : memref<128x128xf32, #tpu.memory_space<vmem>>) dst(%dma_wait3A_56 : memref<128x128xf32, #tpu.memory_space<vmem_shared>>)
      tpu.yield
    }) : () -> ()
    %add3A_17 = arith.constant 512 : i32
    %add3A_18 = arith.addi %mul3A_8, %add3A_17 : i32
    "tpu.region"() ({
      %run_scoped3A = tpu.sem_alloc : memref<!tpu.dma_semaphore, #tpu.memory_space<semaphore_mem>>
      %dma_start3A_50 = arith.constant 0 : i32
      %dma_start3A_51 = arith.constant 0 : i32
      %dma_start3A_52 = tpu.memref_slice %arg8[%dma_start3A_50, %dma_start3A_51] : memref<128x128xf32, #tpu.memory_space<vmem>> -> memref<120x128xf32, #tpu.memory_space<vmem>>
      %dma_start3A_53 = arith.constant 0 : i32
      %dma_start3A_54 = tpu.memref_slice %arg10[%add3A_18, %dma_start3A_53] : memref<10112x128xf32, #tpu.memory_space<vmem_shared>> -> memref<120x128xf32, #tpu.memory_space<vmem_shared>>
      %dma_start3A_55 = arith.constant 0 : i32
      %dma_start3A_56 = tpu.memref_slice %arg10[%add3A_18, %dma_start3A_55] : memref<10112x128xf32, #tpu.memory_space<vmem_shared>> -> memref<120x128xf32, #tpu.memory_space<vmem_shared>>
      %dma_start3A_57 = arith.constant 0 : i32
      %dma_start3A_58 = arith.constant 0 : i32
      %dma_start3A_59 = tpu.memref_slice %arg8[%dma_start3A_57, %dma_start3A_58] : memref<128x128xf32, #tpu.memory_space<vmem>> -> memref<120x128xf32, #tpu.memory_space<vmem>>
      tpu.enqueue_dma source(%dma_start3A_59 : memref<120x128xf32, #tpu.memory_space<vmem>>) target(%dma_start3A_56 : memref<120x128xf32, #tpu.memory_space<vmem_shared>>) target_semaphore(%run_scoped3A : memref<!tpu.dma_semaphore, #tpu.memory_space<semaphore_mem>>)
      %dma_wait3A = arith.constant 0 : i32
      %dma_wait3A_60 = arith.constant 0 : i32
      %dma_wait3A_61 = tpu.memref_slice %arg8[%dma_wait3A, %dma_wait3A_60] : memref<128x128xf32, #tpu.memory_space<vmem>> -> memref<120x128xf32, #tpu.memory_space<vmem>>
      %dma_wait3A_62 = arith.constant 0 : i32
      %dma_wait3A_63 = tpu.memref_slice %arg10[%add3A_18, %dma_wait3A_62] : memref<10112x128xf32, #tpu.memory_space<vmem_shared>> -> memref<120x128xf32, #tpu.memory_space<vmem_shared>>
      %dma_wait3A_64 = arith.constant 0 : i32
      %dma_wait3A_65 = tpu.memref_slice %arg10[%add3A_18, %dma_wait3A_64] : memref<10112x128xf32, #tpu.memory_space<vmem_shared>> -> memref<120x128xf32, #tpu.memory_space<vmem_shared>>
      %dma_wait3A_66 = arith.constant 0 : i32
      %dma_wait3A_67 = arith.constant 0 : i32
      %dma_wait3A_68 = tpu.memref_slice %arg8[%dma_wait3A_66, %dma_wait3A_67] : memref<128x128xf32, #tpu.memory_space<vmem>> -> memref<120x128xf32, #tpu.memory_space<vmem>>
      tpu.wait_dma2 semaphore(%run_scoped3A : memref<!tpu.dma_semaphore, #tpu.memory_space<semaphore_mem>>) src(%dma_wait3A_68 : memref<120x128xf32, #tpu.memory_space<vmem>>) dst(%dma_wait3A_65 : memref<120x128xf32, #tpu.memory_space<vmem_shared>>)
      tpu.yield
    }) : () -> ()
    %barrier3A = arith.constant 0 : index
    tpu.barrier barrier_id(%barrier3A)
    "tpu.region"() ({
      %run_scoped3A = tpu.sem_alloc : memref<!tpu.dma_semaphore, #tpu.memory_space<semaphore_mem>>
      %dma_start3A_50 = arith.constant 0 : i32
      %dma_start3A_51 = arith.constant 0 : i32
      %dma_start3A_52 = tpu.memref_slice %arg3[%add3A, %dma_start3A_50, %dma_start3A_51] : memref<32x80x128xi32, #tpu.memory_space<hbm>> -> memref<1x40x128xi32, #tpu.memory_space<hbm>>
      %dma_start3A_53 = tpu.memref_squeeze %dma_start3A_52 : memref<1x40x128xi32, #tpu.memory_space<hbm>> -> memref<40x128xi32, #tpu.memory_space<hbm>>
      %dma_start3A_54 = arith.constant 0 : i32
      %dma_start3A_55 = arith.constant 0 : i32
      %dma_start3A_56 = tpu.memref_slice %arg3[%add3A, %dma_start3A_54, %dma_start3A_55] : memref<32x80x128xi32, #tpu.memory_space<hbm>> -> memref<1x40x128xi32, #tpu.memory_space<hbm>>
      %dma_start3A_57 = tpu.memref_squeeze %dma_start3A_56 : memref<1x40x128xi32, #tpu.memory_space<hbm>> -> memref<40x128xi32, #tpu.memory_space<hbm>>
      tpu.enqueue_dma source(%dma_start3A_57 : memref<40x128xi32, #tpu.memory_space<hbm>>) target(%arg6 : memref<40x128xi32, #tpu.memory_space<vmem>>) target_semaphore(%run_scoped3A : memref<!tpu.dma_semaphore, #tpu.memory_space<semaphore_mem>>)
      %dma_wait3A = arith.constant 0 : i32
      %dma_wait3A_58 = arith.constant 0 : i32
      %dma_wait3A_59 = tpu.memref_slice %arg3[%add3A, %dma_wait3A, %dma_wait3A_58] : memref<32x80x128xi32, #tpu.memory_space<hbm>> -> memref<1x40x128xi32, #tpu.memory_space<hbm>>
      %dma_wait3A_60 = tpu.memref_squeeze %dma_wait3A_59 : memref<1x40x128xi32, #tpu.memory_space<hbm>> -> memref<40x128xi32, #tpu.memory_space<hbm>>
      %dma_wait3A_61 = arith.constant 0 : i32
      %dma_wait3A_62 = arith.constant 0 : i32
      %dma_wait3A_63 = tpu.memref_slice %arg3[%add3A, %dma_wait3A_61, %dma_wait3A_62] : memref<32x80x128xi32, #tpu.memory_space<hbm>> -> memref<1x40x128xi32, #tpu.memory_space<hbm>>
      %dma_wait3A_64 = tpu.memref_squeeze %dma_wait3A_63 : memref<1x40x128xi32, #tpu.memory_space<hbm>> -> memref<40x128xi32, #tpu.memory_space<hbm>>
      tpu.wait_dma2 semaphore(%run_scoped3A : memref<!tpu.dma_semaphore, #tpu.memory_space<semaphore_mem>>) src(%dma_wait3A_64 : memref<40x128xi32, #tpu.memory_space<hbm>>) dst(%arg6 : memref<40x128xi32, #tpu.memory_space<vmem>>)
      tpu.yield
    }) : () -> ()
    "tpu.region"() ({
      %run_scoped3A = tpu.sem_alloc : memref<!tpu.dma_semaphore, #tpu.memory_space<semaphore_mem>>
      %dma_start3A_50 = arith.constant 0 : i32
      %dma_start3A_51 = arith.constant 0 : i32
      %dma_start3A_52 = tpu.memref_slice %arg4[%add3A, %dma_start3A_50, %dma_start3A_51] : memref<32x80x128xi32, #tpu.memory_space<hbm>> -> memref<1x40x128xi32, #tpu.memory_space<hbm>>
      %dma_start3A_53 = tpu.memref_squeeze %dma_start3A_52 : memref<1x40x128xi32, #tpu.memory_space<hbm>> -> memref<40x128xi32, #tpu.memory_space<hbm>>
      %dma_start3A_54 = arith.constant 0 : i32
      %dma_start3A_55 = arith.constant 0 : i32
      %dma_start3A_56 = tpu.memref_slice %arg4[%add3A, %dma_start3A_54, %dma_start3A_55] : memref<32x80x128xi32, #tpu.memory_space<hbm>> -> memref<1x40x128xi32, #tpu.memory_space<hbm>>
      %dma_start3A_57 = tpu.memref_squeeze %dma_start3A_56 : memref<1x40x128xi32, #tpu.memory_space<hbm>> -> memref<40x128xi32, #tpu.memory_space<hbm>>
      tpu.enqueue_dma source(%dma_start3A_57 : memref<40x128xi32, #tpu.memory_space<hbm>>) target(%arg7 : memref<40x128xi32, #tpu.memory_space<vmem>>) target_semaphore(%run_scoped3A : memref<!tpu.dma_semaphore, #tpu.memory_space<semaphore_mem>>)
      %dma_wait3A = arith.constant 0 : i32
      %dma_wait3A_58 = arith.constant 0 : i32
      %dma_wait3A_59 = tpu.memref_slice %arg4[%add3A, %dma_wait3A, %dma_wait3A_58] : memref<32x80x128xi32, #tpu.memory_space<hbm>> -> memref<1x40x128xi32, #tpu.memory_space<hbm>>
      %dma_wait3A_60 = tpu.memref_squeeze %dma_wait3A_59 : memref<1x40x128xi32, #tpu.memory_space<hbm>> -> memref<40x128xi32, #tpu.memory_space<hbm>>
      %dma_wait3A_61 = arith.constant 0 : i32
      %dma_wait3A_62 = arith.constant 0 : i32
      %dma_wait3A_63 = tpu.memref_slice %arg4[%add3A, %dma_wait3A_61, %dma_wait3A_62] : memref<32x80x128xi32, #tpu.memory_space<hbm>> -> memref<1x40x128xi32, #tpu.memory_space<hbm>>
      %dma_wait3A_64 = tpu.memref_squeeze %dma_wait3A_63 : memref<1x40x128xi32, #tpu.memory_space<hbm>> -> memref<40x128xi32, #tpu.memory_space<hbm>>
      tpu.wait_dma2 semaphore(%run_scoped3A : memref<!tpu.dma_semaphore, #tpu.memory_space<semaphore_mem>>) src(%dma_wait3A_64 : memref<40x128xi32, #tpu.memory_space<hbm>>) dst(%arg7 : memref<40x128xi32, #tpu.memory_space<vmem>>)
      tpu.yield
    }) : () -> ()
    %dma_start3A = arith.constant 0 : i32
    %dma_start3A_19 = arith.constant 0 : i32
    %dma_start3A_20 = tpu.memref_slice %arg6[%dma_start3A, %dma_start3A_19] : memref<40x128xi32, #tpu.memory_space<vmem>> -> memref<1x128xi32, #tpu.memory_space<vmem>>
    %dma_start3A_21 = tpu.memref_squeeze %dma_start3A_20 : memref<1x128xi32, #tpu.memory_space<vmem>> -> memref<128xi32, #tpu.memory_space<vmem>>
    %dma_start3A_22 = arith.constant 0 : i32
    %dma_start3A_23 = arith.constant 0 : i32
    %dma_start3A_24 = tpu.memref_slice %arg2[%dma_start3A_22, %dma_start3A_23] : memref<10000x128xf32, #tpu.memory_space<hbm>> -> memref<10000x128xf32, #tpu.memory_space<hbm>>
    tpu.enqueue_indirect_dma source(%dma_start3A_24 : memref<10000x128xf32, #tpu.memory_space<hbm>>) target(%arg8 : memref<128x128xf32, #tpu.memory_space<vmem>>) offsets(%dma_start3A_21 : memref<128xi32, #tpu.memory_space<vmem>>) semaphore(%arg11 : memref<!tpu.dma_semaphore, #tpu.memory_space<semaphore_mem>>)
    %scan3A_25 = arith.constant 0 : i32
    %scan3A_26 = arith.constant 0 : i32
    %scan3A_27 = arith.constant 20 : i32
    %scan3A_28 = arith.addi %scan3A_26, %scan3A_27 : i32
    %scan3A_29 = arith.constant 1 : i32
    %scan3A_30 = scf.for %scan3A_50 = %scan3A_26 to %scan3A_28 step %scan3A_29 iter_args(%scan3A_51 = %scan3A_25) -> (i32)  : i32 {
      %mul3A_52 = arith.constant 2 : i32
      %mul3A_53 = arith.muli %mul3A_52, %scan3A_50 : i32
      %dma_wait3A = arith.constant 0 : i32
      %dma_wait3A_54 = arith.constant 0 : i32
      %dma_wait3A_55 = tpu.memref_slice %arg6[%dma_wait3A, %dma_wait3A_54] : memref<40x128xi32, #tpu.memory_space<vmem>> -> memref<1x128xi32, #tpu.memory_space<vmem>>
      %dma_wait3A_56 = tpu.memref_squeeze %dma_wait3A_55 : memref<1x128xi32, #tpu.memory_space<vmem>> -> memref<128xi32, #tpu.memory_space<vmem>>
      %dma_wait3A_57 = arith.constant 0 : i32
      %dma_wait3A_58 = arith.constant 0 : i32
      %dma_wait3A_59 = tpu.memref_slice %arg2[%dma_wait3A_57, %dma_wait3A_58] : memref<10000x128xf32, #tpu.memory_space<hbm>> -> memref<10000x128xf32, #tpu.memory_space<hbm>>
      tpu.wait_indirect_dma semaphore(%arg11 : memref<!tpu.dma_semaphore, #tpu.memory_space<semaphore_mem>>) src(%dma_wait3A_59 : memref<10000x128xf32, #tpu.memory_space<hbm>>) dst(%arg8 : memref<128x128xf32, #tpu.memory_space<vmem>>)
      %add3A_60 = arith.constant 1 : i32
      %add3A_61 = arith.addi %mul3A_53, %add3A_60 : i32
      %dma_start3A_62 = arith.constant 0 : i32
      %dma_start3A_63 = tpu.memref_slice %arg6[%add3A_61, %dma_start3A_62] : memref<40x128xi32, #tpu.memory_space<vmem>> -> memref<1x128xi32, #tpu.memory_space<vmem>>
      %dma_start3A_64 = tpu.memref_squeeze %dma_start3A_63 : memref<1x128xi32, #tpu.memory_space<vmem>> -> memref<128xi32, #tpu.memory_space<vmem>>
      %dma_start3A_65 = arith.constant 0 : i32
      %dma_start3A_66 = arith.constant 0 : i32
      %dma_start3A_67 = tpu.memref_slice %arg2[%dma_start3A_65, %dma_start3A_66] : memref<10000x128xf32, #tpu.memory_space<hbm>> -> memref<10000x128xf32, #tpu.memory_space<hbm>>
      tpu.enqueue_indirect_dma source(%dma_start3A_67 : memref<10000x128xf32, #tpu.memory_space<hbm>>) target(%arg9 : memref<128x128xf32, #tpu.memory_space<vmem>>) offsets(%dma_start3A_64 : memref<128xi32, #tpu.memory_space<vmem>>) semaphore(%arg12 : memref<!tpu.dma_semaphore, #tpu.memory_space<semaphore_mem>>)
      "tpu.region"() ({
        %run_scoped3A = tpu.sem_alloc : memref<!tpu.dma_semaphore, #tpu.memory_space<semaphore_mem>>
        %dma_start3A_82 = arith.constant 0 : i32
        %dma_start3A_83 = tpu.memref_slice %arg7[%mul3A_53, %dma_start3A_82] : memref<40x128xi32, #tpu.memory_space<vmem>> -> memref<1x128xi32, #tpu.memory_space<vmem>>
        %dma_start3A_84 = tpu.memref_squeeze %dma_start3A_83 : memref<1x128xi32, #tpu.memory_space<vmem>> -> memref<128xi32, #tpu.memory_space<vmem>>
        %dma_start3A_85 = arith.constant 0 : i32
        %dma_start3A_86 = arith.constant 0 : i32
        %dma_start3A_87 = tpu.memref_slice %arg10[%dma_start3A_85, %dma_start3A_86] : memref<10112x128xf32, #tpu.memory_space<vmem_shared>> -> memref<10112x128xf32, #tpu.memory_space<vmem_shared>>
        tpu.enqueue_indirect_dma source(%arg8 : memref<128x128xf32, #tpu.memory_space<vmem>>) target(%dma_start3A_87 : memref<10112x128xf32, #tpu.memory_space<vmem_shared>>) offsets(%dma_start3A_84 : memref<128xi32, #tpu.memory_space<vmem>>) semaphore(%run_scoped3A : memref<!tpu.dma_semaphore, #tpu.memory_space<semaphore_mem>>) {add = true}
        %dma_wait3A_88 = arith.constant 0 : i32
        %dma_wait3A_89 = tpu.memref_slice %arg7[%mul3A_53, %dma_wait3A_88] : memref<40x128xi32, #tpu.memory_space<vmem>> -> memref<1x128xi32, #tpu.memory_space<vmem>>
        %dma_wait3A_90 = tpu.memref_squeeze %dma_wait3A_89 : memref<1x128xi32, #tpu.memory_space<vmem>> -> memref<128xi32, #tpu.memory_space<vmem>>
        %dma_wait3A_91 = arith.constant 0 : i32
        %dma_wait3A_92 = arith.constant 0 : i32
        %dma_wait3A_93 = tpu.memref_slice %arg10[%dma_wait3A_91, %dma_wait3A_92] : memref<10112x128xf32, #tpu.memory_space<vmem_shared>> -> memref<10112x128xf32, #tpu.memory_space<vmem_shared>>
        tpu.wait_indirect_dma semaphore(%run_scoped3A : memref<!tpu.dma_semaphore, #tpu.memory_space<semaphore_mem>>) src(%arg8 : memref<128x128xf32, #tpu.memory_space<vmem>>) dst(%dma_wait3A_93 : memref<10112x128xf32, #tpu.memory_space<vmem_shared>>)
        tpu.yield
      }) : () -> ()
      %dma_wait3A_68 = arith.constant 0 : i32
      %dma_wait3A_69 = arith.constant 0 : i32
      %dma_wait3A_70 = tpu.memref_slice %arg6[%dma_wait3A_68, %dma_wait3A_69] : memref<40x128xi32, #tpu.memory_space<vmem>> -> memref<1x128xi32, #tpu.memory_space<vmem>>
      %dma_wait3A_71 = tpu.memref_squeeze %dma_wait3A_70 : memref<1x128xi32, #tpu.memory_space<vmem>> -> memref<128xi32, #tpu.memory_space<vmem>>
      %dma_wait3A_72 = arith.constant 0 : i32
      %dma_wait3A_73 = arith.constant 0 : i32
      %dma_wait3A_74 = tpu.memref_slice %arg2[%dma_wait3A_72, %dma_wait3A_73] : memref<10000x128xf32, #tpu.memory_space<hbm>> -> memref<10000x128xf32, #tpu.memory_space<hbm>>
      tpu.wait_indirect_dma semaphore(%arg12 : memref<!tpu.dma_semaphore, #tpu.memory_space<semaphore_mem>>) src(%dma_wait3A_74 : memref<10000x128xf32, #tpu.memory_space<hbm>>) dst(%arg9 : memref<128x128xf32, #tpu.memory_space<vmem>>)
      %add3A_75 = arith.constant 2 : i32
      %add3A_76 = arith.addi %mul3A_53, %add3A_75 : i32
      %lt3A = arith.constant 40 : i32
      %lt3A_77 = arith.cmpi slt, %add3A_76, %lt3A : i32
      %convert_element_type3A = arith.extui %lt3A_77 : i1 to i32
      %cond3A = arith.constant 0 : i32
      %cond3A_78 = arith.cmpi ne, %convert_element_type3A, %cond3A : i32
      scf.if %cond3A_78 {
        %add3A_82 = arith.constant 2 : i32
        %add3A_83 = arith.addi %mul3A_53, %add3A_82 : i32
        %dma_start3A_84 = arith.constant 0 : i32
        %dma_start3A_85 = tpu.memref_slice %arg6[%add3A_83, %dma_start3A_84] : memref<40x128xi32, #tpu.memory_space<vmem>> -> memref<1x128xi32, #tpu.memory_space<vmem>>
        %dma_start3A_86 = tpu.memref_squeeze %dma_start3A_85 : memref<1x128xi32, #tpu.memory_space<vmem>> -> memref<128xi32, #tpu.memory_space<vmem>>
        %dma_start3A_87 = arith.constant 0 : i32
        %dma_start3A_88 = arith.constant 0 : i32
        %dma_start3A_89 = tpu.memref_slice %arg2[%dma_start3A_87, %dma_start3A_88] : memref<10000x128xf32, #tpu.memory_space<hbm>> -> memref<10000x128xf32, #tpu.memory_space<hbm>>
        tpu.enqueue_indirect_dma source(%dma_start3A_89 : memref<10000x128xf32, #tpu.memory_space<hbm>>) target(%arg8 : memref<128x128xf32, #tpu.memory_space<vmem>>) offsets(%dma_start3A_86 : memref<128xi32, #tpu.memory_space<vmem>>) semaphore(%arg11 : memref<!tpu.dma_semaphore, #tpu.memory_space<semaphore_mem>>)
      } else {
      }
      %add3A_79 = arith.constant 1 : i32
      %add3A_80 = arith.addi %mul3A_53, %add3A_79 : i32
      "tpu.region"() ({
        %run_scoped3A = tpu.sem_alloc : memref<!tpu.dma_semaphore, #tpu.memory_space<semaphore_mem>>
        %dma_start3A_82 = arith.constant 0 : i32
        %dma_start3A_83 = tpu.memref_slice %arg7[%add3A_80, %dma_start3A_82] : memref<40x128xi32, #tpu.memory_space<vmem>> -> memref<1x128xi32, #tpu.memory_space<vmem>>
        %dma_start3A_84 = tpu.memref_squeeze %dma_start3A_83 : memref<1x128xi32, #tpu.memory_space<vmem>> -> memref<128xi32, #tpu.memory_space<vmem>>
        %dma_start3A_85 = arith.constant 0 : i32
        %dma_start3A_86 = arith.constant 0 : i32
        %dma_start3A_87 = tpu.memref_slice %arg10[%dma_start3A_85, %dma_start3A_86] : memref<10112x128xf32, #tpu.memory_space<vmem_shared>> -> memref<10112x128xf32, #tpu.memory_space<vmem_shared>>
        tpu.enqueue_indirect_dma source(%arg9 : memref<128x128xf32, #tpu.memory_space<vmem>>) target(%dma_start3A_87 : memref<10112x128xf32, #tpu.memory_space<vmem_shared>>) offsets(%dma_start3A_84 : memref<128xi32, #tpu.memory_space<vmem>>) semaphore(%run_scoped3A : memref<!tpu.dma_semaphore, #tpu.memory_space<semaphore_mem>>) {add = true}
        %dma_wait3A_88 = arith.constant 0 : i32
        %dma_wait3A_89 = tpu.memref_slice %arg7[%add3A_80, %dma_wait3A_88] : memref<40x128xi32, #tpu.memory_space<vmem>> -> memref<1x128xi32, #tpu.memory_space<vmem>>
        %dma_wait3A_90 = tpu.memref_squeeze %dma_wait3A_89 : memref<1x128xi32, #tpu.memory_space<vmem>> -> memref<128xi32, #tpu.memory_space<vmem>>
        %dma_wait3A_91 = arith.constant 0 : i32
        %dma_wait3A_92 = arith.constant 0 : i32
        %dma_wait3A_93 = tpu.memref_slice %arg10[%dma_wait3A_91, %dma_wait3A_92] : memref<10112x128xf32, #tpu.memory_space<vmem_shared>> -> memref<10112x128xf32, #tpu.memory_space<vmem_shared>>
        tpu.wait_indirect_dma semaphore(%run_scoped3A : memref<!tpu.dma_semaphore, #tpu.memory_space<semaphore_mem>>) src(%arg9 : memref<128x128xf32, #tpu.memory_space<vmem>>) dst(%dma_wait3A_93 : memref<10112x128xf32, #tpu.memory_space<vmem_shared>>)
        tpu.yield
      }) : () -> ()
      %scan3A_81 = arith.constant 0 : i32
      scf.yield %scan3A_81 : i32
    }
    %scan3A_31 = arith.constant 20 : i32
    "tpu.region"() ({
      %run_scoped3A = tpu.sem_alloc : memref<!tpu.dma_semaphore, #tpu.memory_space<semaphore_mem>>
      %dma_start3A_50 = arith.constant 40 : i32
      %dma_start3A_51 = arith.constant 0 : i32
      %dma_start3A_52 = tpu.memref_slice %arg3[%add3A, %dma_start3A_50, %dma_start3A_51] : memref<32x80x128xi32, #tpu.memory_space<hbm>> -> memref<1x40x128xi32, #tpu.memory_space<hbm>>
      %dma_start3A_53 = tpu.memref_squeeze %dma_start3A_52 : memref<1x40x128xi32, #tpu.memory_space<hbm>> -> memref<40x128xi32, #tpu.memory_space<hbm>>
      %dma_start3A_54 = arith.constant 40 : i32
      %dma_start3A_55 = arith.constant 0 : i32
      %dma_start3A_56 = tpu.memref_slice %arg3[%add3A, %dma_start3A_54, %dma_start3A_55] : memref<32x80x128xi32, #tpu.memory_space<hbm>> -> memref<1x40x128xi32, #tpu.memory_space<hbm>>
      %dma_start3A_57 = tpu.memref_squeeze %dma_start3A_56 : memref<1x40x128xi32, #tpu.memory_space<hbm>> -> memref<40x128xi32, #tpu.memory_space<hbm>>
      tpu.enqueue_dma source(%dma_start3A_57 : memref<40x128xi32, #tpu.memory_space<hbm>>) target(%arg6 : memref<40x128xi32, #tpu.memory_space<vmem>>) target_semaphore(%run_scoped3A : memref<!tpu.dma_semaphore, #tpu.memory_space<semaphore_mem>>)
      %dma_wait3A = arith.constant 40 : i32
      %dma_wait3A_58 = arith.constant 0 : i32
      %dma_wait3A_59 = tpu.memref_slice %arg3[%add3A, %dma_wait3A, %dma_wait3A_58] : memref<32x80x128xi32, #tpu.memory_space<hbm>> -> memref<1x40x128xi32, #tpu.memory_space<hbm>>
      %dma_wait3A_60 = tpu.memref_squeeze %dma_wait3A_59 : memref<1x40x128xi32, #tpu.memory_space<hbm>> -> memref<40x128xi32, #tpu.memory_space<hbm>>
      %dma_wait3A_61 = arith.constant 40 : i32
      %dma_wait3A_62 = arith.constant 0 : i32
      %dma_wait3A_63 = tpu.memref_slice %arg3[%add3A, %dma_wait3A_61, %dma_wait3A_62] : memref<32x80x128xi32, #tpu.memory_space<hbm>> -> memref<1x40x128xi32, #tpu.memory_space<hbm>>
      %dma_wait3A_64 = tpu.memref_squeeze %dma_wait3A_63 : memref<1x40x128xi32, #tpu.memory_space<hbm>> -> memref<40x128xi32, #tpu.memory_space<hbm>>
      tpu.wait_dma2 semaphore(%run_scoped3A : memref<!tpu.dma_semaphore, #tpu.memory_space<semaphore_mem>>) src(%dma_wait3A_64 : memref<40x128xi32, #tpu.memory_space<hbm>>) dst(%arg6 : memref<40x128xi32, #tpu.memory_space<vmem>>)
      tpu.yield
    }) : () -> ()
    "tpu.region"() ({
      %run_scoped3A = tpu.sem_alloc : memref<!tpu.dma_semaphore, #tpu.memory_space<semaphore_mem>>
      %dma_start3A_50 = arith.constant 40 : i32
      %dma_start3A_51 = arith.constant 0 : i32
      %dma_start3A_52 = tpu.memref_slice %arg4[%add3A, %dma_start3A_50, %dma_start3A_51] : memref<32x80x128xi32, #tpu.memory_space<hbm>> -> memref<1x40x128xi32, #tpu.memory_space<hbm>>
      %dma_start3A_53 = tpu.memref_squeeze %dma_start3A_52 : memref<1x40x128xi32, #tpu.memory_space<hbm>> -> memref<40x128xi32, #tpu.memory_space<hbm>>
      %dma_start3A_54 = arith.constant 40 : i32
      %dma_start3A_55 = arith.constant 0 : i32
      %dma_start3A_56 = tpu.memref_slice %arg4[%add3A, %dma_start3A_54, %dma_start3A_55] : memref<32x80x128xi32, #tpu.memory_space<hbm>> -> memref<1x40x128xi32, #tpu.memory_space<hbm>>
      %dma_start3A_57 = tpu.memref_squeeze %dma_start3A_56 : memref<1x40x128xi32, #tpu.memory_space<hbm>> -> memref<40x128xi32, #tpu.memory_space<hbm>>
      tpu.enqueue_dma source(%dma_start3A_57 : memref<40x128xi32, #tpu.memory_space<hbm>>) target(%arg7 : memref<40x128xi32, #tpu.memory_space<vmem>>) target_semaphore(%run_scoped3A : memref<!tpu.dma_semaphore, #tpu.memory_space<semaphore_mem>>)
      %dma_wait3A = arith.constant 40 : i32
      %dma_wait3A_58 = arith.constant 0 : i32
      %dma_wait3A_59 = tpu.memref_slice %arg4[%add3A, %dma_wait3A, %dma_wait3A_58] : memref<32x80x128xi32, #tpu.memory_space<hbm>> -> memref<1x40x128xi32, #tpu.memory_space<hbm>>
      %dma_wait3A_60 = tpu.memref_squeeze %dma_wait3A_59 : memref<1x40x128xi32, #tpu.memory_space<hbm>> -> memref<40x128xi32, #tpu.memory_space<hbm>>
      %dma_wait3A_61 = arith.constant 40 : i32
      %dma_wait3A_62 = arith.constant 0 : i32
      %dma_wait3A_63 = tpu.memref_slice %arg4[%add3A, %dma_wait3A_61, %dma_wait3A_62] : memref<32x80x128xi32, #tpu.memory_space<hbm>> -> memref<1x40x128xi32, #tpu.memory_space<hbm>>
      %dma_wait3A_64 = tpu.memref_squeeze %dma_wait3A_63 : memref<1x40x128xi32, #tpu.memory_space<hbm>> -> memref<40x128xi32, #tpu.memory_space<hbm>>
      tpu.wait_dma2 semaphore(%run_scoped3A : memref<!tpu.dma_semaphore, #tpu.memory_space<semaphore_mem>>) src(%dma_wait3A_64 : memref<40x128xi32, #tpu.memory_space<hbm>>) dst(%arg7 : memref<40x128xi32, #tpu.memory_space<vmem>>)
      tpu.yield
    }) : () -> ()
    %dma_start3A_32 = arith.constant 0 : i32
    %dma_start3A_33 = arith.constant 0 : i32
    %dma_start3A_34 = tpu.memref_slice %arg6[%dma_start3A_32, %dma_start3A_33] : memref<40x128xi32, #tpu.memory_space<vmem>> -> memref<1x128xi32, #tpu.memory_space<vmem>>
    %dma_start3A_35 = tpu.memref_squeeze %dma_start3A_34 : memref<1x128xi32, #tpu.memory_space<vmem>> -> memref<128xi32, #tpu.memory_space<vmem>>
    %dma_start3A_36 = arith.constant 0 : i32
    %dma_start3A_37 = arith.constant 0 : i32
    %dma_start3A_38 = tpu.memref_slice %arg2[%dma_start3A_36, %dma_start3A_37] : memref<10000x128xf32, #tpu.memory_space<hbm>> -> memref<10000x128xf32, #tpu.memory_space<hbm>>
    tpu.enqueue_indirect_dma source(%dma_start3A_38 : memref<10000x128xf32, #tpu.memory_space<hbm>>) target(%arg8 : memref<128x128xf32, #tpu.memory_space<vmem>>) offsets(%dma_start3A_35 : memref<128xi32, #tpu.memory_space<vmem>>) semaphore(%arg11 : memref<!tpu.dma_semaphore, #tpu.memory_space<semaphore_mem>>)
    %scan3A_39 = arith.constant 0 : i32
    %scan3A_40 = arith.constant 0 : i32
    %scan3A_41 = arith.constant 20 : i32
    %scan3A_42 = arith.addi %scan3A_40, %scan3A_41 : i32
    %scan3A_43 = arith.constant 1 : i32
    %scan3A_44 = scf.for %scan3A_50 = %scan3A_40 to %scan3A_42 step %scan3A_43 iter_args(%scan3A_51 = %scan3A_39) -> (i32)  : i32 {
      %mul3A_52 = arith.constant 2 : i32
      %mul3A_53 = arith.muli %mul3A_52, %scan3A_50 : i32
      %dma_wait3A = arith.constant 0 : i32
      %dma_wait3A_54 = arith.constant 0 : i32
      %dma_wait3A_55 = tpu.memref_slice %arg6[%dma_wait3A, %dma_wait3A_54] : memref<40x128xi32, #tpu.memory_space<vmem>> -> memref<1x128xi32, #tpu.memory_space<vmem>>
      %dma_wait3A_56 = tpu.memref_squeeze %dma_wait3A_55 : memref<1x128xi32, #tpu.memory_space<vmem>> -> memref<128xi32, #tpu.memory_space<vmem>>
      %dma_wait3A_57 = arith.constant 0 : i32
      %dma_wait3A_58 = arith.constant 0 : i32
      %dma_wait3A_59 = tpu.memref_slice %arg2[%dma_wait3A_57, %dma_wait3A_58] : memref<10000x128xf32, #tpu.memory_space<hbm>> -> memref<10000x128xf32, #tpu.memory_space<hbm>>
      tpu.wait_indirect_dma semaphore(%arg11 : memref<!tpu.dma_semaphore, #tpu.memory_space<semaphore_mem>>) src(%dma_wait3A_59 : memref<10000x128xf32, #tpu.memory_space<hbm>>) dst(%arg8 : memref<128x128xf32, #tpu.memory_space<vmem>>)
      %add3A_60 = arith.constant 1 : i32
      %add3A_61 = arith.addi %mul3A_53, %add3A_60 : i32
      %dma_start3A_62 = arith.constant 0 : i32
      %dma_start3A_63 = tpu.memref_slice %arg6[%add3A_61, %dma_start3A_62] : memref<40x128xi32, #tpu.memory_space<vmem>> -> memref<1x128xi32, #tpu.memory_space<vmem>>
      %dma_start3A_64 = tpu.memref_squeeze %dma_start3A_63 : memref<1x128xi32, #tpu.memory_space<vmem>> -> memref<128xi32, #tpu.memory_space<vmem>>
      %dma_start3A_65 = arith.constant 0 : i32
      %dma_start3A_66 = arith.constant 0 : i32
      %dma_start3A_67 = tpu.memref_slice %arg2[%dma_start3A_65, %dma_start3A_66] : memref<10000x128xf32, #tpu.memory_space<hbm>> -> memref<10000x128xf32, #tpu.memory_space<hbm>>
      tpu.enqueue_indirect_dma source(%dma_start3A_67 : memref<10000x128xf32, #tpu.memory_space<hbm>>) target(%arg9 : memref<128x128xf32, #tpu.memory_space<vmem>>) offsets(%dma_start3A_64 : memref<128xi32, #tpu.memory_space<vmem>>) semaphore(%arg12 : memref<!tpu.dma_semaphore, #tpu.memory_space<semaphore_mem>>)
      "tpu.region"() ({
        %run_scoped3A = tpu.sem_alloc : memref<!tpu.dma_semaphore, #tpu.memory_space<semaphore_mem>>
        %dma_start3A_82 = arith.constant 0 : i32
        %dma_start3A_83 = tpu.memref_slice %arg7[%mul3A_53, %dma_start3A_82] : memref<40x128xi32, #tpu.memory_space<vmem>> -> memref<1x128xi32, #tpu.memory_space<vmem>>
        %dma_start3A_84 = tpu.memref_squeeze %dma_start3A_83 : memref<1x128xi32, #tpu.memory_space<vmem>> -> memref<128xi32, #tpu.memory_space<vmem>>
        %dma_start3A_85 = arith.constant 0 : i32
        %dma_start3A_86 = arith.constant 0 : i32
        %dma_start3A_87 = tpu.memref_slice %arg10[%dma_start3A_85, %dma_start3A_86] : memref<10112x128xf32, #tpu.memory_space<vmem_shared>> -> memref<10112x128xf32, #tpu.memory_space<vmem_shared>>
        tpu.enqueue_indirect_dma source(%arg8 : memref<128x128xf32, #tpu.memory_space<vmem>>) target(%dma_start3A_87 : memref<10112x128xf32, #tpu.memory_space<vmem_shared>>) offsets(%dma_start3A_84 : memref<128xi32, #tpu.memory_space<vmem>>) semaphore(%run_scoped3A : memref<!tpu.dma_semaphore, #tpu.memory_space<semaphore_mem>>) {add = true}
        %dma_wait3A_88 = arith.constant 0 : i32
        %dma_wait3A_89 = tpu.memref_slice %arg7[%mul3A_53, %dma_wait3A_88] : memref<40x128xi32, #tpu.memory_space<vmem>> -> memref<1x128xi32, #tpu.memory_space<vmem>>
        %dma_wait3A_90 = tpu.memref_squeeze %dma_wait3A_89 : memref<1x128xi32, #tpu.memory_space<vmem>> -> memref<128xi32, #tpu.memory_space<vmem>>
        %dma_wait3A_91 = arith.constant 0 : i32
        %dma_wait3A_92 = arith.constant 0 : i32
        %dma_wait3A_93 = tpu.memref_slice %arg10[%dma_wait3A_91, %dma_wait3A_92] : memref<10112x128xf32, #tpu.memory_space<vmem_shared>> -> memref<10112x128xf32, #tpu.memory_space<vmem_shared>>
        tpu.wait_indirect_dma semaphore(%run_scoped3A : memref<!tpu.dma_semaphore, #tpu.memory_space<semaphore_mem>>) src(%arg8 : memref<128x128xf32, #tpu.memory_space<vmem>>) dst(%dma_wait3A_93 : memref<10112x128xf32, #tpu.memory_space<vmem_shared>>)
        tpu.yield
      }) : () -> ()
      %dma_wait3A_68 = arith.constant 0 : i32
      %dma_wait3A_69 = arith.constant 0 : i32
      %dma_wait3A_70 = tpu.memref_slice %arg6[%dma_wait3A_68, %dma_wait3A_69] : memref<40x128xi32, #tpu.memory_space<vmem>> -> memref<1x128xi32, #tpu.memory_space<vmem>>
      %dma_wait3A_71 = tpu.memref_squeeze %dma_wait3A_70 : memref<1x128xi32, #tpu.memory_space<vmem>> -> memref<128xi32, #tpu.memory_space<vmem>>
      %dma_wait3A_72 = arith.constant 0 : i32
      %dma_wait3A_73 = arith.constant 0 : i32
      %dma_wait3A_74 = tpu.memref_slice %arg2[%dma_wait3A_72, %dma_wait3A_73] : memref<10000x128xf32, #tpu.memory_space<hbm>> -> memref<10000x128xf32, #tpu.memory_space<hbm>>
      tpu.wait_indirect_dma semaphore(%arg12 : memref<!tpu.dma_semaphore, #tpu.memory_space<semaphore_mem>>) src(%dma_wait3A_74 : memref<10000x128xf32, #tpu.memory_space<hbm>>) dst(%arg9 : memref<128x128xf32, #tpu.memory_space<vmem>>)
      %add3A_75 = arith.constant 2 : i32
      %add3A_76 = arith.addi %mul3A_53, %add3A_75 : i32
      %lt3A = arith.constant 40 : i32
      %lt3A_77 = arith.cmpi slt, %add3A_76, %lt3A : i32
      %convert_element_type3A = arith.extui %lt3A_77 : i1 to i32
      %cond3A = arith.constant 0 : i32
      %cond3A_78 = arith.cmpi ne, %convert_element_type3A, %cond3A : i32
      scf.if %cond3A_78 {
        %add3A_82 = arith.constant 2 : i32
        %add3A_83 = arith.addi %mul3A_53, %add3A_82 : i32
        %dma_start3A_84 = arith.constant 0 : i32
        %dma_start3A_85 = tpu.memref_slice %arg6[%add3A_83, %dma_start3A_84] : memref<40x128xi32, #tpu.memory_space<vmem>> -> memref<1x128xi32, #tpu.memory_space<vmem>>
        %dma_start3A_86 = tpu.memref_squeeze %dma_start3A_85 : memref<1x128xi32, #tpu.memory_space<vmem>> -> memref<128xi32, #tpu.memory_space<vmem>>
        %dma_start3A_87 = arith.constant 0 : i32
        %dma_start3A_88 = arith.constant 0 : i32
        %dma_start3A_89 = tpu.memref_slice %arg2[%dma_start3A_87, %dma_start3A_88] : memref<10000x128xf32, #tpu.memory_space<hbm>> -> memref<10000x128xf32, #tpu.memory_space<hbm>>
        tpu.enqueue_indirect_dma source(%dma_start3A_89 : memref<10000x128xf32, #tpu.memory_space<hbm>>) target(%arg8 : memref<128x128xf32, #tpu.memory_space<vmem>>) offsets(%dma_start3A_86 : memref<128xi32, #tpu.memory_space<vmem>>) semaphore(%arg11 : memref<!tpu.dma_semaphore, #tpu.memory_space<semaphore_mem>>)
      } else {
      }
      %add3A_79 = arith.constant 1 : i32
      %add3A_80 = arith.addi %mul3A_53, %add3A_79 : i32
      "tpu.region"() ({
        %run_scoped3A = tpu.sem_alloc : memref<!tpu.dma_semaphore, #tpu.memory_space<semaphore_mem>>
        %dma_start3A_82 = arith.constant 0 : i32
        %dma_start3A_83 = tpu.memref_slice %arg7[%add3A_80, %dma_start3A_82] : memref<40x128xi32, #tpu.memory_space<vmem>> -> memref<1x128xi32, #tpu.memory_space<vmem>>
        %dma_start3A_84 = tpu.memref_squeeze %dma_start3A_83 : memref<1x128xi32, #tpu.memory_space<vmem>> -> memref<128xi32, #tpu.memory_space<vmem>>
        %dma_start3A_85 = arith.constant 0 : i32
        %dma_start3A_86 = arith.constant 0 : i32
        %dma_start3A_87 = tpu.memref_slice %arg10[%dma_start3A_85, %dma_start3A_86] : memref<10112x128xf32, #tpu.memory_space<vmem_shared>> -> memref<10112x128xf32, #tpu.memory_space<vmem_shared>>
        tpu.enqueue_indirect_dma source(%arg9 : memref<128x128xf32, #tpu.memory_space<vmem>>) target(%dma_start3A_87 : memref<10112x128xf32, #tpu.memory_space<vmem_shared>>) offsets(%dma_start3A_84 : memref<128xi32, #tpu.memory_space<vmem>>) semaphore(%run_scoped3A : memref<!tpu.dma_semaphore, #tpu.memory_space<semaphore_mem>>) {add = true}
        %dma_wait3A_88 = arith.constant 0 : i32
        %dma_wait3A_89 = tpu.memref_slice %arg7[%add3A_80, %dma_wait3A_88] : memref<40x128xi32, #tpu.memory_space<vmem>> -> memref<1x128xi32, #tpu.memory_space<vmem>>
        %dma_wait3A_90 = tpu.memref_squeeze %dma_wait3A_89 : memref<1x128xi32, #tpu.memory_space<vmem>> -> memref<128xi32, #tpu.memory_space<vmem>>
        %dma_wait3A_91 = arith.constant 0 : i32
        %dma_wait3A_92 = arith.constant 0 : i32
        %dma_wait3A_93 = tpu.memref_slice %arg10[%dma_wait3A_91, %dma_wait3A_92] : memref<10112x128xf32, #tpu.memory_space<vmem_shared>> -> memref<10112x128xf32, #tpu.memory_space<vmem_shared>>
        tpu.wait_indirect_dma semaphore(%run_scoped3A : memref<!tpu.dma_semaphore, #tpu.memory_space<semaphore_mem>>) src(%arg9 : memref<128x128xf32, #tpu.memory_space<vmem>>) dst(%dma_wait3A_93 : memref<10112x128xf32, #tpu.memory_space<vmem_shared>>)
        tpu.yield
      }) : () -> ()
      %scan3A_81 = arith.constant 0 : i32
      scf.yield %scan3A_81 : i32
    }
    %scan3A_45 = arith.constant 20 : i32
    %barrier3A_46 = arith.constant 0 : index
    tpu.barrier barrier_id(%barrier3A_46)
    %mul3A_47 = arith.constant 10112 : i32
    %mul3A_48 = arith.muli %arg0, %mul3A_47 : i32
    %add3A_49 = arith.addi %mul3A_48, %mul3A_8 : i32
    "tpu.region"() ({
      %run_scoped3A = tpu.sem_alloc : memref<!tpu.dma_semaphore, #tpu.memory_space<semaphore_mem>>
      %dma_start3A_50 = arith.constant 0 : i32
      %dma_start3A_51 = tpu.memref_slice %arg5[%add3A_49, %dma_start3A_50] : memref<20224x128xf32, #tpu.memory_space<hbm>> -> memref<632x128xf32, #tpu.memory_space<hbm>>
      %dma_start3A_52 = arith.constant 0 : i32
      %dma_start3A_53 = tpu.memref_slice %arg10[%mul3A_8, %dma_start3A_52] : memref<10112x128xf32, #tpu.memory_space<vmem_shared>> -> memref<632x128xf32, #tpu.memory_space<vmem_shared>>
      tpu.enqueue_dma source(%dma_start3A_53 : memref<632x128xf32, #tpu.memory_space<vmem_shared>>) target(%dma_start3A_51 : memref<632x128xf32, #tpu.memory_space<hbm>>) target_semaphore(%run_scoped3A : memref<!tpu.dma_semaphore, #tpu.memory_space<semaphore_mem>>)
      %dma_wait3A = arith.constant 0 : i32
      %dma_wait3A_54 = tpu.memref_slice %arg5[%add3A_49, %dma_wait3A] : memref<20224x128xf32, #tpu.memory_space<hbm>> -> memref<632x128xf32, #tpu.memory_space<hbm>>
      %dma_wait3A_55 = arith.constant 0 : i32
      %dma_wait3A_56 = tpu.memref_slice %arg10[%mul3A_8, %dma_wait3A_55] : memref<10112x128xf32, #tpu.memory_space<vmem_shared>> -> memref<632x128xf32, #tpu.memory_space<vmem_shared>>
      tpu.wait_dma2 semaphore(%run_scoped3A : memref<!tpu.dma_semaphore, #tpu.memory_space<semaphore_mem>>) src(%dma_wait3A_56 : memref<632x128xf32, #tpu.memory_space<vmem_shared>>) dst(%dma_wait3A_54 : memref<632x128xf32, #tpu.memory_space<hbm>>)
      tpu.yield
    }) : () -> ()
    return
  }
}

module attributes {stable_mosaic.version = 14 : i64} {
  func.func @body(%arg0: memref<10000x128xf32, #tpu.memory_space<vmem>>, %arg1: memref<128x128xf32, #tpu.memory_space<vmem>>, %arg2: memref<10000x128xf32, #tpu.memory_space<vmem>>) attributes {dimension_semantics = [], scalar_prefetch = 0 : i64, scratch_operands = 0 : i64, tpu.core_type = #tpu.core_type<tc>} {
    %get3A = arith.constant 0 : index
    %get3A_0 = arith.constant 0 : index
    %get3A_1 = vector.load %arg0[%get3A, %get3A_0] : memref<10000x128xf32, #tpu.memory_space<vmem>>, vector<10000x128xf32>
    %get3A_2 = arith.constant 0 : index
    %get3A_3 = arith.constant 0 : index
    %get3A_4 = vector.load %arg1[%get3A_2, %get3A_3] : memref<128x128xf32, #tpu.memory_space<vmem>>, vector<128x128xf32>
    %dot_general3A = arith.constant dense<0.000000e+00> : vector<10000x128xf32>
    %dot_general3A_5 = tpu.matmul %get3A_1, %get3A_4, %dot_general3A {dimension_numbers = #tpu.dot_dimension_numbers<[1], [0], [0], [1], [0, 0, 1, 1], [], []>, transpose_lhs_hint = false} : vector<10000x128xf32>, vector<128x128xf32>, vector<10000x128xf32> -> vector<10000x128xf32>
    %swap3A = arith.constant 0 : index
    %swap3A_6 = arith.constant 0 : index
    %swap3A_7 = vector.load %arg2[%swap3A, %swap3A_6] : memref<10000x128xf32, #tpu.memory_space<vmem>>, vector<10000x128xf32>
    tpu.vector_store %arg2[%swap3A, %swap3A_6], %dot_general3A_5 {strides = array<i32>} : memref<10000x128xf32, #tpu.memory_space<vmem>>, vector<10000x128xf32>,
    return
  }
}

module attributes {stable_mosaic.version = 14 : i64} {
  func.func @body(%arg0: memref<10000x128xf32, #tpu.memory_space<vmem>>, %arg1: memref<20224x16xf32, #tpu.memory_space<vmem>>, %arg2: memref<10000x1xf32, #tpu.memory_space<vmem>>, %arg3: memref<10000x128xf32, #tpu.memory_space<vmem>>) attributes {dimension_semantics = [], scalar_prefetch = 0 : i64, scratch_operands = 0 : i64, tpu.core_type = #tpu.core_type<tc>} {
    %get3A = arith.constant 0 : index
    %get3A_0 = arith.constant 0 : index
    %get3A_1 = vector.load %arg1[%get3A, %get3A_0] : memref<20224x16xf32, #tpu.memory_space<vmem>>, vector<10000x1xf32>
    %get3A_2 = arith.constant 10112 : index
    %get3A_3 = arith.constant 0 : index
    %get3A_4 = vector.load %arg1[%get3A_2, %get3A_3] : memref<20224x16xf32, #tpu.memory_space<vmem>>, vector<10000x1xf32>
    %add3A = arith.addf %get3A_1, %get3A_4 : vector<10000x1xf32>
    %add3A_5 = arith.constant 1.000000e+00 : f32
    %add3A_6 = vector.broadcast %add3A_5 : f32 to vector<10000x1xf32>
    %add3A_7 = arith.addf %add3A, %add3A_6 : vector<10000x1xf32>
    %rsqrt3A = math.rsqrt %add3A_7 : vector<10000x1xf32>
    %swap3A = arith.constant 0 : index
    %swap3A_8 = arith.constant 0 : index
    %swap3A_9 = vector.load %arg2[%swap3A, %swap3A_8] : memref<10000x1xf32, #tpu.memory_space<vmem>>, vector<10000x1xf32>
    tpu.vector_store %arg2[%swap3A, %swap3A_8], %rsqrt3A {strides = array<i32>} : memref<10000x1xf32, #tpu.memory_space<vmem>>, vector<10000x1xf32>,
    %get3A_10 = arith.constant 0 : index
    %get3A_11 = arith.constant 0 : index
    %get3A_12 = vector.load %arg0[%get3A_10, %get3A_11] : memref<10000x128xf32, #tpu.memory_space<vmem>>, vector<10000x128xf32>
    %mul3A = vector.broadcast %rsqrt3A : vector<10000x1xf32> to vector<10000x128xf32>
    %mul3A_13 = arith.mulf %get3A_12, %mul3A : vector<10000x128xf32>
    %swap3A_14 = arith.constant 0 : index
    %swap3A_15 = arith.constant 0 : index
    %swap3A_16 = vector.load %arg3[%swap3A_14, %swap3A_15] : memref<10000x128xf32, #tpu.memory_space<vmem>>, vector<10000x128xf32>
    tpu.vector_store %arg3[%swap3A_14, %swap3A_15], %mul3A_13 {strides = array<i32>} : memref<10000x128xf32, #tpu.memory_space<vmem>>, vector<10000x128xf32>,
    return
  }
}

module attributes {stable_mosaic.version = 14 : i64} {
  func.func @body(%arg0: memref<20224x128xf32, #tpu.memory_space<vmem>>, %arg1: memref<10000x128xf32, #tpu.memory_space<vmem>>, %arg2: memref<10000x1xf32, #tpu.memory_space<vmem>>, %arg3: memref<1x128xf32, #tpu.memory_space<vmem>>, %arg4: memref<128x128xf32, #tpu.memory_space<vmem>>, %arg5: memref<10000x128xf32, #tpu.memory_space<vmem>>) attributes {dimension_semantics = [], scalar_prefetch = 0 : i64, scratch_operands = 0 : i64, tpu.core_type = #tpu.core_type<tc>} {
    %get3A = arith.constant 0 : index
    %get3A_0 = arith.constant 0 : index
    %get3A_1 = vector.load %arg0[%get3A, %get3A_0] : memref<20224x128xf32, #tpu.memory_space<vmem>>, vector<10000x128xf32>
    %get3A_2 = arith.constant 10112 : index
    %get3A_3 = arith.constant 0 : index
    %get3A_4 = vector.load %arg0[%get3A_2, %get3A_3] : memref<20224x128xf32, #tpu.memory_space<vmem>>, vector<10000x128xf32>
    %add3A = arith.addf %get3A_1, %get3A_4 : vector<10000x128xf32>
    %get3A_5 = arith.constant 0 : index
    %get3A_6 = arith.constant 0 : index
    %get3A_7 = vector.load %arg1[%get3A_5, %get3A_6] : memref<10000x128xf32, #tpu.memory_space<vmem>>, vector<10000x128xf32>
    %add3A_8 = arith.addf %add3A, %get3A_7 : vector<10000x128xf32>
    %get3A_9 = arith.constant 0 : index
    %get3A_10 = arith.constant 0 : index
    %get3A_11 = vector.load %arg2[%get3A_9, %get3A_10] : memref<10000x1xf32, #tpu.memory_space<vmem>>, vector<10000x1xf32>
    %mul3A = vector.broadcast %get3A_11 : vector<10000x1xf32> to vector<10000x128xf32>
    %mul3A_12 = arith.mulf %mul3A, %add3A_8 : vector<10000x128xf32>
    %get3A_13 = arith.constant 0 : index
    %get3A_14 = arith.constant 0 : index
    %get3A_15 = vector.load %arg3[%get3A_13, %get3A_14] : memref<1x128xf32, #tpu.memory_space<vmem>>, vector<1x128xf32>
    %add3A_16 = vector.broadcast %get3A_15 : vector<1x128xf32> to vector<10000x128xf32>
    %add3A_17 = arith.addf %mul3A_12, %add3A_16 : vector<10000x128xf32>
    %max3A = arith.constant 0.000000e+00 : f32
    %max3A_18 = vector.broadcast %max3A : f32 to vector<10000x128xf32>
    %max3A_19 = arith.maximumf %add3A_17, %max3A_18 : vector<10000x128xf32>
    %get3A_20 = arith.constant 0 : index
    %get3A_21 = arith.constant 0 : index
    %get3A_22 = vector.load %arg4[%get3A_20, %get3A_21] : memref<128x128xf32, #tpu.memory_space<vmem>>, vector<128x128xf32>
    %dot_general3A = arith.constant dense<0.000000e+00> : vector<10000x128xf32>
    %dot_general3A_23 = tpu.matmul %max3A_19, %get3A_22, %dot_general3A {dimension_numbers = #tpu.dot_dimension_numbers<[1], [0], [0], [1], [0, 0, 1, 1], [], []>, transpose_lhs_hint = false} : vector<10000x128xf32>, vector<128x128xf32>, vector<10000x128xf32> -> vector<10000x128xf32>
    %get3A_24 = arith.constant 0 : index
    %get3A_25 = arith.constant 0 : index
    %get3A_26 = vector.load %arg2[%get3A_24, %get3A_25] : memref<10000x1xf32, #tpu.memory_space<vmem>>, vector<10000x1xf32>
    %mul3A_27 = vector.broadcast %get3A_26 : vector<10000x1xf32> to vector<10000x128xf32>
    %mul3A_28 = arith.mulf %dot_general3A_23, %mul3A_27 : vector<10000x128xf32>
    %swap3A = arith.constant 0 : index
    %swap3A_29 = arith.constant 0 : index
    %swap3A_30 = vector.load %arg5[%swap3A, %swap3A_29] : memref<10000x128xf32, #tpu.memory_space<vmem>>, vector<10000x128xf32>
    tpu.vector_store %arg5[%swap3A, %swap3A_29], %mul3A_28 {strides = array<i32>} : memref<10000x128xf32, #tpu.memory_space<vmem>>, vector<10000x128xf32>,
    return
  }
}

module attributes {stable_mosaic.version = 14 : i64} {
  func.func @body(%arg0: memref<20224x128xf32, #tpu.memory_space<vmem>>, %arg1: memref<10000x128xf32, #tpu.memory_space<vmem>>, %arg2: memref<10000x1xf32, #tpu.memory_space<vmem>>, %arg3: memref<1x128xf32, #tpu.memory_space<vmem>>, %arg4: memref<10000x128xf32, #tpu.memory_space<vmem>>) attributes {dimension_semantics = [], scalar_prefetch = 0 : i64, scratch_operands = 0 : i64, tpu.core_type = #tpu.core_type<tc>} {
    %get3A = arith.constant 0 : index
    %get3A_0 = arith.constant 0 : index
    %get3A_1 = vector.load %arg0[%get3A, %get3A_0] : memref<20224x128xf32, #tpu.memory_space<vmem>>, vector<10000x128xf32>
    %get3A_2 = arith.constant 10112 : index
    %get3A_3 = arith.constant 0 : index
    %get3A_4 = vector.load %arg0[%get3A_2, %get3A_3] : memref<20224x128xf32, #tpu.memory_space<vmem>>, vector<10000x128xf32>
    %add3A = arith.addf %get3A_1, %get3A_4 : vector<10000x128xf32>
    %get3A_5 = arith.constant 0 : index
    %get3A_6 = arith.constant 0 : index
    %get3A_7 = vector.load %arg1[%get3A_5, %get3A_6] : memref<10000x128xf32, #tpu.memory_space<vmem>>, vector<10000x128xf32>
    %add3A_8 = arith.addf %add3A, %get3A_7 : vector<10000x128xf32>
    %get3A_9 = arith.constant 0 : index
    %get3A_10 = arith.constant 0 : index
    %get3A_11 = vector.load %arg2[%get3A_9, %get3A_10] : memref<10000x1xf32, #tpu.memory_space<vmem>>, vector<10000x1xf32>
    %mul3A = vector.broadcast %get3A_11 : vector<10000x1xf32> to vector<10000x128xf32>
    %mul3A_12 = arith.mulf %mul3A, %add3A_8 : vector<10000x128xf32>
    %get3A_13 = arith.constant 0 : index
    %get3A_14 = arith.constant 0 : index
    %get3A_15 = vector.load %arg3[%get3A_13, %get3A_14] : memref<1x128xf32, #tpu.memory_space<vmem>>, vector<1x128xf32>
    %add3A_16 = vector.broadcast %get3A_15 : vector<1x128xf32> to vector<10000x128xf32>
    %add3A_17 = arith.addf %mul3A_12, %add3A_16 : vector<10000x128xf32>
    %swap3A = arith.constant 0 : index
    %swap3A_18 = arith.constant 0 : index
    %swap3A_19 = vector.load %arg4[%swap3A, %swap3A_18] : memref<10000x128xf32, #tpu.memory_space<vmem>>, vector<10000x128xf32>
    tpu.vector_store %arg4[%swap3A, %swap3A_18], %add3A_17 {strides = array<i32>} : memref<10000x128xf32, #tpu.memory_space<vmem>>, vector<10000x128xf32>,
    return
  }
}

</mosaic_0001>

<sc_bundles>
// kernel: kernel.11.cloned.1.call-start
scs
__scs_entry_jumppad:
0x0: {  	(pc) =	sbr.rel $0x88, $3  }
0x1: {  	(tag) =	ssettag $0x0;
	lr =	simm.s32 $0x1  }
0x2: {  	[smem:$0x3F99] =	sst lr;
	_ =	strace $0xD0000000  }
0x3: {  	_ = 	snop  }
0x4: {  	_ = 	snop  }
0x5: {  	_ = 	snop  }
0x6: {  	_ = 	snop  }
0x7: {  	_ = 	snop  }
__scs_overlays_trampoline_lowered:
0x8: {  	[smem:$0x3FA8] =	sst s0  }
0x9: {  	[smem:$0x3FA9] =	sst s1  }
0xa: {  	[smem:$0x3FAA] =	sst s2  }
0xb: {  	[smem:$0x3FAB] =	sst s3  }
0xc: {  	[smem:$0x3FAC] =	sst s4  }
0xd: {  	[smem:$0x3FAD] =	sst s5  }
0xe: {  	[smem:$0x3FAE] =	sst s6  }
0xf: {  	[smem:$0x3FAF] =	sst s7  }
0x10: {  	[smem:$0x3FB0] =	sst s8  }
0x11: {  	[smem:$0x3FB1] =	sst s9;
	s0 =	simm.s32 @!p0 $0x0  }
0x12: {  	s1 =	sld [smem:$0x3F97];
	s0 =	simm.s32 @p0 $0x1  }
0x13: {  	[smem:$0x3FB2] =	sst s0;
	s0 =	simm.s32 @!p1 $0x0  }
0x14: {  	s2 =	sld [smem:$0x3F96];
	s0 =	simm.s32 @p1 $0x1  }
0x15: {  	[smem:$0x3FB3] =	sst s0;
	s0 =	simm.s32 @!p2 $0x0  }
0x16: {  	s3 =	sld [smem:$0x3FDB];
	s0 =	simm.s32 @p2 $0x1  }
0x17: {  	s4 =	simm.s32 $0x1BF5;
	[smem:$0x3FB5] =	sst s0  }
0x18: {  	s0 =	sld [smem:$0x3F98];
	_ =	swait.ge [sflag:s4], $0x0  }
0x19: {  	s7 =	sld [smem:$0x3F99]  }
0x1a: {  	s8 =	sadd.s32 $0xFFFFE003, lr  }
0x1b: {  	s9 =	sadd.s32 $0xFFFFFEF7, lr;
	s5 =	simm.s32 $0xFFFFFFFF;
	p2 =	slt.u32 s8, $0xFFFFF086  }
0x1c: {  	p1 =	slt.u32 s9, $0xF7A;
	s5 =	simm.s32 @!p2 $0x0  }
0x1d: {  	s5 =	simm.s32 @p1 $0x1;
	p0 =	seq.s32 s7, s2  }
0x1e: {  	s7 =	smul.u32 @!p0 $0xF7A, s2;
	p2 =	seq.s32 @!p0 s5, $0x0  }
0x1f: {  	s9 =	smul.u32 $0xF7A, s1;
	s8 =	simm.s32 @!p0 $0x1BF5;
	p2 =	por !p2, p0  }
0x20: {  	[sflag:s8] =	ssyncset.s32 @!p0 $0xFFFFF086;
	s6 =	sadd.s32 @!p0 s3, s7;
	s7 =	simm.s32 @!p0 $0x108  }
0x21: {  	s3 =	sadd.s32 s3, s9;
	s6 =	sadd.s32 @!p0 $0x88, s6;
	s7 =	simm.s32 @p2 $0x1082  }
0x22: {  	[simem:s7], [sflag:s8] =	dma.local @!p0 [hbm:s6], $0xF7A  }
0x23: {  	s9 =	sor.u32 $0xD0000000, s2;
	s6 =	simm.s32 $0x108;
	_ =	swait.ge @!p0 [sflag:s8], $0x0  }
0x24: {  	s3 =	sadd.s32 $0x88, s3;
	s6 =	simm.s32 @!p1 $0x1082;
	[sflag:s4] =	ssyncset.s32 $0xFFFFF086  }
0x25: {  	[simem:s6], [sflag:s4] =	dma.local [hbm:s3], $0xF7A  }
0x26: {  	[smem:$0x3F99] =	sst s1;
	(tag) =	ssettag s2;
	_ =	strace s9  }
0x27: {  	s1 =	sld [smem:$0x3FA9]  }
0x28: {  	s2 =	sld [smem:$0x3FAA]  }
0x29: {  	s4 =	sld [smem:$0x3FAC]  }
0x2a: {  	p0 =	seq.s32 s5, $0x0;
	s5 =	sld [smem:$0x3FAD]  }
0x2b: {  	s6 =	sld [smem:$0x3FAE]  }
0x2c: {  	s7 =	sld [smem:$0x3FAF]  }
0x2d: {  	s3 =	simm.s32 $0x108;
	s8 =	sld [smem:$0x3FB0]  }
0x2e: {  	s3 =	simm.s32 @!p0 $0x1082;
	s9 =	sld [smem:$0x3FB1]  }
0x2f: {  	lr =	sadd.s32 s0, s3;
	s0 =	sld [smem:$0x3FA8]  }
0x30: {  	s3 =	sld [smem:$0x3FAB]  }
0x31: {  	[smem:$0x3FB4] =	sst s10  }
0x32: {  	s10 =	sld [smem:$0x3FB2];
	_ =	sdelay $0x3  }
0x33: {  	p0 =	seq.s32 s10, $0x1;
	s10 =	sld [smem:$0x3FB4];
	_ =	sdelay $0x3  }
0x34: {  	[smem:$0x3FB4] =	sst s10  }
0x35: {  	s10 =	sld [smem:$0x3FB3];
	_ =	sdelay $0x3  }
0x36: {  	p1 =	seq.s32 s10, $0x1;
	s10 =	sld [smem:$0x3FB4];
	_ =	sdelay $0x3  }
0x37: {  	[smem:$0x3FB4] =	sst s10  }
0x38: {  	s10 =	sld [smem:$0x3FB5]  }
0x39: {  	_ = 	snop;
	(pc) =	sbr.ind lr, $3  }
0x3a: {  	_ = 	snop  }
0x3b: {  	_ = 	snop  }
0x3c: {  	p2 =	seq.s32 s10, $0x1;
	s10 =	sld [smem:$0x3FB4]  }
0x3d: {  	_ =	shalt  }
0x3e: {  	_ =	shalt  }
0x3f: {  	_ =	shalt  }
0x40: {  	_ =	shalt  }
0x41: {  	_ =	shalt  }
0x42: {  	_ =	shalt  }
0x43: {  	_ =	shalt  }
0x44: {  	_ =	shalt  }
0x45: {  	_ =	shalt  }
0x46: {  	_ =	shalt  }
0x47: {  	_ =	shalt  }
0x48: {  	_ =	shalt  }
0x49: {  	_ =	shalt  }
0x4a: {  	_ =	shalt  }
0x4b: {  	_ =	shalt  }
0x4c: {  	_ =	shalt  }
0x4d: {  	_ =	shalt  }
0x4e: {  	_ =	shalt  }
0x4f: {  	_ =	shalt  }
0x50: {  	_ =	shalt  }
0x51: {  	_ =	shalt  }
0x52: {  	_ =	shalt  }
0x53: {  	_ =	shalt  }
0x54: {  	_ =	shalt  }
0x55: {  	_ =	shalt  }
0x56: {  	_ =	shalt  }
0x57: {  	_ =	shalt  }
0x58: {  	_ =	shalt  }
0x59: {  	_ =	shalt  }
0x5a: {  	_ =	shalt  }
0x5b: {  	_ =	shalt  }
0x5c: {  	_ =	shalt  }
0x5d: {  	_ =	shalt  }
0x5e: {  	_ =	shalt  }
0x5f: {  	_ =	shalt  }
0x60: {  	_ =	shalt  }
0x61: {  	_ =	shalt  }
0x62: {  	_ =	shalt  }
0x63: {  	_ =	shalt  }
0x64: {  	_ =	shalt  }
0x65: {  	_ =	shalt  }
0x66: {  	_ =	shalt  }
0x67: {  	_ =	shalt  }
0x68: {  	_ =	shalt  }
0x69: {  	_ =	shalt  }
0x6a: {  	_ =	shalt  }
0x6b: {  	_ =	shalt  }
0x6c: {  	_ =	shalt  }
0x6d: {  	_ =	shalt  }
0x6e: {  	_ =	shalt  }
0x6f: {  	_ =	shalt  }
0x70: {  	_ =	shalt  }
0x71: {  	_ =	shalt  }
0x72: {  	_ =	shalt  }
0x73: {  	_ =	shalt  }
0x74: {  	_ =	shalt  }
0x75: {  	_ =	shalt  }
0x76: {  	_ =	shalt  }
0x77: {  	_ =	shalt  }
0x78: {  	_ =	shalt  }
0x79: {  	_ =	shalt  }
0x7a: {  	_ =	shalt  }
0x7b: {  	_ =	shalt  }
0x7c: {  	_ =	shalt  }
0x7d: {  	_ =	shalt  }
0x7e: {  	_ =	shalt  }
0x7f: {  	_ =	shalt  }
0x80: {  	_ =	shalt  }
0x81: {  	_ =	shalt  }
0x82: {  	_ =	shalt  }
0x83: {  	_ =	shalt  }
0x84: {  	_ =	shalt  }
0x85: {  	_ =	shalt  }
0x86: {  	_ =	shalt  }
0x87: {  	_ =	shalt  }
.Lfunc_end0:
.L_simem_size_0:
called_computation_lowered:
.L_overlay_start_0:
0x88: {  	s2 =	sld [smem:$0x3FD9]  }
0x89: {  	s3 =	sld [smem:$0x3FFE];
	_ =	sdelay $0x1  }
0x8a: {  	s1 =	srdreg.scid  }
0x8b: {  	s0 =	sand.u32 $0x1, s1  }
0x8c: {  	s16 =	sshll.u32 s0, $0xA;
	s2 =	sadd.s32 s3, s2  }
0x8d: {  	s2 =	sadd.s32 s2, s16  }
0x8e: {  	[smem:$0x3FC0] =	sst s2  }
0x8f: {  	_ = 	snop  }
0x90: {  	(tm) =	ssettm $0x1  }
0x91: {  	s17 =	sld [smem:$0x3FFB];
	_ =	sdelay $0x3  }
0x92: {  	_ =	strace s17  }
0x93: {  	s2 =	sld [smem:$0x3FFC];
	_ =	sdelay $0x3  }
0x94: {  	_ =	strace s2  }
0x95: {  	s2 =	sld [smem:$0x3FFD];
	_ =	sdelay $0x3  }
0x96: {  	_ =	strace s2  }
0x97: {  	_ =	strace $0x8FFFFFFF  }
0x98: {  	s18 =	sld [smem:$0x3FDB];
	_ =	sdelay $0x1  }
0x99: {  	s19 =	simm.s32 $_scs_section_size  }
0x9a: {  	s4 =	simm.s32 $_size__tile_overlayer_lowered;
	s5 =	simm.s32 $_tile_overlayer_lowered  }
0x9b: {  	s22 =	simm.s32 $0x1BFF;
	s21 =	sshll.u32 s5, $0x1;
	s2 =	sadd.s32 s19, s18  }
0x9c: {  	s6 =	simm.s32 $0x0;
	s20 =	sshll.u32 s4, $0x1;
	s4 =	sadd.s32 s21, s2  }
0x9d: {  	[timem:s6], [sflag:s22] =	dma.local [hbm:s4], s20  }
0x9e: {  	_ =	swait.ge [sflag:s22], s20  }
0x9f: {  	s3 =	ssub.s32 $0x0, s20;
	[sflag:s22] =	ssyncset.done $0x0  }
0xa0: {  	[sflag:s22] =	ssyncadd.s32 s3;
	_ =	sdelay $0x1  }
0xa1: {  	s23 =	simm.s32 $0x1B8B  }
0xa2: {  	_ =	swait.ge [sflag:s23], $0x1  }
0xa3: {  	[sflag:s23] =	ssyncset.done $0x0  }
0xa4: {  	s25 =	simm.s32 $0x1B8E;
	s24 =	sld [smem:$0x3FFE];
	[sflag:s23] =	ssyncadd.s32 $0xFFFFFFFF  }
0xa5: {  	s26 =	simm.s32 $execute0_lowered;
	[smem:$0x3FD2] =	sst s25  }
0xa6: {  	s4 =	sshll.u32 s26, $0x1;
	_ =	strace $0x80000046;
	[dreg:$0x1] =	wrdreg $0xFFFFFFFF  }
0xa7: {  	s28 =	simm.s32 $_size_execute0_lowered;
	s2 =	sadd.s32 s2, s4;
	[dreg:$0x0] =	wrdreg $0x0  }
0xa8: {  	s4 =	sshll.u32 s28, $0x1;
	[dreg:$0x2] =	wrdreg s2  }
0xa9: {  	[dreg:$0x3] =	wrdreg s4  }
0xaa: {  	[dreg:$0x4] =	wrdreg $0xC0  }
0xab: {  	_ =	task [dreg:s6], $0x5FFFF  }
0xac: {  	[dreg:$0x1] =	wrdreg $0xFFFFFFFF  }
0xad: {  	[dreg:$0x0] =	wrdreg $0x60  }
0xae: {  	[dreg:$0x2] =	wrdreg s24  }
0xaf: {  	[dreg:$0x3] =	wrdreg $0x68000  }
0xb0: {  	[dreg:$0x4] =	wrdreg $0x9  }
0xb1: {  	_ =	task.clear_ibuf [dreg:s6], $0x5FFFF;
	_ =	strace $0x90000046  }
0xb2: {  	s29 =	simm.s32 $0x9;
	_ =	strace $0x80000048  }
0xb3: {  	_ =	swait.ge [sflag:s29], $0x1  }
0xb4: {  	[sflag:s29] =	ssyncadd.s32 $0xFFFFFFFF  }
0xb5: {  	_ =	strace $0x90000048  }
0xb6: {  	_ =	sfence  }
0xb7: {  	s30 =	sld [smem:$0x0];
	_ =	sdelay $0x2  }
0xb8: {  	s31 =	sshll.u32 s1, $0xD;
	s1 =	sshrl.u32 s1, $0x2  }
0xb9: {  	s3 =	sand.u32 $0x4000, s31;
	s1 =	sadd.s32 s1, s30  }
0xba: {  	s0 =	sor.u32 s3, s0;
	s1 =	sshll.u32 s1, $0x11  }
0xbb: {  	s0 =	sor.u32 s1, s0  }
0xbc: {  	s0 =	sadd.s32 $0x8F2B, s0  }
0xbd: {  	[sflag:s0] =	ssyncadd.remote.s32 $0x1  }
0xbe: {  	_ =	sfence.sel $0xFFFF  }
0xbf: {  	[dreg:$0x0] =	wrdreg $0xFFFFFFFF;
	(pc) =	sbr.abs _section_cstart, $3  }
0xc0: {  	[dreg:$0x1] =	wrdreg $0xFFFFFFFF  }
0xc1: {  	_ =	task.clear_ibuf [dreg:s6], $0x2FFFF;
	_ =	strace $0x9FFFFFFF  }
0xc2: {  	(tm) =	ssettm $0x7FFFFFFF  }
0xc3: {  	_ =	shalt  }
tec
execute0_lowered:
.L_overlay_start_1:
0x0: {  	(tag) =	ssettag $0x1  }
0x1: {  	s5 =	rddreg [dreg:$0x0]  }
0x2: {  	s0 =	srdreg.scid;
	s2 =	rddreg [dreg:$0x1]  }
0x3: {  	s3 =	simm.s32 $0x0;
	s4 =	sand.u32 $0x1, s0;
	s0 =	stileid.u32  }
0x4: {  	s13 =	simm.s32 $0x1;
	s14 =	simm.s32 $0x80;
	s7 =	smul.u32 $0x2780, s0  }
0x5: {  	[smem:$0x7FF] =	sst s3;
	s1 =	sshll.u32 s4, $0x4;
	s8 =	smul.u32 $0x4F000, s0  }
0x6: {  	s9 =	smul.u32 $0x27800, s4;
	s29 =	ssub.s32 $0x2, s4;
	s15 =	sshll.u32 s0, $0x6  }
0x7: {  	s1 =	sor.u32 s0, s1;
	s31 =	sshrl.u32 s29, $0x1;
	s15 =	sor.u32 $0x1C01, s15  }
0x8: {  	s6 =	smul.u32 $0x500, s1;
	s1 =	rddreg [dreg:$0x2];
	_ =	strace $0x80000047  }
0x9: {  	s30 =	sshrl.u32 s8, $0x2;
	s7 =	sadd.s32 s7, s9;
	s12 =	ssub.s32 s29, s31  }
0xa: {  	s4 =	sadd.s32 s30, s2;
	s11 =	sadd.s32 s7, s5;
	s10 =	sadd.s32 s6, s5  }
0xb: {  	s5 =	sadd.s32 $0x4000, s4;
	s6 =	sadd.s32 $0x8000, s4;
	s7 =	sadd.s32 $0xC000, s4  }
0xc: {  	s8 =	sadd.s32 $0x10000, s4;
	s16 =	sshrl.u32 s4, $0x3;
	s9 =	sadd.s32 $0x3E00, s10  }
0xd: {  	v0 =	vimm.f32 $0.0e+00;
	v1 =	vimm.f32 $1.000000000e+00;
	s10 =	sadd.s32 $0xDE00, s11;
	s11 =	smax.u32 s12, $0x1;
	s12 =	simm.s32 $0x2800  }
.LBB2_1:
0xe: {  	s17 =	simm.s32 $0x200;
	s18 =	simm.s32 $0x0  }
.LBB2_2:
0xf: {  	p0 =	sne.s32 s17, $0xFE00;
	[tilespmem:s18+$0x2800] =	vst v0;
	s18 =	smov.u32 s17;
	s17 =	sadd.s32 $0x200, s17  }
.Ltmp0:
0x10: {  	(pc) =	sbr.rel @p0 .LBB2_2-.Ltmp0, $2  }
0x11: {  	_ =	sdelay $0x2  }
0x12: {  	s18 =	sshra.s32 s18, $0x2  }
0x13: {  	[tilespmem:s18+$0x2800] =	vst v0  }
0x14: {  	[spmem:s4] =	stream.linear.scatter [tilespmem:s12], [sflag:$0x1], $0x4000, $0x38;
	[tilespmem:$0x8F80] =	vst v63  }
0x15: {  	_ =	swait.ge [sflag:s13], $0x4000  }
0x16: {  	[sflag:s13] =	ssyncset.done $0x0  }
0x17: {  	[sflag:s13] =	ssyncadd.s32 $0xFFFFC000  }
0x18: {  	[spmem:s5] =	stream.linear.scatter [tilespmem:s12], [sflag:$0x1], $0x4000, $0x38;
	[tilespmem:$0x8F80] =	vst v63  }
0x19: {  	_ =	swait.ge [sflag:s13], $0x4000  }
0x1a: {  	[sflag:s13] =	ssyncset.done $0x0  }
0x1b: {  	[sflag:s13] =	ssyncadd.s32 $0xFFFFC000  }
0x1c: {  	[spmem:s6] =	stream.linear.scatter [tilespmem:s12], [sflag:$0x1], $0x4000, $0x38;
	[tilespmem:$0x8F80] =	vst v63  }
0x1d: {  	_ =	swait.ge [sflag:s13], $0x4000  }
0x1e: {  	[sflag:s13] =	ssyncset.done $0x0  }
0x1f: {  	[sflag:s13] =	ssyncadd.s32 $0xFFFFC000  }
0x20: {  	[spmem:s7] =	stream.linear.scatter [tilespmem:s12], [sflag:$0x1], $0x4000, $0x38;
	[tilespmem:$0x8F80] =	vst v63  }
0x21: {  	_ =	swait.ge [sflag:s13], $0x4000  }
0x22: {  	[sflag:s13] =	ssyncset.done $0x0  }
0x23: {  	[sflag:s13] =	ssyncadd.s32 $0xFFFFC000  }
0x24: {  	[spmem:s8] =	stream.linear.scatter [tilespmem:s12], [sflag:$0x1], $0x3C00, $0x38;
	[tilespmem:$0x8F80] =	vst v63  }
0x25: {  	_ =	swait.ge [sflag:s13], $0x3C00  }
0x26: {  	[sflag:s13] =	ssyncset.done $0x0  }
0x27: {  	s17 =	simm.s32 $0x200;
	s18 =	simm.s32 $0x0;
	[sflag:s13] =	ssyncadd.s32 $0xFFFFC400  }
.LBB2_4:
0x28: {  	p0 =	sne.s32 s17, $0xFE00;
	[tilespmem:s18+$0x2800] =	vst v1;
	s18 =	smov.u32 s17;
	s17 =	sadd.s32 $0x200, s17  }
.Ltmp1:
0x29: {  	(pc) =	sbr.rel @p0 .LBB2_4-.Ltmp1, $2  }
0x2a: {  	_ =	sdelay $0x2  }
0x2b: {  	s18 =	sshra.s32 s18, $0x2  }
0x2c: {  	[tilespmem:s18+$0x2800] =	vst v1;
	s17 =	simm.s32 $0x0  }
0x2d: {  	[tilespmem:s17], [sflag:$0x1] =	stream.linear.gather [hbm4b:s9+s17], $0x2800, $0x38;
	[tilespmem:$0x8F80] =	vst v63  }
0x2e: {  	_ =	swait.ge [sflag:s13], $0x2800  }
0x2f: {  	[sflag:s13] =	ssyncset.done $0x0  }
0x30: {  	[sflag:s13] =	ssyncadd.s32 $0xFFFFD800  }
0x31: {  	s31 =	simm.s32 $0x0;
	[bflag:$0x0] =	sbarrier.arrive $0xFFFF  }
0x32: {  	[spmem:s2] =	stream.indirect.scatter.add.f32 [tilespmem:s12], [sflag:$0x1], $0x10, s31, s14, $0xb8;
	[tilespmem:$0x8F80] =	vst v63  }
0x33: {  	_ =	swait.ge [sflag:s13], $0x800  }
0x34: {  	s17 =	simm.s32 $0x200;
	[sflag:s13] =	ssyncset.done $0x0  }
.LBB2_6:
0x35: {  	s18 =	sshra.s32 s17, $0x2;
	[sflag:s13] =	ssyncadd.s32 $0xFFFFF800;
	p0 =	sne.s32 s17, $0x9E00  }
0x36: {  	[spmem:s2] =	stream.indirect.scatter.add.f32 [tilespmem:s12], [sflag:$0x1], $0x10, s18, s14, $0xb8;
	[tilespmem:$0x8F80] =	vst v63  }
.Ltmp2:
0x37: {  	_ = 	snop;
	(pc) =	sbr.rel @p0 .LBB2_6-.Ltmp2, $4  }
0x38: {  	_ = 	snop  }
0x39: {  	s17 =	sadd.s32 $0x200, s17  }
0x3a: {  	_ =	swait.ge [sflag:s13], $0x800  }
0x3b: {  	[sflag:s13] =	ssyncset.done $0x0  }
0x3c: {  	s3 =	sadd.s32 $0x1, s3  }
0x3d: {  	[sflag:s13] =	ssyncadd.s32 $0xFFFFF800;
	p0 =	sne.s32 s3, s11  }
.Ltmp3:
0x3e: {  	[bflag:$0x0] =	sbarrier.arrive $0xFFFF;
	(pc) =	sbr.rel @p0 .LBB2_1-.Ltmp3, $4  }
0x3f: {  	[hbm:s10], [sflag:s15] =	dma.local [spmem:s16], $0x2780  }
0x40: {  	_ =	swait.ge [sflag:s13], $0x2780  }
0x41: {  	[sflag:s13] =	ssyncset.done $0x0  }
0x42: {  	[sflag:s13] =	ssyncadd.s32 $0xFFFFD880  }
0x43: {  	_ =	sfence.sel $0x180000  }
0x44: {  	[bflag:$0x0] =	sbarrier.arrive $0xFFFF  }
0x45: {  	p0 =	sne.s32 s0, $0x0;
	_ =	strace $0x90000047  }
0x46: {  	s0 =	sadd.s32 @!p0 $0x100000, s1;
	[bflag:$0x2] =	sbarrier.arrive $0xFFFF  }
0x47: {  	[sflag:s0] =	ssyncadd.tile.s32 @!p0 $0x1;
	_ =	shalt  }
.Lfunc_end2:
_tile_overlayer_lowered:
.L_overlay_start_2:
0x48: {  	(tag) =	ssettag $0x2  }
0x49: {  	s0 =	rddreg [dreg:$0x0];
	s2 =	stileid.u32  }
0x4a: {  	s1 =	rddreg [dreg:$0x1];
	p0 =	sne.s32 s2, $0x0  }
0x4b: {  	s3 =	rddreg [dreg:$0x2];
	[bflag:$0x3] =	sbarrier.arrive $0xFFFF;
	s2 =	simm.s32 @!p0 $0x1C01  }
0x4c: {  	[timem:s3], [sflag:s2] =	dma.local @!p0 [hbm:s0], s1  }
0x4d: {  	s0 =	simm.s32 @!p0 $0x1  }
0x4e: {  	_ =	swait.ge @!p0 [sflag:s0], s1  }
0x4f: {  	s1 =	ssub.s32 @!p0 $0x0, s1;
	[sflag:s0] =	ssyncset.done @!p0 $0x0  }
0x50: {  	[sflag:s0] =	ssyncadd.s32 @!p0 s1  }
0x51: {  	[bflag:$0x3] =	sbarrier.arrive $0xFFFF  }
0x52: {  	_ =	shalt  }

// kernel: kernel.14.cloned.1.call-start
scs
__scs_entry_jumppad:
0x0: {  	(pc) =	sbr.rel $0x88, $3  }
0x1: {  	(tag) =	ssettag $0x0;
	lr =	simm.s32 $0x1  }
0x2: {  	[smem:$0x3F99] =	sst lr;
	_ =	strace $0xD0000000  }
0x3: {  	_ = 	snop  }
0x4: {  	_ = 	snop  }
0x5: {  	_ = 	snop  }
0x6: {  	_ = 	snop  }
0x7: {  	_ = 	snop  }
__scs_overlays_trampoline_lowered:
0x8: {  	[smem:$0x3FA8] =	sst s0  }
0x9: {  	[smem:$0x3FA9] =	sst s1  }
0xa: {  	[smem:$0x3FAA] =	sst s2  }
0xb: {  	[smem:$0x3FAB] =	sst s3  }
0xc: {  	[smem:$0x3FAC] =	sst s4  }
0xd: {  	[smem:$0x3FAD] =	sst s5  }
0xe: {  	[smem:$0x3FAE] =	sst s6  }
0xf: {  	[smem:$0x3FAF] =	sst s7  }
0x10: {  	[smem:$0x3FB0] =	sst s8  }
0x11: {  	[smem:$0x3FB1] =	sst s9;
	s0 =	simm.s32 @!p0 $0x0  }
0x12: {  	s1 =	sld [smem:$0x3F97];
	s0 =	simm.s32 @p0 $0x1  }
0x13: {  	[smem:$0x3FB2] =	sst s0;
	s0 =	simm.s32 @!p1 $0x0  }
0x14: {  	s2 =	sld [smem:$0x3F96];
	s0 =	simm.s32 @p1 $0x1  }
0x15: {  	[smem:$0x3FB3] =	sst s0;
	s0 =	simm.s32 @!p2 $0x0  }
0x16: {  	s3 =	sld [smem:$0x3FDB];
	s0 =	simm.s32 @p2 $0x1  }
0x17: {  	s4 =	simm.s32 $0x1BF5;
	[smem:$0x3FB5] =	sst s0  }
0x18: {  	s0 =	sld [smem:$0x3F98];
	_ =	swait.ge [sflag:s4], $0x0  }
0x19: {  	s7 =	sld [smem:$0x3F99]  }
0x1a: {  	s8 =	sadd.s32 $0xFFFFE003, lr  }
0x1b: {  	s9 =	sadd.s32 $0xFFFFFEF7, lr;
	s5 =	simm.s32 $0xFFFFFFFF;
	p2 =	slt.u32 s8, $0xFFFFF086  }
0x1c: {  	p1 =	slt.u32 s9, $0xF7A;
	s5 =	simm.s32 @!p2 $0x0  }
0x1d: {  	s5 =	simm.s32 @p1 $0x1;
	p0 =	seq.s32 s7, s2  }
0x1e: {  	s7 =	smul.u32 @!p0 $0xF7A, s2;
	p2 =	seq.s32 @!p0 s5, $0x0  }
0x1f: {  	s9 =	smul.u32 $0xF7A, s1;
	s8 =	simm.s32 @!p0 $0x1BF5;
	p2 =	por !p2, p0  }
0x20: {  	[sflag:s8] =	ssyncset.s32 @!p0 $0xFFFFF086;
	s6 =	sadd.s32 @!p0 s3, s7;
	s7 =	simm.s32 @!p0 $0x108  }
0x21: {  	s3 =	sadd.s32 s3, s9;
	s6 =	sadd.s32 @!p0 $0x88, s6;
	s7 =	simm.s32 @p2 $0x1082  }
0x22: {  	[simem:s7], [sflag:s8] =	dma.local @!p0 [hbm:s6], $0xF7A  }
0x23: {  	s9 =	sor.u32 $0xD0000000, s2;
	s6 =	simm.s32 $0x108;
	_ =	swait.ge @!p0 [sflag:s8], $0x0  }
0x24: {  	s3 =	sadd.s32 $0x88, s3;
	s6 =	simm.s32 @!p1 $0x1082;
	[sflag:s4] =	ssyncset.s32 $0xFFFFF086  }
0x25: {  	[simem:s6], [sflag:s4] =	dma.local [hbm:s3], $0xF7A  }
0x26: {  	[smem:$0x3F99] =	sst s1;
	(tag) =	ssettag s2;
	_ =	strace s9  }
0x27: {  	s1 =	sld [smem:$0x3FA9]  }
0x28: {  	s2 =	sld [smem:$0x3FAA]  }
0x29: {  	s4 =	sld [smem:$0x3FAC]  }
0x2a: {  	p0 =	seq.s32 s5, $0x0;
	s5 =	sld [smem:$0x3FAD]  }
0x2b: {  	s6 =	sld [smem:$0x3FAE]  }
0x2c: {  	s7 =	sld [smem:$0x3FAF]  }
0x2d: {  	s3 =	simm.s32 $0x108;
	s8 =	sld [smem:$0x3FB0]  }
0x2e: {  	s3 =	simm.s32 @!p0 $0x1082;
	s9 =	sld [smem:$0x3FB1]  }
0x2f: {  	lr =	sadd.s32 s0, s3;
	s0 =	sld [smem:$0x3FA8]  }
0x30: {  	s3 =	sld [smem:$0x3FAB]  }
0x31: {  	[smem:$0x3FB4] =	sst s10  }
0x32: {  	s10 =	sld [smem:$0x3FB2];
	_ =	sdelay $0x3  }
0x33: {  	p0 =	seq.s32 s10, $0x1;
	s10 =	sld [smem:$0x3FB4];
	_ =	sdelay $0x3  }
0x34: {  	[smem:$0x3FB4] =	sst s10  }
0x35: {  	s10 =	sld [smem:$0x3FB3];
	_ =	sdelay $0x3  }
0x36: {  	p1 =	seq.s32 s10, $0x1;
	s10 =	sld [smem:$0x3FB4];
	_ =	sdelay $0x3  }
0x37: {  	[smem:$0x3FB4] =	sst s10  }
0x38: {  	s10 =	sld [smem:$0x3FB5]  }
0x39: {  	_ = 	snop;
	(pc) =	sbr.ind lr, $3  }
0x3a: {  	_ = 	snop  }
0x3b: {  	_ = 	snop  }
0x3c: {  	p2 =	seq.s32 s10, $0x1;
	s10 =	sld [smem:$0x3FB4]  }
0x3d: {  	_ =	shalt  }
0x3e: {  	_ =	shalt  }
0x3f: {  	_ =	shalt  }
0x40: {  	_ =	shalt  }
0x41: {  	_ =	shalt  }
0x42: {  	_ =	shalt  }
0x43: {  	_ =	shalt  }
0x44: {  	_ =	shalt  }
0x45: {  	_ =	shalt  }
0x46: {  	_ =	shalt  }
0x47: {  	_ =	shalt  }
0x48: {  	_ =	shalt  }
0x49: {  	_ =	shalt  }
0x4a: {  	_ =	shalt  }
0x4b: {  	_ =	shalt  }
0x4c: {  	_ =	shalt  }
0x4d: {  	_ =	shalt  }
0x4e: {  	_ =	shalt  }
0x4f: {  	_ =	shalt  }
0x50: {  	_ =	shalt  }
0x51: {  	_ =	shalt  }
0x52: {  	_ =	shalt  }
0x53: {  	_ =	shalt  }
0x54: {  	_ =	shalt  }
0x55: {  	_ =	shalt  }
0x56: {  	_ =	shalt  }
0x57: {  	_ =	shalt  }
0x58: {  	_ =	shalt  }
0x59: {  	_ =	shalt  }
0x5a: {  	_ =	shalt  }
0x5b: {  	_ =	shalt  }
0x5c: {  	_ =	shalt  }
0x5d: {  	_ =	shalt  }
0x5e: {  	_ =	shalt  }
0x5f: {  	_ =	shalt  }
0x60: {  	_ =	shalt  }
0x61: {  	_ =	shalt  }
0x62: {  	_ =	shalt  }
0x63: {  	_ =	shalt  }
0x64: {  	_ =	shalt  }
0x65: {  	_ =	shalt  }
0x66: {  	_ =	shalt  }
0x67: {  	_ =	shalt  }
0x68: {  	_ =	shalt  }
0x69: {  	_ =	shalt  }
0x6a: {  	_ =	shalt  }
0x6b: {  	_ =	shalt  }
0x6c: {  	_ =	shalt  }
0x6d: {  	_ =	shalt  }
0x6e: {  	_ =	shalt  }
0x6f: {  	_ =	shalt  }
0x70: {  	_ =	shalt  }
0x71: {  	_ =	shalt  }
0x72: {  	_ =	shalt  }
0x73: {  	_ =	shalt  }
0x74: {  	_ =	shalt  }
0x75: {  	_ =	shalt  }
0x76: {  	_ =	shalt  }
0x77: {  	_ =	shalt  }
0x78: {  	_ =	shalt  }
0x79: {  	_ =	shalt  }
0x7a: {  	_ =	shalt  }
0x7b: {  	_ =	shalt  }
0x7c: {  	_ =	shalt  }
0x7d: {  	_ =	shalt  }
0x7e: {  	_ =	shalt  }
0x7f: {  	_ =	shalt  }
0x80: {  	_ =	shalt  }
0x81: {  	_ =	shalt  }
0x82: {  	_ =	shalt  }
0x83: {  	_ =	shalt  }
0x84: {  	_ =	shalt  }
0x85: {  	_ =	shalt  }
0x86: {  	_ =	shalt  }
0x87: {  	_ =	shalt  }
.Lfunc_end0:
.L_simem_size_0:
called_computation.1_lowered:
.L_overlay_start_0:
0x88: {  	s2 =	sld [smem:$0x3FD9]  }
0x89: {  	s3 =	sld [smem:$0x3FFE];
	_ =	sdelay $0x1  }
0x8a: {  	s1 =	srdreg.scid  }
0x8b: {  	s0 =	sand.u32 $0x1, s1  }
0x8c: {  	s17 =	sshll.u32 s0, $0xA;
	s2 =	sadd.s32 s3, s2  }
0x8d: {  	s2 =	sadd.s32 s2, s17  }
0x8e: {  	[smem:$0x3FC0] =	sst s2  }
0x8f: {  	_ = 	snop  }
0x90: {  	s2 =	sld [smem:$0x3FD0];
	(tm) =	ssettm $0x1  }
0x91: {  	s18 =	sld [smem:$0x3FFB];
	_ =	sdelay $0x3  }
0x92: {  	_ =	strace s18  }
0x93: {  	s3 =	sld [smem:$0x3FFC];
	_ =	sdelay $0x3  }
0x94: {  	_ =	strace s3  }
0x95: {  	s3 =	sld [smem:$0x3FFD];
	_ =	sdelay $0x3  }
0x96: {  	_ =	strace s3  }
0x97: {  	_ =	strace $0x8FFFFFFF  }
0x98: {  	s19 =	sld [smem:$0x3FDB];
	_ =	sdelay $0x1  }
0x99: {  	s4 =	simm.s32 $_scs_section_size  }
0x9a: {  	s5 =	simm.s32 $_size__tile_overlayer_lowered;
	s6 =	simm.s32 $_tile_overlayer_lowered  }
0x9b: {  	s22 =	simm.s32 $0x1BFF;
	s21 =	sshll.u32 s6, $0x1;
	s3 =	sadd.s32 s4, s19  }
0x9c: {  	s7 =	simm.s32 $0x0;
	s20 =	sshll.u32 s5, $0x1;
	s5 =	sadd.s32 s21, s3  }
0x9d: {  	[timem:s7], [sflag:s22] =	dma.local [hbm:s5], s20  }
0x9e: {  	_ =	swait.ge [sflag:s22], s20  }
0x9f: {  	s4 =	ssub.s32 $0x0, s20;
	[sflag:s22] =	ssyncset.done $0x0  }
0xa0: {  	[sflag:s22] =	ssyncadd.s32 s4;
	_ =	sdelay $0x1  }
0xa1: {  	s23 =	simm.s32 $0x1B8B  }
0xa2: {  	_ =	swait.ge [sflag:s23], $0x1  }
0xa3: {  	[sflag:s23] =	ssyncset.done $0x0  }
0xa4: {  	s25 =	simm.s32 $0x1B8E;
	s24 =	sld [smem:$0x3FFE];
	[sflag:s23] =	ssyncadd.s32 $0xFFFFFFFF  }
0xa5: {  	s26 =	simm.s32 $execute0_lowered;
	[smem:$0x3FD2] =	sst s25  }
0xa6: {  	s5 =	sshll.u32 s26, $0x1;
	_ =	strace $0x80000049;
	[dreg:$0x1] =	wrdreg $0xFFFFFFFF  }
0xa7: {  	s28 =	simm.s32 $_size_execute0_lowered;
	s3 =	sadd.s32 s3, s5;
	[dreg:$0x0] =	wrdreg $0x0  }
0xa8: {  	s5 =	sshll.u32 s28, $0x1;
	[dreg:$0x2] =	wrdreg s3  }
0xa9: {  	[dreg:$0x3] =	wrdreg s5  }
0xaa: {  	[dreg:$0x4] =	wrdreg $0xC0  }
0xab: {  	_ =	task [dreg:s7], $0x5FFFF  }
0xac: {  	[dreg:$0x1] =	wrdreg $0xFFFFFFFF  }
0xad: {  	[dreg:$0x0] =	wrdreg $0x60  }
0xae: {  	[dreg:$0x2] =	wrdreg s2  }
0xaf: {  	[dreg:$0x3] =	wrdreg s24  }
0xb0: {  	[dreg:$0x4] =	wrdreg $0xA8000  }
0xb1: {  	[dreg:$0x5] =	wrdreg $0x9  }
0xb2: {  	_ =	task.clear_ibuf [dreg:s7], $0x6FFFF;
	_ =	strace $0x90000049  }
0xb3: {  	s29 =	simm.s32 $0x9;
	_ =	strace $0x8000004B  }
0xb4: {  	_ =	swait.ge [sflag:s29], $0x1  }
0xb5: {  	[sflag:s29] =	ssyncadd.s32 $0xFFFFFFFF  }
0xb6: {  	_ =	strace $0x9000004B  }
0xb7: {  	_ =	sfence  }
0xb8: {  	s30 =	sld [smem:$0x0];
	_ =	sdelay $0x2  }
0xb9: {  	s31 =	sshll.u32 s1, $0xD;
	s1 =	sshrl.u32 s1, $0x2  }
0xba: {  	s3 =	sand.u32 $0x4000, s31;
	s1 =	sadd.s32 s1, s30  }
0xbb: {  	s0 =	sor.u32 s3, s0;
	s1 =	sshll.u32 s1, $0x11  }
0xbc: {  	s0 =	sor.u32 s1, s0  }
0xbd: {  	s0 =	sadd.s32 $0x8F2B, s0  }
0xbe: {  	[sflag:s0] =	ssyncadd.remote.s32 $0x1  }
0xbf: {  	_ =	sfence.sel $0xFFFF  }
0xc0: {  	[dreg:$0x0] =	wrdreg $0xFFFFFFFF;
	(pc) =	sbr.abs _section_cstart, $3  }
0xc1: {  	[dreg:$0x1] =	wrdreg $0xFFFFFFFF  }
0xc2: {  	_ =	task.clear_ibuf [dreg:s7], $0x2FFFF;
	_ =	strace $0x9FFFFFFF  }
0xc3: {  	(tm) =	ssettm $0x7FFFFFFF  }
tec
execute0_lowered:
.L_overlay_start_1:
0x0: {  	(tag) =	ssettag $0x1  }
0x1: {  	s1 =	rddreg [dreg:$0x0]  }
0x2: {  	s6 =	rddreg [dreg:$0x1]  }
0x3: {  	s3 =	rddreg [dreg:$0x2]  }
0x4: {  	s0 =	rddreg [dreg:$0x3];
	s5 =	srdreg.scid  }
0x5: {  	s2 =	stileid.u32;
	s4 =	simm.s32 $0x0;
	s17 =	simm.s32 $0x3  }
0x6: {  	s18 =	simm.s32 $0x1400;
	s19 =	simm.s32 $0x80;
	s20 =	simm.s32 $0x1  }
0x7: {  	s21 =	simm.s32 $0x6800;
	s22 =	simm.s32 $0x2;
	s23 =	simm.s32 $0x1380  }
0x8: {  	s24 =	simm.s32 $0x2700;
	s25 =	simm.s32 $0x2780;
	s7 =	smul.u32 $0x2780, s2  }
0x9: {  	s5 =	sand.u32 $0x1, s5;
	[smem:$0x7FF] =	sst s4;
	s9 =	smul.u32 $0x4F000, s2  }
0xa: {  	s12 =	sadd.s32 $0x5CE00, s6;
	s13 =	sadd.s32 $0x3E00, s6;
	s8 =	smul.u32 $0x27800, s5  }
0xb: {  	_ =	strace $0x8000004A;
	s29 =	sshll.u32 s5, $0x4;
	s10 =	ssub.s32 $0x2, s5  }
0xc: {  	s30 =	sshrl.u32 s9, $0x2;
	s31 =	sshrl.u32 s10, $0x1;
	s7 =	sadd.s32 s7, s8  }
0xd: {  	s8 =	sor.u32 s2, s29;
	s5 =	sadd.s32 s30, s3;
	s15 =	ssub.s32 s10, s31  }
0xe: {  	s11 =	smul.u32 $0x2800, s8;
	s14 =	sadd.s32 s7, s6;
	s6 =	sadd.s32 $0x4000, s5  }
0xf: {  	s7 =	sadd.s32 $0x8000, s5;
	s8 =	sadd.s32 $0xC000, s5;
	s9 =	sadd.s32 $0x10000, s5  }
0x10: {  	s15 =	smax.u32 s15, $0x1;
	s14 =	sadd.s32 $0xDE00, s14;
	s11 =	sshrl.u32 s11, $0x3  }
0x11: {  	s10 =	sadd.s32 s12, s11;
	s16 =	sadd.s32 $0x280, s11;
	s11 =	sadd.s32 s13, s11  }
0x12: {  	v0 =	vimm.f32 $0.0e+00;
	s12 =	sadd.s32 s12, s16;
	s13 =	sadd.s32 s13, s16;
	s16 =	simm.s32 $0x2800  }
.LBB2_1:
0x13: {  	s26 =	simm.s32 $0x0;
	s28 =	simm.s32 $0x200  }
.LBB2_2:
0x14: {  	p0 =	sne.s32 s28, $0xFE00;
	[tilespmem:s26+$0x2870] =	vst v0  }
0x15: {  	[tilespmem:s26+$0x2800] =	vst v0  }
0x16: {  	[tilespmem:s26+$0x2810] =	vst v0  }
.Ltmp0:
0x17: {  	[tilespmem:s26+$0x2820] =	vst v0;
	(pc) =	sbr.rel @p0 .LBB2_2-.Ltmp0, $4  }
0x18: {  	[tilespmem:s26+$0x2830] =	vst v0  }
0x19: {  	[tilespmem:s26+$0x2840] =	vst v0  }
0x1a: {  	[tilespmem:s26+$0x2850] =	vst v0  }
0x1b: {  	[tilespmem:s26+$0x2860] =	vst v0;
	s26 =	sshra.s32 s28, $0x2;
	s28 =	sadd.s32 $0x200, s28  }
0x1c: {  	[tilespmem:s26+$0x2870] =	vst v0  }
0x1d: {  	[tilespmem:s26+$0x2800] =	vst v0  }
0x1e: {  	[tilespmem:s26+$0x2810] =	vst v0  }
0x1f: {  	[tilespmem:s26+$0x2820] =	vst v0  }
0x20: {  	[tilespmem:s26+$0x2830] =	vst v0  }
0x21: {  	[tilespmem:s26+$0x2840] =	vst v0  }
0x22: {  	[tilespmem:s26+$0x2850] =	vst v0  }
0x23: {  	[tilespmem:s26+$0x2860] =	vst v0  }
0x24: {  	[spmem:s5] =	stream.linear.scatter [tilespmem:s16], [sflag:$0x3], $0x4000, $0x38;
	[tilespmem:$0x1E400] =	vst v63  }
0x25: {  	_ =	swait.ge [sflag:s17], $0x4000  }
0x26: {  	[sflag:s17] =	ssyncset.done $0x0  }
0x27: {  	[sflag:s17] =	ssyncadd.s32 $0xFFFFC000  }
0x28: {  	[spmem:s6] =	stream.linear.scatter [tilespmem:s16], [sflag:$0x3], $0x4000, $0x38;
	[tilespmem:$0x1E400] =	vst v63  }
0x29: {  	_ =	swait.ge [sflag:s17], $0x4000  }
0x2a: {  	[sflag:s17] =	ssyncset.done $0x0  }
0x2b: {  	[sflag:s17] =	ssyncadd.s32 $0xFFFFC000  }
0x2c: {  	[spmem:s7] =	stream.linear.scatter [tilespmem:s16], [sflag:$0x3], $0x4000, $0x38;
	[tilespmem:$0x1E400] =	vst v63  }
0x2d: {  	_ =	swait.ge [sflag:s17], $0x4000  }
0x2e: {  	[sflag:s17] =	ssyncset.done $0x0  }
0x2f: {  	[sflag:s17] =	ssyncadd.s32 $0xFFFFC000  }
0x30: {  	[spmem:s8] =	stream.linear.scatter [tilespmem:s16], [sflag:$0x3], $0x4000, $0x38;
	[tilespmem:$0x1E400] =	vst v63  }
0x31: {  	_ =	swait.ge [sflag:s17], $0x4000  }
0x32: {  	[sflag:s17] =	ssyncset.done $0x0  }
0x33: {  	[sflag:s17] =	ssyncadd.s32 $0xFFFFC000  }
0x34: {  	[spmem:s9] =	stream.linear.scatter [tilespmem:s16], [sflag:$0x3], $0x3C00, $0x38;
	[tilespmem:$0x1E400] =	vst v63  }
0x35: {  	_ =	swait.ge [sflag:s17], $0x3C00  }
0x36: {  	[sflag:s17] =	ssyncset.done $0x0  }
0x37: {  	[sflag:s17] =	ssyncadd.s32 $0xFFFFC400  }
0x38: {  	s31 =	simm.s32 $0x0;
	[bflag:$0x0] =	sbarrier.arrive $0xFFFF  }
0x39: {  	[tilespmem:s31], [sflag:$0x3] =	stream.linear.gather [hbm4b:s10+s31], $0x1400, $0x38;
	[tilespmem:$0x1E400] =	vst v63  }
0x3a: {  	_ =	swait.ge [sflag:s17], $0x1400  }
0x3b: {  	[sflag:s17] =	ssyncset.done $0x0  }
0x3c: {  	[sflag:s17] =	ssyncadd.s32 $0xFFFFEC00  }
0x3d: {  	[tilespmem:s18], [sflag:$0x3] =	stream.linear.gather [hbm4b:s11+s31], $0x1400, $0x38;
	[tilespmem:$0x1E400] =	vst v63  }
0x3e: {  	_ =	swait.ge [sflag:s17], $0x1400  }
0x3f: {  	[sflag:s17] =	ssyncset.done $0x0  }
0x40: {  	[sflag:s17] =	ssyncadd.s32 $0xFFFFEC00  }
0x41: {  	[tilespmem:s16], [sflag:$0x1] =	stream.indirect.gather [hbm4b:s1+s19], $0x80, s31, s19, $0xb8;
	[tilespmem:$0x1E400] =	vst v63  }
0x42: {  	_ =	swait.ge [sflag:s20], $0x4000  }
0x43: {  	[sflag:s20] =	ssyncset.done $0x0  }
0x44: {  	s28 =	simm.s32 $0x80;
	[sflag:s20] =	ssyncadd.s32 $0xFFFFC000  }
0x45: {  	[tilespmem:s21], [sflag:$0x2] =	stream.indirect.gather [hbm4b:s1+s19], $0x80, s28, s19, $0xb8;
	[tilespmem:$0x1E400] =	vst v63  }
0x46: {  	s29 =	simm.s32 $0x1400  }
0x47: {  	[spmem:s3] =	stream.indirect.scatter.add.f32 [tilespmem:s16], [sflag:$0x3], $0x80, s29, s19, $0xb8;
	[tilespmem:$0x1E400] =	vst v63  }
0x48: {  	_ =	swait.ge [sflag:s17], $0x4000  }
0x49: {  	[sflag:s17] =	ssyncset.done $0x0  }
0x4a: {  	[sflag:s17] =	ssyncadd.s32 $0xFFFFC000  }
0x4b: {  	_ =	swait.ge [sflag:s22], $0x4000  }
0x4c: {  	[sflag:s22] =	ssyncset.done $0x0  }
0x4d: {  	s30 =	simm.s32 $0x100;
	[sflag:s22] =	ssyncadd.s32 $0xFFFFC000  }
0x4e: {  	[tilespmem:s16], [sflag:$0x1] =	stream.indirect.gather [hbm4b:s1+s19], $0x80, s30, s19, $0xb8;
	[tilespmem:$0x1E400] =	vst v63  }
0x4f: {  	s31 =	simm.s32 $0x1480  }
0x50: {  	[spmem:s3] =	stream.indirect.scatter.add.f32 [tilespmem:s21], [sflag:$0x3], $0x80, s31, s19, $0xb8;
	[tilespmem:$0x1E400] =	vst v63  }
0x51: {  	_ =	swait.ge [sflag:s17], $0x4000  }
0x52: {  	s26 =	simm.s32 $0x400;
	[sflag:s17] =	ssyncset.done $0x0  }
.LBB2_4:
0x53: {  	p0 =	sne.s32 s26, $0x4800  }
0x54: {  	[sflag:s17] =	ssyncadd.s32 $0xFFFFC000;
	s28 =	smov.u32 s26;
	s26 =	sadd.s32 $0x400, s26  }
0x55: {  	_ = 	snop  }
0x56: {  	_ =	swait.ge [sflag:s20], $0x4000  }
0x57: {  	s28 =	sshra.s32 s28, $0x2;
	[sflag:s20] =	ssyncset.done $0x0  }
0x58: {  	s29 =	sadd.s32 $0x80, s28;
	[sflag:s20] =	ssyncadd.s32 $0xFFFFC000  }
0x59: {  	[tilespmem:s21], [sflag:$0x2] =	stream.indirect.gather [hbm4b:s1+s19], $0x80, s29, s19, $0xb8;
	[tilespmem:$0x1E400] =	vst v63  }
0x5a: {  	s29 =	sadd.s32 $0x1400, s28  }
0x5b: {  	[spmem:s3] =	stream.indirect.scatter.add.f32 [tilespmem:s16], [sflag:$0x3], $0x80, s29, s19, $0xb8;
	[tilespmem:$0x1E400] =	vst v63  }
0x5c: {  	_ =	swait.ge [sflag:s17], $0x4000  }
0x5d: {  	[sflag:s17] =	ssyncset.done $0x0  }
0x5e: {  	[sflag:s17] =	ssyncadd.s32 $0xFFFFC000  }
0x5f: {  	_ =	swait.ge [sflag:s22], $0x4000  }
0x60: {  	[sflag:s22] =	ssyncset.done $0x0  }
0x61: {  	s29 =	sadd.s32 $0x100, s28;
	[sflag:s22] =	ssyncadd.s32 $0xFFFFC000  }
0x62: {  	[tilespmem:s16], [sflag:$0x1] =	stream.indirect.gather [hbm4b:s1+s19], $0x80, s29, s19, $0xb8;
	[tilespmem:$0x1E400] =	vst v63  }
.Ltmp1:
0x63: {  	_ = 	snop;
	(pc) =	sbr.rel @p0 .LBB2_4-.Ltmp1, $4  }
0x64: {  	s28 =	sadd.s32 $0x1480, s28  }
0x65: {  	[spmem:s3] =	stream.indirect.scatter.add.f32 [tilespmem:s21], [sflag:$0x3], $0x80, s28, s19, $0xb8;
	[tilespmem:$0x1E400] =	vst v63  }
0x66: {  	_ =	swait.ge [sflag:s17], $0x4000  }
0x67: {  	[sflag:s17] =	ssyncset.done $0x0  }
0x68: {  	[sflag:s17] =	ssyncadd.s32 $0xFFFFC000  }
0x69: {  	_ =	swait.ge [sflag:s20], $0x4000  }
0x6a: {  	[sflag:s20] =	ssyncset.done $0x0  }
0x6b: {  	[sflag:s20] =	ssyncadd.s32 $0xFFFFC000  }
0x6c: {  	[tilespmem:s21], [sflag:$0x2] =	stream.indirect.gather [hbm4b:s1+s19], $0x80, s23, s19, $0xb8;
	[tilespmem:$0x1E400] =	vst v63  }
0x6d: {  	_ = 	snop  }
0x6e: {  	[spmem:s3] =	stream.indirect.scatter.add.f32 [tilespmem:s16], [sflag:$0x3], $0x80, s24, s19, $0xb8;
	[tilespmem:$0x1E400] =	vst v63  }
0x6f: {  	_ =	swait.ge [sflag:s17], $0x4000  }
0x70: {  	[sflag:s17] =	ssyncset.done $0x0  }
0x71: {  	[sflag:s17] =	ssyncadd.s32 $0xFFFFC000  }
0x72: {  	_ =	swait.ge [sflag:s22], $0x4000  }
0x73: {  	[sflag:s22] =	ssyncset.done $0x0  }
0x74: {  	[sflag:s22] =	ssyncadd.s32 $0xFFFFC000  }
0x75: {  	[spmem:s3] =	stream.indirect.scatter.add.f32 [tilespmem:s21], [sflag:$0x3], $0x80, s25, s19, $0xb8;
	[tilespmem:$0x1E400] =	vst v63  }
0x76: {  	_ =	swait.ge [sflag:s17], $0x4000  }
0x77: {  	[sflag:s17] =	ssyncset.done $0x0  }
0x78: {  	s26 =	simm.s32 $0x0;
	[sflag:s17] =	ssyncadd.s32 $0xFFFFC000  }
0x79: {  	[tilespmem:s26], [sflag:$0x3] =	stream.linear.gather [hbm4b:s12+s26], $0x1400, $0x38;
	[tilespmem:$0x1E400] =	vst v63  }
0x7a: {  	_ =	swait.ge [sflag:s17], $0x1400  }
0x7b: {  	[sflag:s17] =	ssyncset.done $0x0  }
0x7c: {  	[sflag:s17] =	ssyncadd.s32 $0xFFFFEC00  }
0x7d: {  	[tilespmem:s18], [sflag:$0x3] =	stream.linear.gather [hbm4b:s13+s26], $0x1400, $0x38;
	[tilespmem:$0x1E400] =	vst v63  }
0x7e: {  	_ =	swait.ge [sflag:s17], $0x1400  }
0x7f: {  	[sflag:s17] =	ssyncset.done $0x0  }
0x80: {  	[sflag:s17] =	ssyncadd.s32 $0xFFFFEC00  }
0x81: {  	[tilespmem:s16], [sflag:$0x1] =	stream.indirect.gather [hbm4b:s1+s19], $0x80, s26, s19, $0xb8;
	[tilespmem:$0x1E400] =	vst v63  }
0x82: {  	_ =	swait.ge [sflag:s20], $0x4000  }
0x83: {  	[sflag:s20] =	ssyncset.done $0x0  }
0x84: {  	s28 =	simm.s32 $0x80;
	[sflag:s20] =	ssyncadd.s32 $0xFFFFC000  }
0x85: {  	[tilespmem:s21], [sflag:$0x2] =	stream.indirect.gather [hbm4b:s1+s19], $0x80, s28, s19, $0xb8;
	[tilespmem:$0x1E400] =	vst v63  }
0x86: {  	s29 =	simm.s32 $0x1400  }
0x87: {  	[spmem:s3] =	stream.indirect.scatter.add.f32 [tilespmem:s16], [sflag:$0x3], $0x80, s29, s19, $0xb8;
	[tilespmem:$0x1E400] =	vst v63  }
0x88: {  	_ =	swait.ge [sflag:s17], $0x4000  }
0x89: {  	[sflag:s17] =	ssyncset.done $0x0  }
0x8a: {  	[sflag:s17] =	ssyncadd.s32 $0xFFFFC000  }
0x8b: {  	_ =	swait.ge [sflag:s22], $0x4000  }
0x8c: {  	[sflag:s22] =	ssyncset.done $0x0  }
0x8d: {  	s30 =	simm.s32 $0x100;
	[sflag:s22] =	ssyncadd.s32 $0xFFFFC000  }
0x8e: {  	[tilespmem:s16], [sflag:$0x1] =	stream.indirect.gather [hbm4b:s1+s19], $0x80, s30, s19, $0xb8;
	[tilespmem:$0x1E400] =	vst v63  }
0x8f: {  	s31 =	simm.s32 $0x1480  }
0x90: {  	[spmem:s3] =	stream.indirect.scatter.add.f32 [tilespmem:s21], [sflag:$0x3], $0x80, s31, s19, $0xb8;
	[tilespmem:$0x1E400] =	vst v63  }
0x91: {  	_ =	swait.ge [sflag:s17], $0x4000  }
0x92: {  	s26 =	simm.s32 $0x400;
	[sflag:s17] =	ssyncset.done $0x0  }
.LBB2_6:
0x93: {  	p0 =	sne.s32 s26, $0x4800  }
0x94: {  	[sflag:s17] =	ssyncadd.s32 $0xFFFFC000;
	s28 =	smov.u32 s26;
	s26 =	sadd.s32 $0x400, s26  }
0x95: {  	_ = 	snop  }
0x96: {  	_ =	swait.ge [sflag:s20], $0x4000  }
0x97: {  	s28 =	sshra.s32 s28, $0x2;
	[sflag:s20] =	ssyncset.done $0x0  }
0x98: {  	s29 =	sadd.s32 $0x80, s28;
	[sflag:s20] =	ssyncadd.s32 $0xFFFFC000  }
0x99: {  	[tilespmem:s21], [sflag:$0x2] =	stream.indirect.gather [hbm4b:s1+s19], $0x80, s29, s19, $0xb8;
	[tilespmem:$0x1E400] =	vst v63  }
0x9a: {  	s29 =	sadd.s32 $0x1400, s28  }
0x9b: {  	[spmem:s3] =	stream.indirect.scatter.add.f32 [tilespmem:s16], [sflag:$0x3], $0x80, s29, s19, $0xb8;
	[tilespmem:$0x1E400] =	vst v63  }
0x9c: {  	_ =	swait.ge [sflag:s17], $0x4000  }
0x9d: {  	[sflag:s17] =	ssyncset.done $0x0  }
0x9e: {  	[sflag:s17] =	ssyncadd.s32 $0xFFFFC000  }
0x9f: {  	_ =	swait.ge [sflag:s22], $0x4000  }
0xa0: {  	[sflag:s22] =	ssyncset.done $0x0  }
0xa1: {  	s29 =	sadd.s32 $0x100, s28;
	[sflag:s22] =	ssyncadd.s32 $0xFFFFC000  }
0xa2: {  	[tilespmem:s16], [sflag:$0x1] =	stream.indirect.gather [hbm4b:s1+s19], $0x80, s29, s19, $0xb8;
	[tilespmem:$0x1E400] =	vst v63  }
.Ltmp2:
0xa3: {  	_ = 	snop;
	(pc) =	sbr.rel @p0 .LBB2_6-.Ltmp2, $4  }
0xa4: {  	s28 =	sadd.s32 $0x1480, s28  }
0xa5: {  	[spmem:s3] =	stream.indirect.scatter.add.f32 [tilespmem:s21], [sflag:$0x3], $0x80, s28, s19, $0xb8;
	[tilespmem:$0x1E400] =	vst v63  }
0xa6: {  	_ =	swait.ge [sflag:s17], $0x4000  }
0xa7: {  	[sflag:s17] =	ssyncset.done $0x0  }
0xa8: {  	[sflag:s17] =	ssyncadd.s32 $0xFFFFC000  }
0xa9: {  	_ =	swait.ge [sflag:s20], $0x4000  }
0xaa: {  	[sflag:s20] =	ssyncset.done $0x0  }
0xab: {  	[sflag:s20] =	ssyncadd.s32 $0xFFFFC000  }
0xac: {  	[tilespmem:s21], [sflag:$0x2] =	stream.indirect.gather [hbm4b:s1+s19], $0x80, s23, s19, $0xb8;
	[tilespmem:$0x1E400] =	vst v63  }
0xad: {  	_ = 	snop  }
0xae: {  	[spmem:s3] =	stream.indirect.scatter.add.f32 [tilespmem:s16], [sflag:$0x3], $0x80, s24, s19, $0xb8;
	[tilespmem:$0x1E400] =	vst v63  }
0xaf: {  	_ =	swait.ge [sflag:s17], $0x4000  }
0xb0: {  	[sflag:s17] =	ssyncset.done $0x0  }
0xb1: {  	[sflag:s17] =	ssyncadd.s32 $0xFFFFC000  }
0xb2: {  	_ =	swait.ge [sflag:s22], $0x4000  }
0xb3: {  	[sflag:s22] =	ssyncset.done $0x0  }
0xb4: {  	[sflag:s22] =	ssyncadd.s32 $0xFFFFC000  }
0xb5: {  	[spmem:s3] =	stream.indirect.scatter.add.f32 [tilespmem:s21], [sflag:$0x3], $0x80, s25, s19, $0xb8;
	[tilespmem:$0x1E400] =	vst v63  }
0xb6: {  	_ =	swait.ge [sflag:s17], $0x4000  }
0xb7: {  	s26 =	sshll.u32 s2, $0x6;
	s4 =	sadd.s32 $0x1, s4;
	[sflag:s17] =	ssyncset.done $0x0  }
0xb8: {  	s28 =	sshrl.u32 s5, $0x3;
	p0 =	sne.s32 s4, s15;
	[sflag:s17] =	ssyncadd.s32 $0xFFFFC000  }
.Ltmp3:
0xb9: {  	s26 =	sor.u32 $0x1C03, s26;
	[bflag:$0x0] =	sbarrier.arrive $0xFFFF;
	(pc) =	sbr.rel @p0 .LBB2_1-.Ltmp3, $4  }
0xba: {  	[hbm:s14], [sflag:s26] =	dma.local [spmem:s28], $0x2780  }
0xbb: {  	_ =	swait.ge [sflag:s17], $0x2780  }
0xbc: {  	[sflag:s17] =	ssyncset.done $0x0  }
0xbd: {  	[sflag:s17] =	ssyncadd.s32 $0xFFFFD880  }
0xbe: {  	_ =	sfence.sel $0x180000  }
0xbf: {  	[bflag:$0x0] =	sbarrier.arrive $0xFFFF  }
0xc0: {  	p0 =	sne.s32 s2, $0x0;
	_ =	strace $0x9000004A  }
0xc1: {  	s0 =	sadd.s32 @!p0 $0x100000, s0;
	[bflag:$0x2] =	sbarrier.arrive $0xFFFF  }
0xc2: {  	[sflag:s0] =	ssyncadd.tile.s32 @!p0 $0x1;
	_ =	shalt  }
.Lfunc_end2:
_tile_overlayer_lowered:
.L_overlay_start_2:
0xc3: {  	(tag) =	ssettag $0x2  }
0xc4: {  	s0 =	rddreg [dreg:$0x0];
	s2 =	stileid.u32  }
0xc5: {  	s1 =	rddreg [dreg:$0x1];
	p0 =	sne.s32 s2, $0x0  }
0xc6: {  	s3 =	rddreg [dreg:$0x2];
	[bflag:$0x3] =	sbarrier.arrive $0xFFFF;
	s2 =	simm.s32 @!p0 $0x1C03  }
0xc7: {  	[timem:s3], [sflag:s2] =	dma.local @!p0 [hbm:s0], s1  }
0xc8: {  	s0 =	simm.s32 @!p0 $0x3  }
0xc9: {  	_ =	swait.ge @!p0 [sflag:s0], s1  }
0xca: {  	s1 =	ssub.s32 @!p0 $0x0, s1;
	[sflag:s0] =	ssyncset.done @!p0 $0x0  }
0xcb: {  	[sflag:s0] =	ssyncadd.s32 @!p0 s1  }
0xcc: {  	[bflag:$0x3] =	sbarrier.arrive $0xFFFF  }
0xcd: {  	_ =	shalt  }

// kernel: kernel.17.cloned.1.call-start
scs
__scs_entry_jumppad:
0x0: {  	(pc) =	sbr.rel $0x88, $3  }
0x1: {  	(tag) =	ssettag $0x0;
	lr =	simm.s32 $0x1  }
0x2: {  	[smem:$0x3F99] =	sst lr;
	_ =	strace $0xD0000000  }
0x3: {  	_ = 	snop  }
0x4: {  	_ = 	snop  }
0x5: {  	_ = 	snop  }
0x6: {  	_ = 	snop  }
0x7: {  	_ = 	snop  }
__scs_overlays_trampoline_lowered:
0x8: {  	[smem:$0x3FA8] =	sst s0  }
0x9: {  	[smem:$0x3FA9] =	sst s1  }
0xa: {  	[smem:$0x3FAA] =	sst s2  }
0xb: {  	[smem:$0x3FAB] =	sst s3  }
0xc: {  	[smem:$0x3FAC] =	sst s4  }
0xd: {  	[smem:$0x3FAD] =	sst s5  }
0xe: {  	[smem:$0x3FAE] =	sst s6  }
0xf: {  	[smem:$0x3FAF] =	sst s7  }
0x10: {  	[smem:$0x3FB0] =	sst s8  }
0x11: {  	[smem:$0x3FB1] =	sst s9;
	s0 =	simm.s32 @!p0 $0x0  }
0x12: {  	s1 =	sld [smem:$0x3F97];
	s0 =	simm.s32 @p0 $0x1  }
0x13: {  	[smem:$0x3FB2] =	sst s0;
	s0 =	simm.s32 @!p1 $0x0  }
0x14: {  	s2 =	sld [smem:$0x3F96];
	s0 =	simm.s32 @p1 $0x1  }
0x15: {  	[smem:$0x3FB3] =	sst s0;
	s0 =	simm.s32 @!p2 $0x0  }
0x16: {  	s3 =	sld [smem:$0x3FDB];
	s0 =	simm.s32 @p2 $0x1  }
0x17: {  	s4 =	simm.s32 $0x1BF5;
	[smem:$0x3FB5] =	sst s0  }
0x18: {  	s0 =	sld [smem:$0x3F98];
	_ =	swait.ge [sflag:s4], $0x0  }
0x19: {  	s7 =	sld [smem:$0x3F99]  }
0x1a: {  	s8 =	sadd.s32 $0xFFFFE003, lr  }
0x1b: {  	s9 =	sadd.s32 $0xFFFFFEF7, lr;
	s5 =	simm.s32 $0xFFFFFFFF;
	p2 =	slt.u32 s8, $0xFFFFF086  }
0x1c: {  	p1 =	slt.u32 s9, $0xF7A;
	s5 =	simm.s32 @!p2 $0x0  }
0x1d: {  	s5 =	simm.s32 @p1 $0x1;
	p0 =	seq.s32 s7, s2  }
0x1e: {  	s7 =	smul.u32 @!p0 $0xF7A, s2;
	p2 =	seq.s32 @!p0 s5, $0x0  }
0x1f: {  	s9 =	smul.u32 $0xF7A, s1;
	s8 =	simm.s32 @!p0 $0x1BF5;
	p2 =	por !p2, p0  }
0x20: {  	[sflag:s8] =	ssyncset.s32 @!p0 $0xFFFFF086;
	s6 =	sadd.s32 @!p0 s3, s7;
	s7 =	simm.s32 @!p0 $0x108  }
0x21: {  	s3 =	sadd.s32 s3, s9;
	s6 =	sadd.s32 @!p0 $0x88, s6;
	s7 =	simm.s32 @p2 $0x1082  }
0x22: {  	[simem:s7], [sflag:s8] =	dma.local @!p0 [hbm:s6], $0xF7A  }
0x23: {  	s9 =	sor.u32 $0xD0000000, s2;
	s6 =	simm.s32 $0x108;
	_ =	swait.ge @!p0 [sflag:s8], $0x0  }
0x24: {  	s3 =	sadd.s32 $0x88, s3;
	s6 =	simm.s32 @!p1 $0x1082;
	[sflag:s4] =	ssyncset.s32 $0xFFFFF086  }
0x25: {  	[simem:s6], [sflag:s4] =	dma.local [hbm:s3], $0xF7A  }
0x26: {  	[smem:$0x3F99] =	sst s1;
	(tag) =	ssettag s2;
	_ =	strace s9  }
0x27: {  	s1 =	sld [smem:$0x3FA9]  }
0x28: {  	s2 =	sld [smem:$0x3FAA]  }
0x29: {  	s4 =	sld [smem:$0x3FAC]  }
0x2a: {  	p0 =	seq.s32 s5, $0x0;
	s5 =	sld [smem:$0x3FAD]  }
0x2b: {  	s6 =	sld [smem:$0x3FAE]  }
0x2c: {  	s7 =	sld [smem:$0x3FAF]  }
0x2d: {  	s3 =	simm.s32 $0x108;
	s8 =	sld [smem:$0x3FB0]  }
0x2e: {  	s3 =	simm.s32 @!p0 $0x1082;
	s9 =	sld [smem:$0x3FB1]  }
0x2f: {  	lr =	sadd.s32 s0, s3;
	s0 =	sld [smem:$0x3FA8]  }
0x30: {  	s3 =	sld [smem:$0x3FAB]  }
0x31: {  	[smem:$0x3FB4] =	sst s10  }
0x32: {  	s10 =	sld [smem:$0x3FB2];
	_ =	sdelay $0x3  }
0x33: {  	p0 =	seq.s32 s10, $0x1;
	s10 =	sld [smem:$0x3FB4];
	_ =	sdelay $0x3  }
0x34: {  	[smem:$0x3FB4] =	sst s10  }
0x35: {  	s10 =	sld [smem:$0x3FB3];
	_ =	sdelay $0x3  }
0x36: {  	p1 =	seq.s32 s10, $0x1;
	s10 =	sld [smem:$0x3FB4];
	_ =	sdelay $0x3  }
0x37: {  	[smem:$0x3FB4] =	sst s10  }
0x38: {  	s10 =	sld [smem:$0x3FB5]  }
0x39: {  	_ = 	snop;
	(pc) =	sbr.ind lr, $3  }
0x3a: {  	_ = 	snop  }
0x3b: {  	_ = 	snop  }
0x3c: {  	p2 =	seq.s32 s10, $0x1;
	s10 =	sld [smem:$0x3FB4]  }
0x3d: {  	_ =	shalt  }
0x3e: {  	_ =	shalt  }
0x3f: {  	_ =	shalt  }
0x40: {  	_ =	shalt  }
0x41: {  	_ =	shalt  }
0x42: {  	_ =	shalt  }
0x43: {  	_ =	shalt  }
0x44: {  	_ =	shalt  }
0x45: {  	_ =	shalt  }
0x46: {  	_ =	shalt  }
0x47: {  	_ =	shalt  }
0x48: {  	_ =	shalt  }
0x49: {  	_ =	shalt  }
0x4a: {  	_ =	shalt  }
0x4b: {  	_ =	shalt  }
0x4c: {  	_ =	shalt  }
0x4d: {  	_ =	shalt  }
0x4e: {  	_ =	shalt  }
0x4f: {  	_ =	shalt  }
0x50: {  	_ =	shalt  }
0x51: {  	_ =	shalt  }
0x52: {  	_ =	shalt  }
0x53: {  	_ =	shalt  }
0x54: {  	_ =	shalt  }
0x55: {  	_ =	shalt  }
0x56: {  	_ =	shalt  }
0x57: {  	_ =	shalt  }
0x58: {  	_ =	shalt  }
0x59: {  	_ =	shalt  }
0x5a: {  	_ =	shalt  }
0x5b: {  	_ =	shalt  }
0x5c: {  	_ =	shalt  }
0x5d: {  	_ =	shalt  }
0x5e: {  	_ =	shalt  }
0x5f: {  	_ =	shalt  }
0x60: {  	_ =	shalt  }
0x61: {  	_ =	shalt  }
0x62: {  	_ =	shalt  }
0x63: {  	_ =	shalt  }
0x64: {  	_ =	shalt  }
0x65: {  	_ =	shalt  }
0x66: {  	_ =	shalt  }
0x67: {  	_ =	shalt  }
0x68: {  	_ =	shalt  }
0x69: {  	_ =	shalt  }
0x6a: {  	_ =	shalt  }
0x6b: {  	_ =	shalt  }
0x6c: {  	_ =	shalt  }
0x6d: {  	_ =	shalt  }
0x6e: {  	_ =	shalt  }
0x6f: {  	_ =	shalt  }
0x70: {  	_ =	shalt  }
0x71: {  	_ =	shalt  }
0x72: {  	_ =	shalt  }
0x73: {  	_ =	shalt  }
0x74: {  	_ =	shalt  }
0x75: {  	_ =	shalt  }
0x76: {  	_ =	shalt  }
0x77: {  	_ =	shalt  }
0x78: {  	_ =	shalt  }
0x79: {  	_ =	shalt  }
0x7a: {  	_ =	shalt  }
0x7b: {  	_ =	shalt  }
0x7c: {  	_ =	shalt  }
0x7d: {  	_ =	shalt  }
0x7e: {  	_ =	shalt  }
0x7f: {  	_ =	shalt  }
0x80: {  	_ =	shalt  }
0x81: {  	_ =	shalt  }
0x82: {  	_ =	shalt  }
0x83: {  	_ =	shalt  }
0x84: {  	_ =	shalt  }
0x85: {  	_ =	shalt  }
0x86: {  	_ =	shalt  }
0x87: {  	_ =	shalt  }
.Lfunc_end0:
.L_simem_size_0:
called_computation.2_lowered:
.L_overlay_start_0:
0x88: {  	s2 =	sld [smem:$0x3FD9]  }
0x89: {  	s3 =	sld [smem:$0x3FFE];
	_ =	sdelay $0x1  }
0x8a: {  	s1 =	srdreg.scid  }
0x8b: {  	s0 =	sand.u32 $0x1, s1  }
0x8c: {  	s17 =	sshll.u32 s0, $0xA;
	s2 =	sadd.s32 s3, s2  }
0x8d: {  	s2 =	sadd.s32 s2, s17  }
0x8e: {  	[smem:$0x3FC0] =	sst s2  }
0x8f: {  	_ = 	snop  }
0x90: {  	s2 =	sld [smem:$0x3FD0];
	(tm) =	ssettm $0x1  }
0x91: {  	s18 =	sld [smem:$0x3FFB];
	_ =	sdelay $0x3  }
0x92: {  	_ =	strace s18  }
0x93: {  	s3 =	sld [smem:$0x3FFC];
	_ =	sdelay $0x3  }
0x94: {  	_ =	strace s3  }
0x95: {  	s3 =	sld [smem:$0x3FFD];
	_ =	sdelay $0x3  }
0x96: {  	_ =	strace s3  }
0x97: {  	_ =	strace $0x8FFFFFFF  }
0x98: {  	s19 =	sld [smem:$0x3FDB];
	_ =	sdelay $0x1  }
0x99: {  	s4 =	simm.s32 $_scs_section_size  }
0x9a: {  	s5 =	simm.s32 $_size__tile_overlayer_lowered;
	s6 =	simm.s32 $_tile_overlayer_lowered  }
0x9b: {  	s22 =	simm.s32 $0x1BFF;
	s21 =	sshll.u32 s6, $0x1;
	s3 =	sadd.s32 s4, s19  }
0x9c: {  	s7 =	simm.s32 $0x0;
	s20 =	sshll.u32 s5, $0x1;
	s5 =	sadd.s32 s21, s3  }
0x9d: {  	[timem:s7], [sflag:s22] =	dma.local [hbm:s5], s20  }
0x9e: {  	_ =	swait.ge [sflag:s22], s20  }
0x9f: {  	s4 =	ssub.s32 $0x0, s20;
	[sflag:s22] =	ssyncset.done $0x0  }
0xa0: {  	[sflag:s22] =	ssyncadd.s32 s4;
	_ =	sdelay $0x1  }
0xa1: {  	s23 =	simm.s32 $0x1B8B  }
0xa2: {  	_ =	swait.ge [sflag:s23], $0x1  }
0xa3: {  	[sflag:s23] =	ssyncset.done $0x0  }
0xa4: {  	s25 =	simm.s32 $0x1B8E;
	s24 =	sld [smem:$0x3FFE];
	[sflag:s23] =	ssyncadd.s32 $0xFFFFFFFF  }
0xa5: {  	s26 =	simm.s32 $execute0_lowered;
	[smem:$0x3FD2] =	sst s25  }
0xa6: {  	s5 =	sshll.u32 s26, $0x1;
	_ =	strace $0x8000004C;
	[dreg:$0x1] =	wrdreg $0xFFFFFFFF  }
0xa7: {  	s28 =	simm.s32 $_size_execute0_lowered;
	s3 =	sadd.s32 s3, s5;
	[dreg:$0x0] =	wrdreg $0x0  }
0xa8: {  	s5 =	sshll.u32 s28, $0x1;
	[dreg:$0x2] =	wrdreg s3  }
0xa9: {  	[dreg:$0x3] =	wrdreg s5  }
0xaa: {  	[dreg:$0x4] =	wrdreg $0xC0  }
0xab: {  	_ =	task [dreg:s7], $0x5FFFF  }
0xac: {  	[dreg:$0x1] =	wrdreg $0xFFFFFFFF  }
0xad: {  	[dreg:$0x0] =	wrdreg $0x60  }
0xae: {  	[dreg:$0x2] =	wrdreg s2  }
0xaf: {  	[dreg:$0x3] =	wrdreg s24  }
0xb0: {  	[dreg:$0x4] =	wrdreg $0xA8000  }
0xb1: {  	[dreg:$0x5] =	wrdreg $0x9  }
0xb2: {  	_ =	task.clear_ibuf [dreg:s7], $0x6FFFF;
	_ =	strace $0x9000004C  }
0xb3: {  	s29 =	simm.s32 $0x9;
	_ =	strace $0x8000004E  }
0xb4: {  	_ =	swait.ge [sflag:s29], $0x1  }
0xb5: {  	[sflag:s29] =	ssyncadd.s32 $0xFFFFFFFF  }
0xb6: {  	_ =	strace $0x9000004E  }
0xb7: {  	_ =	sfence  }
0xb8: {  	s30 =	sld [smem:$0x0];
	_ =	sdelay $0x2  }
0xb9: {  	s31 =	sshll.u32 s1, $0xD;
	s1 =	sshrl.u32 s1, $0x2  }
0xba: {  	s3 =	sand.u32 $0x4000, s31;
	s1 =	sadd.s32 s1, s30  }
0xbb: {  	s0 =	sor.u32 s3, s0;
	s1 =	sshll.u32 s1, $0x11  }
0xbc: {  	s0 =	sor.u32 s1, s0  }
0xbd: {  	s0 =	sadd.s32 $0x8F2B, s0  }
0xbe: {  	[sflag:s0] =	ssyncadd.remote.s32 $0x1  }
0xbf: {  	_ =	sfence.sel $0xFFFF  }
0xc0: {  	[dreg:$0x0] =	wrdreg $0xFFFFFFFF;
	(pc) =	sbr.abs _section_cstart, $3  }
0xc1: {  	[dreg:$0x1] =	wrdreg $0xFFFFFFFF  }
0xc2: {  	_ =	task.clear_ibuf [dreg:s7], $0x2FFFF;
	_ =	strace $0x9FFFFFFF  }
0xc3: {  	(tm) =	ssettm $0x7FFFFFFF  }
tec
execute0_lowered:
.L_overlay_start_1:
0x0: {  	(tag) =	ssettag $0x1  }
0x1: {  	s1 =	rddreg [dreg:$0x0]  }
0x2: {  	s6 =	rddreg [dreg:$0x1]  }
0x3: {  	s3 =	rddreg [dreg:$0x2]  }
0x4: {  	s0 =	rddreg [dreg:$0x3];
	s5 =	srdreg.scid  }
0x5: {  	s2 =	stileid.u32;
	s4 =	simm.s32 $0x0;
	s17 =	simm.s32 $0x3  }
0x6: {  	s18 =	simm.s32 $0x1400;
	s19 =	simm.s32 $0x80;
	s20 =	simm.s32 $0x1  }
0x7: {  	s21 =	simm.s32 $0x6800;
	s22 =	simm.s32 $0x2;
	s23 =	simm.s32 $0x1380  }
0x8: {  	s24 =	simm.s32 $0x2700;
	s25 =	simm.s32 $0x2780;
	s7 =	smul.u32 $0x2780, s2  }
0x9: {  	s5 =	sand.u32 $0x1, s5;
	[smem:$0x7FF] =	sst s4;
	s9 =	smul.u32 $0x4F000, s2  }
0xa: {  	s12 =	sadd.s32 $0x5CE00, s6;
	s13 =	sadd.s32 $0x3E00, s6;
	s8 =	smul.u32 $0x27800, s5  }
0xb: {  	_ =	strace $0x8000004D;
	s29 =	sshll.u32 s5, $0x4;
	s10 =	ssub.s32 $0x2, s5  }
0xc: {  	s30 =	sshrl.u32 s9, $0x2;
	s31 =	sshrl.u32 s10, $0x1;
	s7 =	sadd.s32 s7, s8  }
0xd: {  	s8 =	sor.u32 s2, s29;
	s5 =	sadd.s32 s30, s3;
	s15 =	ssub.s32 s10, s31  }
0xe: {  	s11 =	smul.u32 $0x2800, s8;
	s14 =	sadd.s32 s7, s6;
	s6 =	sadd.s32 $0x4000, s5  }
0xf: {  	s7 =	sadd.s32 $0x8000, s5;
	s8 =	sadd.s32 $0xC000, s5;
	s9 =	sadd.s32 $0x10000, s5  }
0x10: {  	s15 =	smax.u32 s15, $0x1;
	s14 =	sadd.s32 $0xDE00, s14;
	s11 =	sshrl.u32 s11, $0x3  }
0x11: {  	s10 =	sadd.s32 s12, s11;
	s16 =	sadd.s32 $0x280, s11;
	s11 =	sadd.s32 s13, s11  }
0x12: {  	v0 =	vimm.f32 $0.0e+00;
	s12 =	sadd.s32 s12, s16;
	s13 =	sadd.s32 s13, s16;
	s16 =	simm.s32 $0x2800  }
.LBB2_1:
0x13: {  	s26 =	simm.s32 $0x0;
	s28 =	simm.s32 $0x200  }
.LBB2_2:
0x14: {  	p0 =	sne.s32 s28, $0xFE00;
	[tilespmem:s26+$0x2870] =	vst v0  }
0x15: {  	[tilespmem:s26+$0x2800] =	vst v0  }
0x16: {  	[tilespmem:s26+$0x2810] =	vst v0  }
.Ltmp0:
0x17: {  	[tilespmem:s26+$0x2820] =	vst v0;
	(pc) =	sbr.rel @p0 .LBB2_2-.Ltmp0, $4  }
0x18: {  	[tilespmem:s26+$0x2830] =	vst v0  }
0x19: {  	[tilespmem:s26+$0x2840] =	vst v0  }
0x1a: {  	[tilespmem:s26+$0x2850] =	vst v0  }
0x1b: {  	[tilespmem:s26+$0x2860] =	vst v0;
	s26 =	sshra.s32 s28, $0x2;
	s28 =	sadd.s32 $0x200, s28  }
0x1c: {  	[tilespmem:s26+$0x2870] =	vst v0  }
0x1d: {  	[tilespmem:s26+$0x2800] =	vst v0  }
0x1e: {  	[tilespmem:s26+$0x2810] =	vst v0  }
0x1f: {  	[tilespmem:s26+$0x2820] =	vst v0  }
0x20: {  	[tilespmem:s26+$0x2830] =	vst v0  }
0x21: {  	[tilespmem:s26+$0x2840] =	vst v0  }
0x22: {  	[tilespmem:s26+$0x2850] =	vst v0  }
0x23: {  	[tilespmem:s26+$0x2860] =	vst v0  }
0x24: {  	[spmem:s5] =	stream.linear.scatter [tilespmem:s16], [sflag:$0x3], $0x4000, $0x38;
	[tilespmem:$0x1E400] =	vst v63  }
0x25: {  	_ =	swait.ge [sflag:s17], $0x4000  }
0x26: {  	[sflag:s17] =	ssyncset.done $0x0  }
0x27: {  	[sflag:s17] =	ssyncadd.s32 $0xFFFFC000  }
0x28: {  	[spmem:s6] =	stream.linear.scatter [tilespmem:s16], [sflag:$0x3], $0x4000, $0x38;
	[tilespmem:$0x1E400] =	vst v63  }
0x29: {  	_ =	swait.ge [sflag:s17], $0x4000  }
0x2a: {  	[sflag:s17] =	ssyncset.done $0x0  }
0x2b: {  	[sflag:s17] =	ssyncadd.s32 $0xFFFFC000  }
0x2c: {  	[spmem:s7] =	stream.linear.scatter [tilespmem:s16], [sflag:$0x3], $0x4000, $0x38;
	[tilespmem:$0x1E400] =	vst v63  }
0x2d: {  	_ =	swait.ge [sflag:s17], $0x4000  }
0x2e: {  	[sflag:s17] =	ssyncset.done $0x0  }
0x2f: {  	[sflag:s17] =	ssyncadd.s32 $0xFFFFC000  }
0x30: {  	[spmem:s8] =	stream.linear.scatter [tilespmem:s16], [sflag:$0x3], $0x4000, $0x38;
	[tilespmem:$0x1E400] =	vst v63  }
0x31: {  	_ =	swait.ge [sflag:s17], $0x4000  }
0x32: {  	[sflag:s17] =	ssyncset.done $0x0  }
0x33: {  	[sflag:s17] =	ssyncadd.s32 $0xFFFFC000  }
0x34: {  	[spmem:s9] =	stream.linear.scatter [tilespmem:s16], [sflag:$0x3], $0x3C00, $0x38;
	[tilespmem:$0x1E400] =	vst v63  }
0x35: {  	_ =	swait.ge [sflag:s17], $0x3C00  }
0x36: {  	[sflag:s17] =	ssyncset.done $0x0  }
0x37: {  	[sflag:s17] =	ssyncadd.s32 $0xFFFFC400  }
0x38: {  	s31 =	simm.s32 $0x0;
	[bflag:$0x0] =	sbarrier.arrive $0xFFFF  }
0x39: {  	[tilespmem:s31], [sflag:$0x3] =	stream.linear.gather [hbm4b:s10+s31], $0x1400, $0x38;
	[tilespmem:$0x1E400] =	vst v63  }
0x3a: {  	_ =	swait.ge [sflag:s17], $0x1400  }
0x3b: {  	[sflag:s17] =	ssyncset.done $0x0  }
0x3c: {  	[sflag:s17] =	ssyncadd.s32 $0xFFFFEC00  }
0x3d: {  	[tilespmem:s18], [sflag:$0x3] =	stream.linear.gather [hbm4b:s11+s31], $0x1400, $0x38;
	[tilespmem:$0x1E400] =	vst v63  }
0x3e: {  	_ =	swait.ge [sflag:s17], $0x1400  }
0x3f: {  	[sflag:s17] =	ssyncset.done $0x0  }
0x40: {  	[sflag:s17] =	ssyncadd.s32 $0xFFFFEC00  }
0x41: {  	[tilespmem:s16], [sflag:$0x1] =	stream.indirect.gather [hbm4b:s1+s19], $0x80, s31, s19, $0xb8;
	[tilespmem:$0x1E400] =	vst v63  }
0x42: {  	_ =	swait.ge [sflag:s20], $0x4000  }
0x43: {  	[sflag:s20] =	ssyncset.done $0x0  }
0x44: {  	s28 =	simm.s32 $0x80;
	[sflag:s20] =	ssyncadd.s32 $0xFFFFC000  }
0x45: {  	[tilespmem:s21], [sflag:$0x2] =	stream.indirect.gather [hbm4b:s1+s19], $0x80, s28, s19, $0xb8;
	[tilespmem:$0x1E400] =	vst v63  }
0x46: {  	s29 =	simm.s32 $0x1400  }
0x47: {  	[spmem:s3] =	stream.indirect.scatter.add.f32 [tilespmem:s16], [sflag:$0x3], $0x80, s29, s19, $0xb8;
	[tilespmem:$0x1E400] =	vst v63  }
0x48: {  	_ =	swait.ge [sflag:s17], $0x4000  }
0x49: {  	[sflag:s17] =	ssyncset.done $0x0  }
0x4a: {  	[sflag:s17] =	ssyncadd.s32 $0xFFFFC000  }
0x4b: {  	_ =	swait.ge [sflag:s22], $0x4000  }
0x4c: {  	[sflag:s22] =	ssyncset.done $0x0  }
0x4d: {  	s30 =	simm.s32 $0x100;
	[sflag:s22] =	ssyncadd.s32 $0xFFFFC000  }
0x4e: {  	[tilespmem:s16], [sflag:$0x1] =	stream.indirect.gather [hbm4b:s1+s19], $0x80, s30, s19, $0xb8;
	[tilespmem:$0x1E400] =	vst v63  }
0x4f: {  	s31 =	simm.s32 $0x1480  }
0x50: {  	[spmem:s3] =	stream.indirect.scatter.add.f32 [tilespmem:s21], [sflag:$0x3], $0x80, s31, s19, $0xb8;
	[tilespmem:$0x1E400] =	vst v63  }
0x51: {  	_ =	swait.ge [sflag:s17], $0x4000  }
0x52: {  	s26 =	simm.s32 $0x400;
	[sflag:s17] =	ssyncset.done $0x0  }
.LBB2_4:
0x53: {  	p0 =	sne.s32 s26, $0x4800  }
0x54: {  	[sflag:s17] =	ssyncadd.s32 $0xFFFFC000;
	s28 =	smov.u32 s26;
	s26 =	sadd.s32 $0x400, s26  }
0x55: {  	_ = 	snop  }
0x56: {  	_ =	swait.ge [sflag:s20], $0x4000  }
0x57: {  	s28 =	sshra.s32 s28, $0x2;
	[sflag:s20] =	ssyncset.done $0x0  }
0x58: {  	s29 =	sadd.s32 $0x80, s28;
	[sflag:s20] =	ssyncadd.s32 $0xFFFFC000  }
0x59: {  	[tilespmem:s21], [sflag:$0x2] =	stream.indirect.gather [hbm4b:s1+s19], $0x80, s29, s19, $0xb8;
	[tilespmem:$0x1E400] =	vst v63  }
0x5a: {  	s29 =	sadd.s32 $0x1400, s28  }
0x5b: {  	[spmem:s3] =	stream.indirect.scatter.add.f32 [tilespmem:s16], [sflag:$0x3], $0x80, s29, s19, $0xb8;
	[tilespmem:$0x1E400] =	vst v63  }
0x5c: {  	_ =	swait.ge [sflag:s17], $0x4000  }
0x5d: {  	[sflag:s17] =	ssyncset.done $0x0  }
0x5e: {  	[sflag:s17] =	ssyncadd.s32 $0xFFFFC000  }
0x5f: {  	_ =	swait.ge [sflag:s22], $0x4000  }
0x60: {  	[sflag:s22] =	ssyncset.done $0x0  }
0x61: {  	s29 =	sadd.s32 $0x100, s28;
	[sflag:s22] =	ssyncadd.s32 $0xFFFFC000  }
0x62: {  	[tilespmem:s16], [sflag:$0x1] =	stream.indirect.gather [hbm4b:s1+s19], $0x80, s29, s19, $0xb8;
	[tilespmem:$0x1E400] =	vst v63  }
.Ltmp1:
0x63: {  	_ = 	snop;
	(pc) =	sbr.rel @p0 .LBB2_4-.Ltmp1, $4  }
0x64: {  	s28 =	sadd.s32 $0x1480, s28  }
0x65: {  	[spmem:s3] =	stream.indirect.scatter.add.f32 [tilespmem:s21], [sflag:$0x3], $0x80, s28, s19, $0xb8;
	[tilespmem:$0x1E400] =	vst v63  }
0x66: {  	_ =	swait.ge [sflag:s17], $0x4000  }
0x67: {  	[sflag:s17] =	ssyncset.done $0x0  }
0x68: {  	[sflag:s17] =	ssyncadd.s32 $0xFFFFC000  }
0x69: {  	_ =	swait.ge [sflag:s20], $0x4000  }
0x6a: {  	[sflag:s20] =	ssyncset.done $0x0  }
0x6b: {  	[sflag:s20] =	ssyncadd.s32 $0xFFFFC000  }
0x6c: {  	[tilespmem:s21], [sflag:$0x2] =	stream.indirect.gather [hbm4b:s1+s19], $0x80, s23, s19, $0xb8;
	[tilespmem:$0x1E400] =	vst v63  }
0x6d: {  	_ = 	snop  }
0x6e: {  	[spmem:s3] =	stream.indirect.scatter.add.f32 [tilespmem:s16], [sflag:$0x3], $0x80, s24, s19, $0xb8;
	[tilespmem:$0x1E400] =	vst v63  }
0x6f: {  	_ =	swait.ge [sflag:s17], $0x4000  }
0x70: {  	[sflag:s17] =	ssyncset.done $0x0  }
0x71: {  	[sflag:s17] =	ssyncadd.s32 $0xFFFFC000  }
0x72: {  	_ =	swait.ge [sflag:s22], $0x4000  }
0x73: {  	[sflag:s22] =	ssyncset.done $0x0  }
0x74: {  	[sflag:s22] =	ssyncadd.s32 $0xFFFFC000  }
0x75: {  	[spmem:s3] =	stream.indirect.scatter.add.f32 [tilespmem:s21], [sflag:$0x3], $0x80, s25, s19, $0xb8;
	[tilespmem:$0x1E400] =	vst v63  }
0x76: {  	_ =	swait.ge [sflag:s17], $0x4000  }
0x77: {  	[sflag:s17] =	ssyncset.done $0x0  }
0x78: {  	s26 =	simm.s32 $0x0;
	[sflag:s17] =	ssyncadd.s32 $0xFFFFC000  }
0x79: {  	[tilespmem:s26], [sflag:$0x3] =	stream.linear.gather [hbm4b:s12+s26], $0x1400, $0x38;
	[tilespmem:$0x1E400] =	vst v63  }
0x7a: {  	_ =	swait.ge [sflag:s17], $0x1400  }
0x7b: {  	[sflag:s17] =	ssyncset.done $0x0  }
0x7c: {  	[sflag:s17] =	ssyncadd.s32 $0xFFFFEC00  }
0x7d: {  	[tilespmem:s18], [sflag:$0x3] =	stream.linear.gather [hbm4b:s13+s26], $0x1400, $0x38;
	[tilespmem:$0x1E400] =	vst v63  }
0x7e: {  	_ =	swait.ge [sflag:s17], $0x1400  }
0x7f: {  	[sflag:s17] =	ssyncset.done $0x0  }
0x80: {  	[sflag:s17] =	ssyncadd.s32 $0xFFFFEC00  }
0x81: {  	[tilespmem:s16], [sflag:$0x1] =	stream.indirect.gather [hbm4b:s1+s19], $0x80, s26, s19, $0xb8;
	[tilespmem:$0x1E400] =	vst v63  }
0x82: {  	_ =	swait.ge [sflag:s20], $0x4000  }
0x83: {  	[sflag:s20] =	ssyncset.done $0x0  }
0x84: {  	s28 =	simm.s32 $0x80;
	[sflag:s20] =	ssyncadd.s32 $0xFFFFC000  }
0x85: {  	[tilespmem:s21], [sflag:$0x2] =	stream.indirect.gather [hbm4b:s1+s19], $0x80, s28, s19, $0xb8;
	[tilespmem:$0x1E400] =	vst v63  }
0x86: {  	s29 =	simm.s32 $0x1400  }
0x87: {  	[spmem:s3] =	stream.indirect.scatter.add.f32 [tilespmem:s16], [sflag:$0x3], $0x80, s29, s19, $0xb8;
	[tilespmem:$0x1E400] =	vst v63  }
0x88: {  	_ =	swait.ge [sflag:s17], $0x4000  }
0x89: {  	[sflag:s17] =	ssyncset.done $0x0  }
0x8a: {  	[sflag:s17] =	ssyncadd.s32 $0xFFFFC000  }
0x8b: {  	_ =	swait.ge [sflag:s22], $0x4000  }
0x8c: {  	[sflag:s22] =	ssyncset.done $0x0  }
0x8d: {  	s30 =	simm.s32 $0x100;
	[sflag:s22] =	ssyncadd.s32 $0xFFFFC000  }
0x8e: {  	[tilespmem:s16], [sflag:$0x1] =	stream.indirect.gather [hbm4b:s1+s19], $0x80, s30, s19, $0xb8;
	[tilespmem:$0x1E400] =	vst v63  }
0x8f: {  	s31 =	simm.s32 $0x1480  }
0x90: {  	[spmem:s3] =	stream.indirect.scatter.add.f32 [tilespmem:s21], [sflag:$0x3], $0x80, s31, s19, $0xb8;
	[tilespmem:$0x1E400] =	vst v63  }
0x91: {  	_ =	swait.ge [sflag:s17], $0x4000  }
0x92: {  	s26 =	simm.s32 $0x400;
	[sflag:s17] =	ssyncset.done $0x0  }
.LBB2_6:
0x93: {  	p0 =	sne.s32 s26, $0x4800  }
0x94: {  	[sflag:s17] =	ssyncadd.s32 $0xFFFFC000;
	s28 =	smov.u32 s26;
	s26 =	sadd.s32 $0x400, s26  }
0x95: {  	_ = 	snop  }
0x96: {  	_ =	swait.ge [sflag:s20], $0x4000  }
0x97: {  	s28 =	sshra.s32 s28, $0x2;
	[sflag:s20] =	ssyncset.done $0x0  }
0x98: {  	s29 =	sadd.s32 $0x80, s28;
	[sflag:s20] =	ssyncadd.s32 $0xFFFFC000  }
0x99: {  	[tilespmem:s21], [sflag:$0x2] =	stream.indirect.gather [hbm4b:s1+s19], $0x80, s29, s19, $0xb8;
	[tilespmem:$0x1E400] =	vst v63  }
0x9a: {  	s29 =	sadd.s32 $0x1400, s28  }
0x9b: {  	[spmem:s3] =	stream.indirect.scatter.add.f32 [tilespmem:s16], [sflag:$0x3], $0x80, s29, s19, $0xb8;
	[tilespmem:$0x1E400] =	vst v63  }
0x9c: {  	_ =	swait.ge [sflag:s17], $0x4000  }
0x9d: {  	[sflag:s17] =	ssyncset.done $0x0  }
0x9e: {  	[sflag:s17] =	ssyncadd.s32 $0xFFFFC000  }
0x9f: {  	_ =	swait.ge [sflag:s22], $0x4000  }
0xa0: {  	[sflag:s22] =	ssyncset.done $0x0  }
0xa1: {  	s29 =	sadd.s32 $0x100, s28;
	[sflag:s22] =	ssyncadd.s32 $0xFFFFC000  }
0xa2: {  	[tilespmem:s16], [sflag:$0x1] =	stream.indirect.gather [hbm4b:s1+s19], $0x80, s29, s19, $0xb8;
	[tilespmem:$0x1E400] =	vst v63  }
.Ltmp2:
0xa3: {  	_ = 	snop;
	(pc) =	sbr.rel @p0 .LBB2_6-.Ltmp2, $4  }
0xa4: {  	s28 =	sadd.s32 $0x1480, s28  }
0xa5: {  	[spmem:s3] =	stream.indirect.scatter.add.f32 [tilespmem:s21], [sflag:$0x3], $0x80, s28, s19, $0xb8;
	[tilespmem:$0x1E400] =	vst v63  }
0xa6: {  	_ =	swait.ge [sflag:s17], $0x4000  }
0xa7: {  	[sflag:s17] =	ssyncset.done $0x0  }
0xa8: {  	[sflag:s17] =	ssyncadd.s32 $0xFFFFC000  }
0xa9: {  	_ =	swait.ge [sflag:s20], $0x4000  }
0xaa: {  	[sflag:s20] =	ssyncset.done $0x0  }
0xab: {  	[sflag:s20] =	ssyncadd.s32 $0xFFFFC000  }
0xac: {  	[tilespmem:s21], [sflag:$0x2] =	stream.indirect.gather [hbm4b:s1+s19], $0x80, s23, s19, $0xb8;
	[tilespmem:$0x1E400] =	vst v63  }
0xad: {  	_ = 	snop  }
0xae: {  	[spmem:s3] =	stream.indirect.scatter.add.f32 [tilespmem:s16], [sflag:$0x3], $0x80, s24, s19, $0xb8;
	[tilespmem:$0x1E400] =	vst v63  }
0xaf: {  	_ =	swait.ge [sflag:s17], $0x4000  }
0xb0: {  	[sflag:s17] =	ssyncset.done $0x0  }
0xb1: {  	[sflag:s17] =	ssyncadd.s32 $0xFFFFC000  }
0xb2: {  	_ =	swait.ge [sflag:s22], $0x4000  }
0xb3: {  	[sflag:s22] =	ssyncset.done $0x0  }
0xb4: {  	[sflag:s22] =	ssyncadd.s32 $0xFFFFC000  }
0xb5: {  	[spmem:s3] =	stream.indirect.scatter.add.f32 [tilespmem:s21], [sflag:$0x3], $0x80, s25, s19, $0xb8;
	[tilespmem:$0x1E400] =	vst v63  }
0xb6: {  	_ =	swait.ge [sflag:s17], $0x4000  }
0xb7: {  	s26 =	sshll.u32 s2, $0x6;
	s4 =	sadd.s32 $0x1, s4;
	[sflag:s17] =	ssyncset.done $0x0  }
0xb8: {  	s28 =	sshrl.u32 s5, $0x3;
	p0 =	sne.s32 s4, s15;
	[sflag:s17] =	ssyncadd.s32 $0xFFFFC000  }
.Ltmp3:
0xb9: {  	s26 =	sor.u32 $0x1C03, s26;
	[bflag:$0x0] =	sbarrier.arrive $0xFFFF;
	(pc) =	sbr.rel @p0 .LBB2_1-.Ltmp3, $4  }
0xba: {  	[hbm:s14], [sflag:s26] =	dma.local [spmem:s28], $0x2780  }
0xbb: {  	_ =	swait.ge [sflag:s17], $0x2780  }
0xbc: {  	[sflag:s17] =	ssyncset.done $0x0  }
0xbd: {  	[sflag:s17] =	ssyncadd.s32 $0xFFFFD880  }
0xbe: {  	_ =	sfence.sel $0x180000  }
0xbf: {  	[bflag:$0x0] =	sbarrier.arrive $0xFFFF  }
0xc0: {  	p0 =	sne.s32 s2, $0x0;
	_ =	strace $0x9000004D  }
0xc1: {  	s0 =	sadd.s32 @!p0 $0x100000, s0;
	[bflag:$0x2] =	sbarrier.arrive $0xFFFF  }
0xc2: {  	[sflag:s0] =	ssyncadd.tile.s32 @!p0 $0x1;
	_ =	shalt  }
.Lfunc_end2:
_tile_overlayer_lowered:
.L_overlay_start_2:
0xc3: {  	(tag) =	ssettag $0x2  }
0xc4: {  	s0 =	rddreg [dreg:$0x0];
	s2 =	stileid.u32  }
0xc5: {  	s1 =	rddreg [dreg:$0x1];
	p0 =	sne.s32 s2, $0x0  }
0xc6: {  	s3 =	rddreg [dreg:$0x2];
	[bflag:$0x3] =	sbarrier.arrive $0xFFFF;
	s2 =	simm.s32 @!p0 $0x1C03  }
0xc7: {  	[timem:s3], [sflag:s2] =	dma.local @!p0 [hbm:s0], s1  }
0xc8: {  	s0 =	simm.s32 @!p0 $0x3  }
0xc9: {  	_ =	swait.ge @!p0 [sflag:s0], s1  }
0xca: {  	s1 =	ssub.s32 @!p0 $0x0, s1;
	[sflag:s0] =	ssyncset.done @!p0 $0x0  }
0xcb: {  	[sflag:s0] =	ssyncadd.s32 @!p0 s1  }
0xcc: {  	[bflag:$0x3] =	sbarrier.arrive $0xFFFF  }
0xcd: {  	_ =	shalt  }

// kernel: kernel.20.cloned.1.call-start
scs
__scs_entry_jumppad:
0x0: {  	(pc) =	sbr.rel $0x88, $3  }
0x1: {  	(tag) =	ssettag $0x0;
	lr =	simm.s32 $0x1  }
0x2: {  	[smem:$0x3F99] =	sst lr;
	_ =	strace $0xD0000000  }
0x3: {  	_ = 	snop  }
0x4: {  	_ = 	snop  }
0x5: {  	_ = 	snop  }
0x6: {  	_ = 	snop  }
0x7: {  	_ = 	snop  }
__scs_overlays_trampoline_lowered:
0x8: {  	[smem:$0x3FA8] =	sst s0  }
0x9: {  	[smem:$0x3FA9] =	sst s1  }
0xa: {  	[smem:$0x3FAA] =	sst s2  }
0xb: {  	[smem:$0x3FAB] =	sst s3  }
0xc: {  	[smem:$0x3FAC] =	sst s4  }
0xd: {  	[smem:$0x3FAD] =	sst s5  }
0xe: {  	[smem:$0x3FAE] =	sst s6  }
0xf: {  	[smem:$0x3FAF] =	sst s7  }
0x10: {  	[smem:$0x3FB0] =	sst s8  }
0x11: {  	[smem:$0x3FB1] =	sst s9;
	s0 =	simm.s32 @!p0 $0x0  }
0x12: {  	s1 =	sld [smem:$0x3F97];
	s0 =	simm.s32 @p0 $0x1  }
0x13: {  	[smem:$0x3FB2] =	sst s0;
	s0 =	simm.s32 @!p1 $0x0  }
0x14: {  	s2 =	sld [smem:$0x3F96];
	s0 =	simm.s32 @p1 $0x1  }
0x15: {  	[smem:$0x3FB3] =	sst s0;
	s0 =	simm.s32 @!p2 $0x0  }
0x16: {  	s3 =	sld [smem:$0x3FDB];
	s0 =	simm.s32 @p2 $0x1  }
0x17: {  	s4 =	simm.s32 $0x1BF5;
	[smem:$0x3FB5] =	sst s0  }
0x18: {  	s0 =	sld [smem:$0x3F98];
	_ =	swait.ge [sflag:s4], $0x0  }
0x19: {  	s7 =	sld [smem:$0x3F99]  }
0x1a: {  	s8 =	sadd.s32 $0xFFFFE003, lr  }
0x1b: {  	s9 =	sadd.s32 $0xFFFFFEF7, lr;
	s5 =	simm.s32 $0xFFFFFFFF;
	p2 =	slt.u32 s8, $0xFFFFF086  }
0x1c: {  	p1 =	slt.u32 s9, $0xF7A;
	s5 =	simm.s32 @!p2 $0x0  }
0x1d: {  	s5 =	simm.s32 @p1 $0x1;
	p0 =	seq.s32 s7, s2  }
0x1e: {  	s7 =	smul.u32 @!p0 $0xF7A, s2;
	p2 =	seq.s32 @!p0 s5, $0x0  }
0x1f: {  	s9 =	smul.u32 $0xF7A, s1;
	s8 =	simm.s32 @!p0 $0x1BF5;
	p2 =	por !p2, p0  }
0x20: {  	[sflag:s8] =	ssyncset.s32 @!p0 $0xFFFFF086;
	s6 =	sadd.s32 @!p0 s3, s7;
	s7 =	simm.s32 @!p0 $0x108  }
0x21: {  	s3 =	sadd.s32 s3, s9;
	s6 =	sadd.s32 @!p0 $0x88, s6;
	s7 =	simm.s32 @p2 $0x1082  }
0x22: {  	[simem:s7], [sflag:s8] =	dma.local @!p0 [hbm:s6], $0xF7A  }
0x23: {  	s9 =	sor.u32 $0xD0000000, s2;
	s6 =	simm.s32 $0x108;
	_ =	swait.ge @!p0 [sflag:s8], $0x0  }
0x24: {  	s3 =	sadd.s32 $0x88, s3;
	s6 =	simm.s32 @!p1 $0x1082;
	[sflag:s4] =	ssyncset.s32 $0xFFFFF086  }
0x25: {  	[simem:s6], [sflag:s4] =	dma.local [hbm:s3], $0xF7A  }
0x26: {  	[smem:$0x3F99] =	sst s1;
	(tag) =	ssettag s2;
	_ =	strace s9  }
0x27: {  	s1 =	sld [smem:$0x3FA9]  }
0x28: {  	s2 =	sld [smem:$0x3FAA]  }
0x29: {  	s4 =	sld [smem:$0x3FAC]  }
0x2a: {  	p0 =	seq.s32 s5, $0x0;
	s5 =	sld [smem:$0x3FAD]  }
0x2b: {  	s6 =	sld [smem:$0x3FAE]  }
0x2c: {  	s7 =	sld [smem:$0x3FAF]  }
0x2d: {  	s3 =	simm.s32 $0x108;
	s8 =	sld [smem:$0x3FB0]  }
0x2e: {  	s3 =	simm.s32 @!p0 $0x1082;
	s9 =	sld [smem:$0x3FB1]  }
0x2f: {  	lr =	sadd.s32 s0, s3;
	s0 =	sld [smem:$0x3FA8]  }
0x30: {  	s3 =	sld [smem:$0x3FAB]  }
0x31: {  	[smem:$0x3FB4] =	sst s10  }
0x32: {  	s10 =	sld [smem:$0x3FB2];
	_ =	sdelay $0x3  }
0x33: {  	p0 =	seq.s32 s10, $0x1;
	s10 =	sld [smem:$0x3FB4];
	_ =	sdelay $0x3  }
0x34: {  	[smem:$0x3FB4] =	sst s10  }
0x35: {  	s10 =	sld [smem:$0x3FB3];
	_ =	sdelay $0x3  }
0x36: {  	p1 =	seq.s32 s10, $0x1;
	s10 =	sld [smem:$0x3FB4];
	_ =	sdelay $0x3  }
0x37: {  	[smem:$0x3FB4] =	sst s10  }
0x38: {  	s10 =	sld [smem:$0x3FB5]  }
0x39: {  	_ = 	snop;
	(pc) =	sbr.ind lr, $3  }
0x3a: {  	_ = 	snop  }
0x3b: {  	_ = 	snop  }
0x3c: {  	p2 =	seq.s32 s10, $0x1;
	s10 =	sld [smem:$0x3FB4]  }
0x3d: {  	_ =	shalt  }
0x3e: {  	_ =	shalt  }
0x3f: {  	_ =	shalt  }
0x40: {  	_ =	shalt  }
0x41: {  	_ =	shalt  }
0x42: {  	_ =	shalt  }
0x43: {  	_ =	shalt  }
0x44: {  	_ =	shalt  }
0x45: {  	_ =	shalt  }
0x46: {  	_ =	shalt  }
0x47: {  	_ =	shalt  }
0x48: {  	_ =	shalt  }
0x49: {  	_ =	shalt  }
0x4a: {  	_ =	shalt  }
0x4b: {  	_ =	shalt  }
0x4c: {  	_ =	shalt  }
0x4d: {  	_ =	shalt  }
0x4e: {  	_ =	shalt  }
0x4f: {  	_ =	shalt  }
0x50: {  	_ =	shalt  }
0x51: {  	_ =	shalt  }
0x52: {  	_ =	shalt  }
0x53: {  	_ =	shalt  }
0x54: {  	_ =	shalt  }
0x55: {  	_ =	shalt  }
0x56: {  	_ =	shalt  }
0x57: {  	_ =	shalt  }
0x58: {  	_ =	shalt  }
0x59: {  	_ =	shalt  }
0x5a: {  	_ =	shalt  }
0x5b: {  	_ =	shalt  }
0x5c: {  	_ =	shalt  }
0x5d: {  	_ =	shalt  }
0x5e: {  	_ =	shalt  }
0x5f: {  	_ =	shalt  }
0x60: {  	_ =	shalt  }
0x61: {  	_ =	shalt  }
0x62: {  	_ =	shalt  }
0x63: {  	_ =	shalt  }
0x64: {  	_ =	shalt  }
0x65: {  	_ =	shalt  }
0x66: {  	_ =	shalt  }
0x67: {  	_ =	shalt  }
0x68: {  	_ =	shalt  }
0x69: {  	_ =	shalt  }
0x6a: {  	_ =	shalt  }
0x6b: {  	_ =	shalt  }
0x6c: {  	_ =	shalt  }
0x6d: {  	_ =	shalt  }
0x6e: {  	_ =	shalt  }
0x6f: {  	_ =	shalt  }
0x70: {  	_ =	shalt  }
0x71: {  	_ =	shalt  }
0x72: {  	_ =	shalt  }
0x73: {  	_ =	shalt  }
0x74: {  	_ =	shalt  }
0x75: {  	_ =	shalt  }
0x76: {  	_ =	shalt  }
0x77: {  	_ =	shalt  }
0x78: {  	_ =	shalt  }
0x79: {  	_ =	shalt  }
0x7a: {  	_ =	shalt  }
0x7b: {  	_ =	shalt  }
0x7c: {  	_ =	shalt  }
0x7d: {  	_ =	shalt  }
0x7e: {  	_ =	shalt  }
0x7f: {  	_ =	shalt  }
0x80: {  	_ =	shalt  }
0x81: {  	_ =	shalt  }
0x82: {  	_ =	shalt  }
0x83: {  	_ =	shalt  }
0x84: {  	_ =	shalt  }
0x85: {  	_ =	shalt  }
0x86: {  	_ =	shalt  }
0x87: {  	_ =	shalt  }
.Lfunc_end0:
.L_simem_size_0:
called_computation.3_lowered:
.L_overlay_start_0:
0x88: {  	s2 =	sld [smem:$0x3FD9]  }
0x89: {  	s3 =	sld [smem:$0x3FFE];
	_ =	sdelay $0x1  }
0x8a: {  	s1 =	srdreg.scid  }
0x8b: {  	s0 =	sand.u32 $0x1, s1  }
0x8c: {  	s17 =	sshll.u32 s0, $0xA;
	s2 =	sadd.s32 s3, s2  }
0x8d: {  	s2 =	sadd.s32 s2, s17  }
0x8e: {  	[smem:$0x3FC0] =	sst s2  }
0x8f: {  	_ = 	snop  }
0x90: {  	s2 =	sld [smem:$0x3FD0];
	(tm) =	ssettm $0x1  }
0x91: {  	s18 =	sld [smem:$0x3FFB];
	_ =	sdelay $0x3  }
0x92: {  	_ =	strace s18  }
0x93: {  	s3 =	sld [smem:$0x3FFC];
	_ =	sdelay $0x3  }
0x94: {  	_ =	strace s3  }
0x95: {  	s3 =	sld [smem:$0x3FFD];
	_ =	sdelay $0x3  }
0x96: {  	_ =	strace s3  }
0x97: {  	_ =	strace $0x8FFFFFFF  }
0x98: {  	s19 =	sld [smem:$0x3FDB];
	_ =	sdelay $0x1  }
0x99: {  	s4 =	simm.s32 $_scs_section_size  }
0x9a: {  	s5 =	simm.s32 $_size__tile_overlayer_lowered;
	s6 =	simm.s32 $_tile_overlayer_lowered  }
0x9b: {  	s22 =	simm.s32 $0x1BFF;
	s21 =	sshll.u32 s6, $0x1;
	s3 =	sadd.s32 s4, s19  }
0x9c: {  	s7 =	simm.s32 $0x0;
	s20 =	sshll.u32 s5, $0x1;
	s5 =	sadd.s32 s21, s3  }
0x9d: {  	[timem:s7], [sflag:s22] =	dma.local [hbm:s5], s20  }
0x9e: {  	_ =	swait.ge [sflag:s22], s20  }
0x9f: {  	s4 =	ssub.s32 $0x0, s20;
	[sflag:s22] =	ssyncset.done $0x0  }
0xa0: {  	[sflag:s22] =	ssyncadd.s32 s4;
	_ =	sdelay $0x1  }
0xa1: {  	s23 =	simm.s32 $0x1B8B  }
0xa2: {  	_ =	swait.ge [sflag:s23], $0x1  }
0xa3: {  	[sflag:s23] =	ssyncset.done $0x0  }
0xa4: {  	s25 =	simm.s32 $0x1B8E;
	s24 =	sld [smem:$0x3FFE];
	[sflag:s23] =	ssyncadd.s32 $0xFFFFFFFF  }
0xa5: {  	s26 =	simm.s32 $execute0_lowered;
	[smem:$0x3FD2] =	sst s25  }
0xa6: {  	s5 =	sshll.u32 s26, $0x1;
	_ =	strace $0x8000004F;
	[dreg:$0x1] =	wrdreg $0xFFFFFFFF  }
0xa7: {  	s28 =	simm.s32 $_size_execute0_lowered;
	s3 =	sadd.s32 s3, s5;
	[dreg:$0x0] =	wrdreg $0x0  }
0xa8: {  	s5 =	sshll.u32 s28, $0x1;
	[dreg:$0x2] =	wrdreg s3  }
0xa9: {  	[dreg:$0x3] =	wrdreg s5  }
0xaa: {  	[dreg:$0x4] =	wrdreg $0xC0  }
0xab: {  	_ =	task [dreg:s7], $0x5FFFF  }
0xac: {  	[dreg:$0x1] =	wrdreg $0xFFFFFFFF  }
0xad: {  	[dreg:$0x0] =	wrdreg $0x60  }
0xae: {  	[dreg:$0x2] =	wrdreg s2  }
0xaf: {  	[dreg:$0x3] =	wrdreg s24  }
0xb0: {  	[dreg:$0x4] =	wrdreg $0xA8000  }
0xb1: {  	[dreg:$0x5] =	wrdreg $0x9  }
0xb2: {  	_ =	task.clear_ibuf [dreg:s7], $0x6FFFF;
	_ =	strace $0x9000004F  }
0xb3: {  	s29 =	simm.s32 $0x9;
	_ =	strace $0x80000051  }
0xb4: {  	_ =	swait.ge [sflag:s29], $0x1  }
0xb5: {  	[sflag:s29] =	ssyncadd.s32 $0xFFFFFFFF  }
0xb6: {  	_ =	strace $0x90000051  }
0xb7: {  	_ =	sfence  }
0xb8: {  	s30 =	sld [smem:$0x0];
	_ =	sdelay $0x2  }
0xb9: {  	s31 =	sshll.u32 s1, $0xD;
	s1 =	sshrl.u32 s1, $0x2  }
0xba: {  	s3 =	sand.u32 $0x4000, s31;
	s1 =	sadd.s32 s1, s30  }
0xbb: {  	s0 =	sor.u32 s3, s0;
	s1 =	sshll.u32 s1, $0x11  }
0xbc: {  	s0 =	sor.u32 s1, s0  }
0xbd: {  	s0 =	sadd.s32 $0x8F2B, s0  }
0xbe: {  	[sflag:s0] =	ssyncadd.remote.s32 $0x1  }
0xbf: {  	_ =	sfence.sel $0xFFFF  }
0xc0: {  	[dreg:$0x0] =	wrdreg $0xFFFFFFFF;
	(pc) =	sbr.abs _section_cstart, $3  }
0xc1: {  	[dreg:$0x1] =	wrdreg $0xFFFFFFFF  }
0xc2: {  	_ =	task.clear_ibuf [dreg:s7], $0x2FFFF;
	_ =	strace $0x9FFFFFFF  }
0xc3: {  	(tm) =	ssettm $0x7FFFFFFF  }
tec
execute0_lowered:
.L_overlay_start_1:
0x0: {  	(tag) =	ssettag $0x1  }
0x1: {  	s1 =	rddreg [dreg:$0x0]  }
0x2: {  	s6 =	rddreg [dreg:$0x1]  }
0x3: {  	s3 =	rddreg [dreg:$0x2]  }
0x4: {  	s0 =	rddreg [dreg:$0x3];
	s5 =	srdreg.scid  }
0x5: {  	s2 =	stileid.u32;
	s4 =	simm.s32 $0x0;
	s17 =	simm.s32 $0x3  }
0x6: {  	s18 =	simm.s32 $0x1400;
	s19 =	simm.s32 $0x80;
	s20 =	simm.s32 $0x1  }
0x7: {  	s21 =	simm.s32 $0x6800;
	s22 =	simm.s32 $0x2;
	s23 =	simm.s32 $0x1380  }
0x8: {  	s24 =	simm.s32 $0x2700;
	s25 =	simm.s32 $0x2780;
	s7 =	smul.u32 $0x2780, s2  }
0x9: {  	s5 =	sand.u32 $0x1, s5;
	[smem:$0x7FF] =	sst s4;
	s9 =	smul.u32 $0x4F000, s2  }
0xa: {  	s12 =	sadd.s32 $0x5CE00, s6;
	s13 =	sadd.s32 $0x3E00, s6;
	s8 =	smul.u32 $0x27800, s5  }
0xb: {  	_ =	strace $0x80000050;
	s29 =	sshll.u32 s5, $0x4;
	s10 =	ssub.s32 $0x2, s5  }
0xc: {  	s30 =	sshrl.u32 s9, $0x2;
	s31 =	sshrl.u32 s10, $0x1;
	s7 =	sadd.s32 s7, s8  }
0xd: {  	s8 =	sor.u32 s2, s29;
	s5 =	sadd.s32 s30, s3;
	s15 =	ssub.s32 s10, s31  }
0xe: {  	s11 =	smul.u32 $0x2800, s8;
	s14 =	sadd.s32 s7, s6;
	s6 =	sadd.s32 $0x4000, s5  }
0xf: {  	s7 =	sadd.s32 $0x8000, s5;
	s8 =	sadd.s32 $0xC000, s5;
	s9 =	sadd.s32 $0x10000, s5  }
0x10: {  	s15 =	smax.u32 s15, $0x1;
	s14 =	sadd.s32 $0xDE00, s14;
	s11 =	sshrl.u32 s11, $0x3  }
0x11: {  	s10 =	sadd.s32 s12, s11;
	s16 =	sadd.s32 $0x280, s11;
	s11 =	sadd.s32 s13, s11  }
0x12: {  	v0 =	vimm.f32 $0.0e+00;
	s12 =	sadd.s32 s12, s16;
	s13 =	sadd.s32 s13, s16;
	s16 =	simm.s32 $0x2800  }
.LBB2_1:
0x13: {  	s26 =	simm.s32 $0x0;
	s28 =	simm.s32 $0x200  }
.LBB2_2:
0x14: {  	p0 =	sne.s32 s28, $0xFE00;
	[tilespmem:s26+$0x2870] =	vst v0  }
0x15: {  	[tilespmem:s26+$0x2800] =	vst v0  }
0x16: {  	[tilespmem:s26+$0x2810] =	vst v0  }
.Ltmp0:
0x17: {  	[tilespmem:s26+$0x2820] =	vst v0;
	(pc) =	sbr.rel @p0 .LBB2_2-.Ltmp0, $4  }
0x18: {  	[tilespmem:s26+$0x2830] =	vst v0  }
0x19: {  	[tilespmem:s26+$0x2840] =	vst v0  }
0x1a: {  	[tilespmem:s26+$0x2850] =	vst v0  }
0x1b: {  	[tilespmem:s26+$0x2860] =	vst v0;
	s26 =	sshra.s32 s28, $0x2;
	s28 =	sadd.s32 $0x200, s28  }
0x1c: {  	[tilespmem:s26+$0x2870] =	vst v0  }
0x1d: {  	[tilespmem:s26+$0x2800] =	vst v0  }
0x1e: {  	[tilespmem:s26+$0x2810] =	vst v0  }
0x1f: {  	[tilespmem:s26+$0x2820] =	vst v0  }
0x20: {  	[tilespmem:s26+$0x2830] =	vst v0  }
0x21: {  	[tilespmem:s26+$0x2840] =	vst v0  }
0x22: {  	[tilespmem:s26+$0x2850] =	vst v0  }
0x23: {  	[tilespmem:s26+$0x2860] =	vst v0  }
0x24: {  	[spmem:s5] =	stream.linear.scatter [tilespmem:s16], [sflag:$0x3], $0x4000, $0x38;
	[tilespmem:$0x1E400] =	vst v63  }
0x25: {  	_ =	swait.ge [sflag:s17], $0x4000  }
0x26: {  	[sflag:s17] =	ssyncset.done $0x0  }
0x27: {  	[sflag:s17] =	ssyncadd.s32 $0xFFFFC000  }
0x28: {  	[spmem:s6] =	stream.linear.scatter [tilespmem:s16], [sflag:$0x3], $0x4000, $0x38;
	[tilespmem:$0x1E400] =	vst v63  }
0x29: {  	_ =	swait.ge [sflag:s17], $0x4000  }
0x2a: {  	[sflag:s17] =	ssyncset.done $0x0  }
0x2b: {  	[sflag:s17] =	ssyncadd.s32 $0xFFFFC000  }
0x2c: {  	[spmem:s7] =	stream.linear.scatter [tilespmem:s16], [sflag:$0x3], $0x4000, $0x38;
	[tilespmem:$0x1E400] =	vst v63  }
0x2d: {  	_ =	swait.ge [sflag:s17], $0x4000  }
0x2e: {  	[sflag:s17] =	ssyncset.done $0x0  }
0x2f: {  	[sflag:s17] =	ssyncadd.s32 $0xFFFFC000  }
0x30: {  	[spmem:s8] =	stream.linear.scatter [tilespmem:s16], [sflag:$0x3], $0x4000, $0x38;
	[tilespmem:$0x1E400] =	vst v63  }
0x31: {  	_ =	swait.ge [sflag:s17], $0x4000  }
0x32: {  	[sflag:s17] =	ssyncset.done $0x0  }
0x33: {  	[sflag:s17] =	ssyncadd.s32 $0xFFFFC000  }
0x34: {  	[spmem:s9] =	stream.linear.scatter [tilespmem:s16], [sflag:$0x3], $0x3C00, $0x38;
	[tilespmem:$0x1E400] =	vst v63  }
0x35: {  	_ =	swait.ge [sflag:s17], $0x3C00  }
0x36: {  	[sflag:s17] =	ssyncset.done $0x0  }
0x37: {  	[sflag:s17] =	ssyncadd.s32 $0xFFFFC400  }
0x38: {  	s31 =	simm.s32 $0x0;
	[bflag:$0x0] =	sbarrier.arrive $0xFFFF  }
0x39: {  	[tilespmem:s31], [sflag:$0x3] =	stream.linear.gather [hbm4b:s10+s31], $0x1400, $0x38;
	[tilespmem:$0x1E400] =	vst v63  }
0x3a: {  	_ =	swait.ge [sflag:s17], $0x1400  }
0x3b: {  	[sflag:s17] =	ssyncset.done $0x0  }
0x3c: {  	[sflag:s17] =	ssyncadd.s32 $0xFFFFEC00  }
0x3d: {  	[tilespmem:s18], [sflag:$0x3] =	stream.linear.gather [hbm4b:s11+s31], $0x1400, $0x38;
	[tilespmem:$0x1E400] =	vst v63  }
0x3e: {  	_ =	swait.ge [sflag:s17], $0x1400  }
0x3f: {  	[sflag:s17] =	ssyncset.done $0x0  }
0x40: {  	[sflag:s17] =	ssyncadd.s32 $0xFFFFEC00  }
0x41: {  	[tilespmem:s16], [sflag:$0x1] =	stream.indirect.gather [hbm4b:s1+s19], $0x80, s31, s19, $0xb8;
	[tilespmem:$0x1E400] =	vst v63  }
0x42: {  	_ =	swait.ge [sflag:s20], $0x4000  }
0x43: {  	[sflag:s20] =	ssyncset.done $0x0  }
0x44: {  	s28 =	simm.s32 $0x80;
	[sflag:s20] =	ssyncadd.s32 $0xFFFFC000  }
0x45: {  	[tilespmem:s21], [sflag:$0x2] =	stream.indirect.gather [hbm4b:s1+s19], $0x80, s28, s19, $0xb8;
	[tilespmem:$0x1E400] =	vst v63  }
0x46: {  	s29 =	simm.s32 $0x1400  }
0x47: {  	[spmem:s3] =	stream.indirect.scatter.add.f32 [tilespmem:s16], [sflag:$0x3], $0x80, s29, s19, $0xb8;
	[tilespmem:$0x1E400] =	vst v63  }
0x48: {  	_ =	swait.ge [sflag:s17], $0x4000  }
0x49: {  	[sflag:s17] =	ssyncset.done $0x0  }
0x4a: {  	[sflag:s17] =	ssyncadd.s32 $0xFFFFC000  }
0x4b: {  	_ =	swait.ge [sflag:s22], $0x4000  }
0x4c: {  	[sflag:s22] =	ssyncset.done $0x0  }
0x4d: {  	s30 =	simm.s32 $0x100;
	[sflag:s22] =	ssyncadd.s32 $0xFFFFC000  }
0x4e: {  	[tilespmem:s16], [sflag:$0x1] =	stream.indirect.gather [hbm4b:s1+s19], $0x80, s30, s19, $0xb8;
	[tilespmem:$0x1E400] =	vst v63  }
0x4f: {  	s31 =	simm.s32 $0x1480  }
0x50: {  	[spmem:s3] =	stream.indirect.scatter.add.f32 [tilespmem:s21], [sflag:$0x3], $0x80, s31, s19, $0xb8;
	[tilespmem:$0x1E400] =	vst v63  }
0x51: {  	_ =	swait.ge [sflag:s17], $0x4000  }
0x52: {  	s26 =	simm.s32 $0x400;
	[sflag:s17] =	ssyncset.done $0x0  }
.LBB2_4:
0x53: {  	p0 =	sne.s32 s26, $0x4800  }
0x54: {  	[sflag:s17] =	ssyncadd.s32 $0xFFFFC000;
	s28 =	smov.u32 s26;
	s26 =	sadd.s32 $0x400, s26  }
0x55: {  	_ = 	snop  }
0x56: {  	_ =	swait.ge [sflag:s20], $0x4000  }
0x57: {  	s28 =	sshra.s32 s28, $0x2;
	[sflag:s20] =	ssyncset.done $0x0  }
0x58: {  	s29 =	sadd.s32 $0x80, s28;
	[sflag:s20] =	ssyncadd.s32 $0xFFFFC000  }
0x59: {  	[tilespmem:s21], [sflag:$0x2] =	stream.indirect.gather [hbm4b:s1+s19], $0x80, s29, s19, $0xb8;
	[tilespmem:$0x1E400] =	vst v63  }
0x5a: {  	s29 =	sadd.s32 $0x1400, s28  }
0x5b: {  	[spmem:s3] =	stream.indirect.scatter.add.f32 [tilespmem:s16], [sflag:$0x3], $0x80, s29, s19, $0xb8;
	[tilespmem:$0x1E400] =	vst v63  }
0x5c: {  	_ =	swait.ge [sflag:s17], $0x4000  }
0x5d: {  	[sflag:s17] =	ssyncset.done $0x0  }
0x5e: {  	[sflag:s17] =	ssyncadd.s32 $0xFFFFC000  }
0x5f: {  	_ =	swait.ge [sflag:s22], $0x4000  }
0x60: {  	[sflag:s22] =	ssyncset.done $0x0  }
0x61: {  	s29 =	sadd.s32 $0x100, s28;
	[sflag:s22] =	ssyncadd.s32 $0xFFFFC000  }
0x62: {  	[tilespmem:s16], [sflag:$0x1] =	stream.indirect.gather [hbm4b:s1+s19], $0x80, s29, s19, $0xb8;
	[tilespmem:$0x1E400] =	vst v63  }
.Ltmp1:
0x63: {  	_ = 	snop;
	(pc) =	sbr.rel @p0 .LBB2_4-.Ltmp1, $4  }
0x64: {  	s28 =	sadd.s32 $0x1480, s28  }
0x65: {  	[spmem:s3] =	stream.indirect.scatter.add.f32 [tilespmem:s21], [sflag:$0x3], $0x80, s28, s19, $0xb8;
	[tilespmem:$0x1E400] =	vst v63  }
0x66: {  	_ =	swait.ge [sflag:s17], $0x4000  }
0x67: {  	[sflag:s17] =	ssyncset.done $0x0  }
0x68: {  	[sflag:s17] =	ssyncadd.s32 $0xFFFFC000  }
0x69: {  	_ =	swait.ge [sflag:s20], $0x4000  }
0x6a: {  	[sflag:s20] =	ssyncset.done $0x0  }
0x6b: {  	[sflag:s20] =	ssyncadd.s32 $0xFFFFC000  }
0x6c: {  	[tilespmem:s21], [sflag:$0x2] =	stream.indirect.gather [hbm4b:s1+s19], $0x80, s23, s19, $0xb8;
	[tilespmem:$0x1E400] =	vst v63  }
0x6d: {  	_ = 	snop  }
0x6e: {  	[spmem:s3] =	stream.indirect.scatter.add.f32 [tilespmem:s16], [sflag:$0x3], $0x80, s24, s19, $0xb8;
	[tilespmem:$0x1E400] =	vst v63  }
0x6f: {  	_ =	swait.ge [sflag:s17], $0x4000  }
0x70: {  	[sflag:s17] =	ssyncset.done $0x0  }
0x71: {  	[sflag:s17] =	ssyncadd.s32 $0xFFFFC000  }
0x72: {  	_ =	swait.ge [sflag:s22], $0x4000  }
0x73: {  	[sflag:s22] =	ssyncset.done $0x0  }
0x74: {  	[sflag:s22] =	ssyncadd.s32 $0xFFFFC000  }
0x75: {  	[spmem:s3] =	stream.indirect.scatter.add.f32 [tilespmem:s21], [sflag:$0x3], $0x80, s25, s19, $0xb8;
	[tilespmem:$0x1E400] =	vst v63  }
0x76: {  	_ =	swait.ge [sflag:s17], $0x4000  }
0x77: {  	[sflag:s17] =	ssyncset.done $0x0  }
0x78: {  	s26 =	simm.s32 $0x0;
	[sflag:s17] =	ssyncadd.s32 $0xFFFFC000  }
0x79: {  	[tilespmem:s26], [sflag:$0x3] =	stream.linear.gather [hbm4b:s12+s26], $0x1400, $0x38;
	[tilespmem:$0x1E400] =	vst v63  }
0x7a: {  	_ =	swait.ge [sflag:s17], $0x1400  }
0x7b: {  	[sflag:s17] =	ssyncset.done $0x0  }
0x7c: {  	[sflag:s17] =	ssyncadd.s32 $0xFFFFEC00  }
0x7d: {  	[tilespmem:s18], [sflag:$0x3] =	stream.linear.gather [hbm4b:s13+s26], $0x1400, $0x38;
	[tilespmem:$0x1E400] =	vst v63  }
0x7e: {  	_ =	swait.ge [sflag:s17], $0x1400  }
0x7f: {  	[sflag:s17] =	ssyncset.done $0x0  }
0x80: {  	[sflag:s17] =	ssyncadd.s32 $0xFFFFEC00  }
0x81: {  	[tilespmem:s16], [sflag:$0x1] =	stream.indirect.gather [hbm4b:s1+s19], $0x80, s26, s19, $0xb8;
	[tilespmem:$0x1E400] =	vst v63  }
0x82: {  	_ =	swait.ge [sflag:s20], $0x4000  }
0x83: {  	[sflag:s20] =	ssyncset.done $0x0  }
0x84: {  	s28 =	simm.s32 $0x80;
	[sflag:s20] =	ssyncadd.s32 $0xFFFFC000  }
0x85: {  	[tilespmem:s21], [sflag:$0x2] =	stream.indirect.gather [hbm4b:s1+s19], $0x80, s28, s19, $0xb8;
	[tilespmem:$0x1E400] =	vst v63  }
0x86: {  	s29 =	simm.s32 $0x1400  }
0x87: {  	[spmem:s3] =	stream.indirect.scatter.add.f32 [tilespmem:s16], [sflag:$0x3], $0x80, s29, s19, $0xb8;
	[tilespmem:$0x1E400] =	vst v63  }
0x88: {  	_ =	swait.ge [sflag:s17], $0x4000  }
0x89: {  	[sflag:s17] =	ssyncset.done $0x0  }
0x8a: {  	[sflag:s17] =	ssyncadd.s32 $0xFFFFC000  }
0x8b: {  	_ =	swait.ge [sflag:s22], $0x4000  }
0x8c: {  	[sflag:s22] =	ssyncset.done $0x0  }
0x8d: {  	s30 =	simm.s32 $0x100;
	[sflag:s22] =	ssyncadd.s32 $0xFFFFC000  }
0x8e: {  	[tilespmem:s16], [sflag:$0x1] =	stream.indirect.gather [hbm4b:s1+s19], $0x80, s30, s19, $0xb8;
	[tilespmem:$0x1E400] =	vst v63  }
0x8f: {  	s31 =	simm.s32 $0x1480  }
0x90: {  	[spmem:s3] =	stream.indirect.scatter.add.f32 [tilespmem:s21], [sflag:$0x3], $0x80, s31, s19, $0xb8;
	[tilespmem:$0x1E400] =	vst v63  }
0x91: {  	_ =	swait.ge [sflag:s17], $0x4000  }
0x92: {  	s26 =	simm.s32 $0x400;
	[sflag:s17] =	ssyncset.done $0x0  }
.LBB2_6:
0x93: {  	p0 =	sne.s32 s26, $0x4800  }
0x94: {  	[sflag:s17] =	ssyncadd.s32 $0xFFFFC000;
	s28 =	smov.u32 s26;
	s26 =	sadd.s32 $0x400, s26  }
0x95: {  	_ = 	snop  }
0x96: {  	_ =	swait.ge [sflag:s20], $0x4000  }
0x97: {  	s28 =	sshra.s32 s28, $0x2;
	[sflag:s20] =	ssyncset.done $0x0  }
0x98: {  	s29 =	sadd.s32 $0x80, s28;
	[sflag:s20] =	ssyncadd.s32 $0xFFFFC000  }
0x99: {  	[tilespmem:s21], [sflag:$0x2] =	stream.indirect.gather [hbm4b:s1+s19], $0x80, s29, s19, $0xb8;
	[tilespmem:$0x1E400] =	vst v63  }
0x9a: {  	s29 =	sadd.s32 $0x1400, s28  }
0x9b: {  	[spmem:s3] =	stream.indirect.scatter.add.f32 [tilespmem:s16], [sflag:$0x3], $0x80, s29, s19, $0xb8;
	[tilespmem:$0x1E400] =	vst v63  }
0x9c: {  	_ =	swait.ge [sflag:s17], $0x4000  }
0x9d: {  	[sflag:s17] =	ssyncset.done $0x0  }
0x9e: {  	[sflag:s17] =	ssyncadd.s32 $0xFFFFC000  }
0x9f: {  	_ =	swait.ge [sflag:s22], $0x4000  }
0xa0: {  	[sflag:s22] =	ssyncset.done $0x0  }
0xa1: {  	s29 =	sadd.s32 $0x100, s28;
	[sflag:s22] =	ssyncadd.s32 $0xFFFFC000  }
0xa2: {  	[tilespmem:s16], [sflag:$0x1] =	stream.indirect.gather [hbm4b:s1+s19], $0x80, s29, s19, $0xb8;
	[tilespmem:$0x1E400] =	vst v63  }
.Ltmp2:
0xa3: {  	_ = 	snop;
	(pc) =	sbr.rel @p0 .LBB2_6-.Ltmp2, $4  }
0xa4: {  	s28 =	sadd.s32 $0x1480, s28  }
0xa5: {  	[spmem:s3] =	stream.indirect.scatter.add.f32 [tilespmem:s21], [sflag:$0x3], $0x80, s28, s19, $0xb8;
	[tilespmem:$0x1E400] =	vst v63  }
0xa6: {  	_ =	swait.ge [sflag:s17], $0x4000  }
0xa7: {  	[sflag:s17] =	ssyncset.done $0x0  }
0xa8: {  	[sflag:s17] =	ssyncadd.s32 $0xFFFFC000  }
0xa9: {  	_ =	swait.ge [sflag:s20], $0x4000  }
0xaa: {  	[sflag:s20] =	ssyncset.done $0x0  }
0xab: {  	[sflag:s20] =	ssyncadd.s32 $0xFFFFC000  }
0xac: {  	[tilespmem:s21], [sflag:$0x2] =	stream.indirect.gather [hbm4b:s1+s19], $0x80, s23, s19, $0xb8;
	[tilespmem:$0x1E400] =	vst v63  }
0xad: {  	_ = 	snop  }
0xae: {  	[spmem:s3] =	stream.indirect.scatter.add.f32 [tilespmem:s16], [sflag:$0x3], $0x80, s24, s19, $0xb8;
	[tilespmem:$0x1E400] =	vst v63  }
0xaf: {  	_ =	swait.ge [sflag:s17], $0x4000  }
0xb0: {  	[sflag:s17] =	ssyncset.done $0x0  }
0xb1: {  	[sflag:s17] =	ssyncadd.s32 $0xFFFFC000  }
0xb2: {  	_ =	swait.ge [sflag:s22], $0x4000  }
0xb3: {  	[sflag:s22] =	ssyncset.done $0x0  }
0xb4: {  	[sflag:s22] =	ssyncadd.s32 $0xFFFFC000  }
0xb5: {  	[spmem:s3] =	stream.indirect.scatter.add.f32 [tilespmem:s21], [sflag:$0x3], $0x80, s25, s19, $0xb8;
	[tilespmem:$0x1E400] =	vst v63  }
0xb6: {  	_ =	swait.ge [sflag:s17], $0x4000  }
0xb7: {  	s26 =	sshll.u32 s2, $0x6;
	s4 =	sadd.s32 $0x1, s4;
	[sflag:s17] =	ssyncset.done $0x0  }
0xb8: {  	s28 =	sshrl.u32 s5, $0x3;
	p0 =	sne.s32 s4, s15;
	[sflag:s17] =	ssyncadd.s32 $0xFFFFC000  }
.Ltmp3:
0xb9: {  	s26 =	sor.u32 $0x1C03, s26;
	[bflag:$0x0] =	sbarrier.arrive $0xFFFF;
	(pc) =	sbr.rel @p0 .LBB2_1-.Ltmp3, $4  }
0xba: {  	[hbm:s14], [sflag:s26] =	dma.local [spmem:s28], $0x2780  }
0xbb: {  	_ =	swait.ge [sflag:s17], $0x2780  }
0xbc: {  	[sflag:s17] =	ssyncset.done $0x0  }
0xbd: {  	[sflag:s17] =	ssyncadd.s32 $0xFFFFD880  }
0xbe: {  	_ =	sfence.sel $0x180000  }
0xbf: {  	[bflag:$0x0] =	sbarrier.arrive $0xFFFF  }
0xc0: {  	p0 =	sne.s32 s2, $0x0;
	_ =	strace $0x90000050  }
0xc1: {  	s0 =	sadd.s32 @!p0 $0x100000, s0;
	[bflag:$0x2] =	sbarrier.arrive $0xFFFF  }
0xc2: {  	[sflag:s0] =	ssyncadd.tile.s32 @!p0 $0x1;
	_ =	shalt  }
.Lfunc_end2:
_tile_overlayer_lowered:
.L_overlay_start_2:
0xc3: {  	(tag) =	ssettag $0x2  }
0xc4: {  	s0 =	rddreg [dreg:$0x0];
	s2 =	stileid.u32  }
0xc5: {  	s1 =	rddreg [dreg:$0x1];
	p0 =	sne.s32 s2, $0x0  }
0xc6: {  	s3 =	rddreg [dreg:$0x2];
	[bflag:$0x3] =	sbarrier.arrive $0xFFFF;
	s2 =	simm.s32 @!p0 $0x1C03  }
0xc7: {  	[timem:s3], [sflag:s2] =	dma.local @!p0 [hbm:s0], s1  }
0xc8: {  	s0 =	simm.s32 @!p0 $0x3  }
0xc9: {  	_ =	swait.ge @!p0 [sflag:s0], s1  }
0xca: {  	s1 =	ssub.s32 @!p0 $0x0, s1;
	[sflag:s0] =	ssyncset.done @!p0 $0x0  }
0xcb: {  	[sflag:s0] =	ssyncadd.s32 @!p0 s1  }
0xcc: {  	[bflag:$0x3] =	sbarrier.arrive $0xFFFF  }
0xcd: {  	_ =	shalt  }

</sc_bundles>
